<compile_context>
chip_gen: v7x
topology: tpu7x:2x2x1
jax: 0.10.2.dev20260603
libtpu: 0.0.44.dev20260713+nightly
codegen_flags: <defaults>
</compile_context>

<pallas_src>
import functools

import jax
import jax.numpy as jnp
from jax import lax
from jax.experimental import pallas as pl
from jax.experimental.pallas import tpu as pltpu
from jax.experimental.pallas import tpu_sc as plsc

N = 10000
D = 128
E = 320000

NC = 2
NS = 16
L = 16

NPAD = 12288
HALF = NPAD // NC
NT = HALF // NS
NTV = NT // L
ECHUNK = E // NS
EV = ECHUNK // L
CHP = 20096

_PART_ROWS = (N - HALF) % NT

_MESH = plsc.VectorSubcoreMesh(core_axis_name="c", subcore_axis_name="s")


def _rsqrt_f32(d):
    xi = lax.bitcast_convert_type(d, jnp.int32)
    yi = jnp.int32(0x5F3759DF) - (xi >> 1)
    y = lax.bitcast_convert_type(yi, jnp.float32)
    for _ in range(3):
        y = y * (1.5 - 0.5 * d * y * y)
    return y


@functools.partial(
    pl.kernel,
    out_type=(
        jax.ShapeDtypeStruct((NPAD,), jnp.float32),
        jax.ShapeDtypeStruct((NPAD,), jnp.float32),
    ),
    mesh=_MESH,
    scratch_types=[
        pltpu.VMEM((2, CHP), jnp.int32),
        pltpu.VMEM((HALF,), jnp.float32),
        pltpu.VMEM((NS * NT,), jnp.float32),
        pltpu.VMEM((NT, D), jnp.float32),
        pltpu.VMEM((NPAD,), jnp.float32),
        pltpu.VMEM((D,), jnp.float32),
        pltpu.VMEM((NT,), jnp.float32),
        pltpu.VMEM((NT,), jnp.float32),
        pltpu.VMEM((NT,), jnp.float32),
        pltpu.VMEM((NT,), jnp.float32),
        pltpu.VMEM((L,), jnp.float32),
        pltpu.VMEM_SHARED((NS * HALF,), jnp.float32),
        pltpu.SemaphoreType.DMA,
        pltpu.SemaphoreType.DMA,
        pltpu.SemaphoreType.DMA,
        pltpu.SemaphoreType.REGULAR,
    ],
    compiler_params=pltpu.CompilerParams(needs_layout_passes=False,
                                         use_tc_tiling_on_sc=True),
)
def _sc_gcn(x_hbm, w_hbm, ei_hbm, b_hbm, out_hbm, g_hbm,
            ev2, hist, red, xsl, gv, wsl, hsl, gsl, dsl, osl, bv,
            shared, semx, seme, semc, semg):
    c = lax.axis_index("c")
    s = lax.axis_index("s")
    base = c * HALF
    row0 = base + s * NT
    a0 = (s * ECHUNK) // 128 * 128
    off = s * ECHUNK - a0

    full = row0 + NT <= N
    part = jnp.logical_not(full) & (row0 < N)

    @pl.when(full)
    def _():
        pltpu.async_copy(x_hbm.at[pl.ds(row0, NT), :], xsl, semx)

    @pl.when(part)
    def _():
        pltpu.async_copy(x_hbm.at[pl.ds(row0, _PART_ROWS), :],
                         xsl.at[pl.ds(0, _PART_ROWS), :], semx)

    pltpu.async_copy(ei_hbm.at[:, pl.ds(a0, CHP)], ev2, seme)
    pltpu.sync_copy(w_hbm, wsl)
    pltpu.sync_copy(b_hbm, bv)

    zero16 = jnp.zeros((L,), jnp.float32)

    @plsc.parallel_loop(0, HALF // L, unroll=8)
    def _(i):
        hist[pl.ds(i * L, L)] = zero16

    pltpu.make_async_copy(ei_hbm.at[:, pl.ds(a0, CHP)], ev2, seme).wait()
    ones = jnp.ones((L,), jnp.float32)

    @plsc.parallel_loop(0, EV, unroll=4)
    def _(i):
        cols = ev2[1, pl.ds(off + i * L, L)]
        loc = cols - base
        m = lax.bitcast_convert_type(loc, jnp.uint32) < jnp.uint32(HALF)
        plsc.addupdate_scatter(hist, [loc], ones, mask=m)

    pltpu.async_copy(hist, shared.at[pl.ds(s * HALF, HALF)], semc)

    @pl.when(full)
    def _():
        pltpu.make_async_copy(x_hbm.at[pl.ds(row0, NT), :], xsl, semx).wait()

    @pl.when(part)
    def _():
        pltpu.make_async_copy(x_hbm.at[pl.ds(row0, _PART_ROWS), :],
                              xsl.at[pl.ds(0, _PART_ROWS), :], semx).wait()

    lanes = lax.iota(jnp.int32, L)
    wvecs = [wsl[pl.ds(k * L, L)] for k in range(D // L)]

    @plsc.parallel_loop(0, NT, unroll=2)
    def _(r):
        a0 = xsl[r, pl.ds(0, L)] * wvecs[0]
        a1 = xsl[r, pl.ds(L, L)] * wvecs[1]
        for k in range(2, D // L, 2):
            a0 = a0 + xsl[r, pl.ds(k * L, L)] * wvecs[k]
            a1 = a1 + xsl[r, pl.ds((k + 1) * L, L)] * wvecs[k + 1]
        red[pl.ds(r * L, L)] = plsc.cumsum(a0 + a1)

    @plsc.parallel_loop(0, NTV)
    def _(j):
        idx = (lanes + j * L) * L + (L - 1)
        hsl[pl.ds(j * L, L)] = plsc.load_gather(red, [idx])

    pltpu.make_async_copy(hist, shared.at[pl.ds(s * HALF, HALF)], semc).wait()
    plsc.subcore_barrier()
    for t in range(NS):
        pltpu.async_copy(shared.at[pl.ds(t * HALF + s * NT, NT)],
                         red.at[pl.ds(t * NT, NT)], semc)
    for t in range(NS):
        pltpu.make_async_copy(shared.at[pl.ds(t * HALF + s * NT, NT)],
                              red.at[pl.ds(t * NT, NT)], semc).wait()

    @plsc.parallel_loop(0, NTV)
    def _(j):
        acc = red[pl.ds(j * L, L)]
        for t in range(1, NS):
            acc = acc + red[pl.ds(t * NT + j * L, L)]
        d = acc + 1.0
        y = _rsqrt_f32(d)
        dsl[pl.ds(j * L, L)] = y
        gsl[pl.ds(j * L, L)] = y * hsl[pl.ds(j * L, L)]

    pltpu.sync_copy(gsl, g_hbm.at[pl.ds(row0, NT)])

    plsc.subcore_barrier()

    @pl.when(s == 0)
    def _():
        pltpu.semaphore_signal(semg, 1, core_index=1 - c)
        pl.semaphore_wait(semg, 1)

    plsc.subcore_barrier()

    pltpu.async_copy(g_hbm, gv, semx)

    @plsc.parallel_loop(0, HALF // L, unroll=8)
    def _(i):
        hist[pl.ds(i * L, L)] = zero16

    pltpu.make_async_copy(g_hbm, gv, semx).wait()

    @plsc.parallel_loop(0, EV, unroll=4)
    def _(i):
        rows = ev2[0, pl.ds(off + i * L, L)]
        cols = ev2[1, pl.ds(off + i * L, L)]
        gvals = plsc.load_gather(gv, [rows])
        loc = cols - base
        m = lax.bitcast_convert_type(loc, jnp.uint32) < jnp.uint32(HALF)
        plsc.addupdate_scatter(hist, [loc], gvals, mask=m)

    pltpu.sync_copy(hist, shared.at[pl.ds(s * HALF, HALF)])
    plsc.subcore_barrier()
    for t in range(NS):
        pltpu.async_copy(shared.at[pl.ds(t * HALF + s * NT, NT)],
                         red.at[pl.ds(t * NT, NT)], semc)
    for t in range(NS):
        pltpu.make_async_copy(shared.at[pl.ds(t * HALF + s * NT, NT)],
                              red.at[pl.ds(t * NT, NT)], semc).wait()

    bval = bv[pl.ds(0, L)]

    @plsc.parallel_loop(0, NTV)
    def _(j):
        acc = red[pl.ds(j * L, L)]
        for t in range(1, NS):
            acc = acc + red[pl.ds(t * NT + j * L, L)]
        y = dsl[pl.ds(j * L, L)]
        o = y * acc + y * gsl[pl.ds(j * L, L)] + bval
        osl[pl.ds(j * L, L)] = jnp.maximum(o, 0.0)

    pltpu.sync_copy(osl, out_hbm.at[pl.ds(row0, NT)])


@jax.jit
def kernel(x, edge_index, W, b):
    ei = edge_index.astype(jnp.int32)
    w1 = W.astype(jnp.float32).reshape(D)
    b16 = jnp.broadcast_to(b.astype(jnp.float32).reshape(1), (L,))

    out_pad, _ = _sc_gcn(x, w1, ei, b16)
    return out_pad[:N].reshape(N, 1)

# --- scband reference (transcript-rebuilt; emitter-appended) ---
"""Pipeline reference for scband-one-layer-gcn-63969242906880 (READ-ONLY COPY).

The authoritative reference and input builder live on the scoring server;
editing this copy changes nothing except your own understanding.
"""

import jax, jax.numpy as jnp
import numpy as np

N_NODES = 10000
D_FEAT = 128
N_EDGES = 320000


def setup_inputs(seed: int = 0) -> dict:
    key = jax.random.key(seed)
    k1, k2, k3 = jax.random.split(key, 3)
    x = jax.random.normal(k1, (N_NODES, D_FEAT), dtype=jnp.float32)
    edge_index = jax.random.randint(k2, (2, N_EDGES), 0, N_NODES, dtype=jnp.int64)
    # GCNConv(embedding_dim=128, out_channels=1) parameters
    fan_in, fan_out = D_FEAT, 1
    limit = float(np.sqrt(6.0 / (fan_in + fan_out)))  # glorot
    W = jax.random.uniform(k3, (D_FEAT, 1), dtype=jnp.float32, minval=-limit, maxval=limit)
    b = jnp.zeros((1,), dtype=jnp.float32)
    return {"x": x, "edge_index": edge_index, "W": W, "b": b}


def reference(x, edge_index, W, b):
    # one_layer_gcn forward (batch_norm=False):
    #   x = GCNConv(x, edge_index); x = relu(x)
    # GCNConv: out = D^{-1/2} (A + I) D^{-1/2} (X W) + b
    N = x.shape[0]
    row = edge_index[0]
    col = edge_index[1]
    # add self-loops
    loop = jnp.arange(N, dtype=edge_index.dtype)
    row = jnp.concatenate([row, loop])
    col = jnp.concatenate([col, loop])
    # symmetric normalization
    deg = jnp.zeros((N,), dtype=jnp.float32).at[col].add(1.0)
    deg_inv_sqrt = jnp.where(deg > 0, jax.lax.rsqrt(jnp.maximum(deg, 1e-12)), 0.0)
    norm = deg_inv_sqrt[row] * deg_inv_sqrt[col]
    # linear transform (to out_channels=1) then propagate
    h = x @ W  # [N, 1]
    msg = norm[:, None] * jnp.take(h, row, axis=0)  # gather sources
    agg = jnp.zeros((N, 1), dtype=jnp.float32).at[col].add(msg)  # scatter-add at dst
    out = agg + b
    return jax.nn.relu(out)

if __name__ == "__main__":
    import jax
    _d = setup_inputs()
    print(jax.jit(kernel)(*tuple(_d.values())))

</pallas_src>

<mosaic_0001>
#map = affine_map<(d0, d1) -> (0, 0)>
#map1 = affine_map<(d0, d1) -> (0)>
module attributes {stable_mosaic.version = 14 : i64} {
  func.func @_sc_gcn(%arg0: i32, %arg1: i32, %arg2: memref<10000x128xf32, #tpu.memory_space<hbm>>, %arg3: memref<128xf32, #tpu.memory_space<hbm>>, %arg4: memref<2x320000xi32, #tpu.memory_space<hbm>>, %arg5: memref<16xf32, #tpu.memory_space<hbm>>, %arg6: memref<12288xf32, #tpu.memory_space<hbm>>, %arg7: memref<12288xf32, #tpu.memory_space<hbm>>, %arg8: memref<2x20096xi32, #tpu.memory_space<vmem>>, %arg9: memref<6144xf32, #tpu.memory_space<vmem>>, %arg10: memref<6144xf32, #tpu.memory_space<vmem>>, %arg11: memref<384x128xf32, #tpu.memory_space<vmem>>, %arg12: memref<12288xf32, #tpu.memory_space<vmem>>, %arg13: memref<128xf32, #tpu.memory_space<vmem>>, %arg14: memref<384xf32, #tpu.memory_space<vmem>>, %arg15: memref<384xf32, #tpu.memory_space<vmem>>, %arg16: memref<384xf32, #tpu.memory_space<vmem>>, %arg17: memref<384xf32, #tpu.memory_space<vmem>>, %arg18: memref<16xf32, #tpu.memory_space<vmem>>, %arg19: memref<98304xf32, #tpu.memory_space<vmem_shared>>, %arg20: memref<!tpu.dma_semaphore, #tpu.memory_space<semaphore_mem>>, %arg21: memref<!tpu.dma_semaphore, #tpu.memory_space<semaphore_mem>>, %arg22: memref<!tpu.dma_semaphore, #tpu.memory_space<semaphore_mem>>, %arg23: memref<!tpu.semaphore, #tpu.memory_space<semaphore_mem>>) attributes {dimension_semantics = [#tpu.dimension_semantics<core_parallel>, #tpu.dimension_semantics<subcore_parallel>], iteration_bounds = array<i64: 2, 16>, scalar_prefetch = 0 : i64, scratch_operands = 16 : i64, tpu.core_type = #tpu.core_type<sc_vector_subcore>, window_params = [{transform_indices = #map}, {transform_indices = #map1}, {transform_indices = #map}, {transform_indices = #map1}, {transform_indices = #map1}, {transform_indices = #map1}]} {
    %mul3A = arith.constant 6144 : i32
    %mul3A_0 = arith.muli %arg0, %mul3A : i32
    %mul3A_1 = arith.constant 384 : i32
    %mul3A_2 = arith.muli %arg1, %mul3A_1 : i32
    %add3A = arith.addi %mul3A_0, %mul3A_2 : i32
    %mul3A_3 = arith.constant 20000 : i32
    %mul3A_4 = arith.muli %arg1, %mul3A_3 : i32
    %jit3A = arith.constant 128 : i32
    %div3A = arith.divsi %mul3A_4, %jit3A : i32
    %sign3A = arith.constant 0 : i32
    %sign3A_5 = arith.cmpi sgt, %mul3A_4, %sign3A : i32
    %sign3A_6 = arith.extui %sign3A_5 : i1 to i32
    %sign3A_7 = arith.constant 0 : i32
    %sign3A_8 = arith.cmpi slt, %mul3A_4, %sign3A_7 : i32
    %sign3A_9 = arith.extui %sign3A_8 : i1 to i32
    %sign3A_10 = arith.subi %sign3A_6, %sign3A_9 : i32
    %sign3A_11 = arith.constant 0 : i32
    %sign3A_12 = arith.cmpi sgt, %jit3A, %sign3A_11 : i32
    %sign3A_13 = arith.extui %sign3A_12 : i1 to i32
    %sign3A_14 = arith.constant 0 : i32
    %sign3A_15 = arith.cmpi slt, %jit3A, %sign3A_14 : i32
    %sign3A_16 = arith.extui %sign3A_15 : i1 to i32
    %sign3A_17 = arith.subi %sign3A_13, %sign3A_16 : i32
    %ne3A = arith.cmpi ne, %sign3A_10, %sign3A_17 : i32
    %rem3A = arith.remsi %mul3A_4, %jit3A : i32
    %ne3A_18 = arith.constant 0 : i32
    %ne3A_19 = arith.cmpi ne, %rem3A, %ne3A_18 : i32
    %and3A = arith.andi %ne3A, %ne3A_19 : i1
    %sub3A = arith.constant 1 : i32
    %sub3A_20 = arith.subi %div3A, %sub3A : i32
    %select_n3A = arith.select %and3A, %sub3A_20, %div3A : i32
    %mul3A_21 = arith.constant 128 : i32
    %mul3A_22 = arith.muli %select_n3A, %mul3A_21 : i32
    %mul3A_23 = arith.constant 20000 : i32
    %mul3A_24 = arith.muli %arg1, %mul3A_23 : i32
    %sub3A_25 = arith.subi %mul3A_24, %mul3A_22 : i32
    %add3A_26 = arith.constant 384 : i32
    %add3A_27 = arith.addi %add3A, %add3A_26 : i32
    %le3A = arith.constant 10000 : i32
    %le3A_28 = arith.cmpi sle, %add3A_27, %le3A : i32
    %not3A = arith.constant true
    %not3A_29 = arith.xori %le3A_28, %not3A : i1
    %lt3A = arith.constant 10000 : i32
    %lt3A_30 = arith.cmpi slt, %add3A, %lt3A : i32
    %and3A_31 = arith.andi %not3A_29, %lt3A_30 : i1
    %convert_element_type3A = arith.extui %le3A_28 : i1 to i32
    %cond3A = arith.constant 0 : i32
    %cond3A_32 = arith.cmpi ne, %convert_element_type3A, %cond3A : i32
    scf.if %cond3A_32 {
      %dma_start3A_748 = arith.constant 0 : i32
      %dma_start3A_749 = tpu.memref_slice %arg2[%add3A, %dma_start3A_748] : memref<10000x128xf32, #tpu.memory_space<hbm>> -> memref<384x128xf32, #tpu.memory_space<hbm>>
      %dma_start3A_750 = arith.constant 0 : i32
      %dma_start3A_751 = tpu.memref_slice %arg2[%add3A, %dma_start3A_750] : memref<10000x128xf32, #tpu.memory_space<hbm>> -> memref<384x128xf32, #tpu.memory_space<hbm>>
      tpu.enqueue_dma source(%dma_start3A_751 : memref<384x128xf32, #tpu.memory_space<hbm>>) target(%arg11 : memref<384x128xf32, #tpu.memory_space<vmem>>) target_semaphore(%arg20 : memref<!tpu.dma_semaphore, #tpu.memory_space<semaphore_mem>>)
    } else {
    }
    %convert_element_type3A_33 = arith.extui %and3A_31 : i1 to i32
    %cond3A_34 = arith.constant 0 : i32
    %cond3A_35 = arith.cmpi ne, %convert_element_type3A_33, %cond3A_34 : i32
    scf.if %cond3A_35 {
      %dma_start3A_748 = arith.constant 0 : i32
      %dma_start3A_749 = arith.constant 0 : i32
      %dma_start3A_750 = tpu.memref_slice %arg11[%dma_start3A_748, %dma_start3A_749] : memref<384x128xf32, #tpu.memory_space<vmem>> -> memref<16x128xf32, #tpu.memory_space<vmem>>
      %dma_start3A_751 = arith.constant 0 : i32
      %dma_start3A_752 = tpu.memref_slice %arg2[%add3A, %dma_start3A_751] : memref<10000x128xf32, #tpu.memory_space<hbm>> -> memref<16x128xf32, #tpu.memory_space<hbm>>
      %dma_start3A_753 = arith.constant 0 : i32
      %dma_start3A_754 = arith.constant 0 : i32
      %dma_start3A_755 = tpu.memref_slice %arg11[%dma_start3A_753, %dma_start3A_754] : memref<384x128xf32, #tpu.memory_space<vmem>> -> memref<16x128xf32, #tpu.memory_space<vmem>>
      %dma_start3A_756 = arith.constant 0 : i32
      %dma_start3A_757 = tpu.memref_slice %arg2[%add3A, %dma_start3A_756] : memref<10000x128xf32, #tpu.memory_space<hbm>> -> memref<16x128xf32, #tpu.memory_space<hbm>>
      tpu.enqueue_dma source(%dma_start3A_757 : memref<16x128xf32, #tpu.memory_space<hbm>>) target(%dma_start3A_755 : memref<16x128xf32, #tpu.memory_space<vmem>>) target_semaphore(%arg20 : memref<!tpu.dma_semaphore, #tpu.memory_space<semaphore_mem>>)
    } else {
    }
    %dma_start3A = arith.constant 0 : i32
    %dma_start3A_36 = tpu.memref_slice %arg4[%dma_start3A, %mul3A_22] : memref<2x320000xi32, #tpu.memory_space<hbm>> -> memref<2x20096xi32, #tpu.memory_space<hbm>>
    %dma_start3A_37 = arith.constant 0 : i32
    %dma_start3A_38 = tpu.memref_slice %arg4[%dma_start3A_37, %mul3A_22] : memref<2x320000xi32, #tpu.memory_space<hbm>> -> memref<2x20096xi32, #tpu.memory_space<hbm>>
    tpu.enqueue_dma source(%dma_start3A_38 : memref<2x20096xi32, #tpu.memory_space<hbm>>) target(%arg8 : memref<2x20096xi32, #tpu.memory_space<vmem>>) target_semaphore(%arg21 : memref<!tpu.dma_semaphore, #tpu.memory_space<semaphore_mem>>)
    "tpu.region"() ({
      %run_scoped3A = tpu.sem_alloc : memref<!tpu.dma_semaphore, #tpu.memory_space<semaphore_mem>>
      tpu.enqueue_dma source(%arg3 : memref<128xf32, #tpu.memory_space<hbm>>) target(%arg13 : memref<128xf32, #tpu.memory_space<vmem>>) target_semaphore(%run_scoped3A : memref<!tpu.dma_semaphore, #tpu.memory_space<semaphore_mem>>)
      tpu.wait_dma2 semaphore(%run_scoped3A : memref<!tpu.dma_semaphore, #tpu.memory_space<semaphore_mem>>) src(%arg3 : memref<128xf32, #tpu.memory_space<hbm>>) dst(%arg13 : memref<128xf32, #tpu.memory_space<vmem>>)
      tpu.yield
    }) : () -> ()
    "tpu.region"() ({
      %run_scoped3A = tpu.sem_alloc : memref<!tpu.dma_semaphore, #tpu.memory_space<semaphore_mem>>
      tpu.enqueue_dma source(%arg5 : memref<16xf32, #tpu.memory_space<hbm>>) target(%arg18 : memref<16xf32, #tpu.memory_space<vmem>>) target_semaphore(%run_scoped3A : memref<!tpu.dma_semaphore, #tpu.memory_space<semaphore_mem>>)
      tpu.wait_dma2 semaphore(%run_scoped3A : memref<!tpu.dma_semaphore, #tpu.memory_space<semaphore_mem>>) src(%arg5 : memref<16xf32, #tpu.memory_space<hbm>>) dst(%arg18 : memref<16xf32, #tpu.memory_space<vmem>>)
      tpu.yield
    }) : () -> ()
    %broadcast_in_dim3A = arith.constant 0.000000e+00 : f32
    %broadcast_in_dim3A_39 = vector.broadcast %broadcast_in_dim3A : f32 to vector<16xf32>
    %parallel_loop3A = arith.constant 0 : i32
    %parallel_loop3A_40 = arith.constant 384 : i32
    %parallel_loop3A_41 = arith.constant 1 : i32
    scf.for %parallel_loop3A_748 = %parallel_loop3A to %parallel_loop3A_40 step %parallel_loop3A_41  : i32 {
      %parallel_loop3A_749 = arith.constant 16 : i32
      %parallel_loop3A_750 = arith.muli %parallel_loop3A_748, %parallel_loop3A_749 : i32
      %parallel_loop3A_751 = arith.index_cast %parallel_loop3A_750 : i32 to index
      %parallel_loop3A_752 = tpu.vector_load %arg9[%parallel_loop3A_751] {strides = array<i32>} : memref<6144xf32, #tpu.memory_space<vmem>>, vector<16xf32>,
      tpu.vector_store %arg9[%parallel_loop3A_751], %broadcast_in_dim3A_39 {strides = array<i32>} : memref<6144xf32, #tpu.memory_space<vmem>>, vector<16xf32>,
    } {sc.loop_unroll_factor = 8 : i64, sc.parallel_access}
    %dma_wait3A = arith.constant 0 : i32
    %dma_wait3A_42 = tpu.memref_slice %arg4[%dma_wait3A, %mul3A_22] : memref<2x320000xi32, #tpu.memory_space<hbm>> -> memref<2x20096xi32, #tpu.memory_space<hbm>>
    %dma_wait3A_43 = arith.constant 0 : i32
    %dma_wait3A_44 = tpu.memref_slice %arg4[%dma_wait3A_43, %mul3A_22] : memref<2x320000xi32, #tpu.memory_space<hbm>> -> memref<2x20096xi32, #tpu.memory_space<hbm>>
    tpu.wait_dma2 semaphore(%arg21 : memref<!tpu.dma_semaphore, #tpu.memory_space<semaphore_mem>>) src(%dma_wait3A_44 : memref<2x20096xi32, #tpu.memory_space<hbm>>) dst(%arg8 : memref<2x20096xi32, #tpu.memory_space<vmem>>)
    %broadcast_in_dim3A_45 = arith.constant 1.000000e+00 : f32
    %broadcast_in_dim3A_46 = vector.broadcast %broadcast_in_dim3A_45 : f32 to vector<16xf32>
    %parallel_loop3A_47 = arith.constant 0 : i32
    %parallel_loop3A_48 = arith.constant 1250 : i32
    %parallel_loop3A_49 = arith.constant 1 : i32
    scf.for %parallel_loop3A_748 = %parallel_loop3A_47 to %parallel_loop3A_48 step %parallel_loop3A_49  : i32 {
      %parallel_loop3A_749 = arith.constant 16 : i32
      %parallel_loop3A_750 = arith.muli %parallel_loop3A_748, %parallel_loop3A_749 : i32
      %parallel_loop3A_751 = arith.addi %sub3A_25, %parallel_loop3A_750 : i32
      %parallel_loop3A_752 = arith.constant 1 : i32
      %parallel_loop3A_753 = arith.index_cast %parallel_loop3A_752 : i32 to index
      %parallel_loop3A_754 = arith.index_cast %parallel_loop3A_751 : i32 to index
      %parallel_loop3A_755 = tpu.vector_load %arg8[%parallel_loop3A_753, %parallel_loop3A_754] {strides = array<i32>} : memref<2x20096xi32, #tpu.memory_space<vmem>>, vector<16xi32>,
      %parallel_loop3A_756 = vector.broadcast %mul3A_0 : i32 to vector<16xi32>
      %parallel_loop3A_757 = arith.subi %parallel_loop3A_755, %parallel_loop3A_756 : vector<16xi32>
      %parallel_loop3A_758 = tpu.bitcast %parallel_loop3A_757 : vector<16xi32> -> vector<16xi32>
      %parallel_loop3A_759 = arith.constant 6144 : i32
      %parallel_loop3A_760 = vector.broadcast %parallel_loop3A_759 : i32 to vector<16xi32>
      %parallel_loop3A_761 = arith.cmpi ult, %parallel_loop3A_758, %parallel_loop3A_760 : vector<16xi32>
      tpu.vector_store_idx %arg9[%parallel_loop3A_757], %broadcast_in_dim3A_46 masked %parallel_loop3A_761 {add = true} : memref<6144xf32, #tpu.memory_space<vmem>>[vector<16xi32>], vector<16xf32>, vector<16xi1>
    } {sc.loop_unroll_factor = 4 : i64, sc.parallel_access}
    %mul3A_50 = arith.constant 6144 : i32
    %mul3A_51 = arith.muli %arg1, %mul3A_50 : i32
    %dma_start3A_52 = tpu.memref_slice %arg19[%mul3A_51] : memref<98304xf32, #tpu.memory_space<vmem_shared>> -> memref<6144xf32, #tpu.memory_space<vmem_shared>>
    %dma_start3A_53 = tpu.memref_slice %arg19[%mul3A_51] : memref<98304xf32, #tpu.memory_space<vmem_shared>> -> memref<6144xf32, #tpu.memory_space<vmem_shared>>
    tpu.enqueue_dma source(%arg9 : memref<6144xf32, #tpu.memory_space<vmem>>) target(%dma_start3A_53 : memref<6144xf32, #tpu.memory_space<vmem_shared>>) target_semaphore(%arg22 : memref<!tpu.dma_semaphore, #tpu.memory_space<semaphore_mem>>)
    %convert_element_type3A_54 = arith.extui %le3A_28 : i1 to i32
    %cond3A_55 = arith.constant 0 : i32
    %cond3A_56 = arith.cmpi ne, %convert_element_type3A_54, %cond3A_55 : i32
    scf.if %cond3A_56 {
      %dma_wait3A_748 = arith.constant 0 : i32
      %dma_wait3A_749 = tpu.memref_slice %arg2[%add3A, %dma_wait3A_748] : memref<10000x128xf32, #tpu.memory_space<hbm>> -> memref<384x128xf32, #tpu.memory_space<hbm>>
      %dma_wait3A_750 = arith.constant 0 : i32
      %dma_wait3A_751 = tpu.memref_slice %arg2[%add3A, %dma_wait3A_750] : memref<10000x128xf32, #tpu.memory_space<hbm>> -> memref<384x128xf32, #tpu.memory_space<hbm>>
      tpu.wait_dma2 semaphore(%arg20 : memref<!tpu.dma_semaphore, #tpu.memory_space<semaphore_mem>>) src(%dma_wait3A_751 : memref<384x128xf32, #tpu.memory_space<hbm>>) dst(%arg11 : memref<384x128xf32, #tpu.memory_space<vmem>>)
    } else {
    }
    %convert_element_type3A_57 = arith.extui %and3A_31 : i1 to i32
    %cond3A_58 = arith.constant 0 : i32
    %cond3A_59 = arith.cmpi ne, %convert_element_type3A_57, %cond3A_58 : i32
    scf.if %cond3A_59 {
      %dma_wait3A_748 = arith.constant 0 : i32
      %dma_wait3A_749 = arith.constant 0 : i32
      %dma_wait3A_750 = tpu.memref_slice %arg11[%dma_wait3A_748, %dma_wait3A_749] : memref<384x128xf32, #tpu.memory_space<vmem>> -> memref<16x128xf32, #tpu.memory_space<vmem>>
      %dma_wait3A_751 = arith.constant 0 : i32
      %dma_wait3A_752 = tpu.memref_slice %arg2[%add3A, %dma_wait3A_751] : memref<10000x128xf32, #tpu.memory_space<hbm>> -> memref<16x128xf32, #tpu.memory_space<hbm>>
      %dma_wait3A_753 = arith.constant 0 : i32
      %dma_wait3A_754 = arith.constant 0 : i32
      %dma_wait3A_755 = tpu.memref_slice %arg11[%dma_wait3A_753, %dma_wait3A_754] : memref<384x128xf32, #tpu.memory_space<vmem>> -> memref<16x128xf32, #tpu.memory_space<vmem>>
      %dma_wait3A_756 = arith.constant 0 : i32
      %dma_wait3A_757 = tpu.memref_slice %arg2[%add3A, %dma_wait3A_756] : memref<10000x128xf32, #tpu.memory_space<hbm>> -> memref<16x128xf32, #tpu.memory_space<hbm>>
      tpu.wait_dma2 semaphore(%arg20 : memref<!tpu.dma_semaphore, #tpu.memory_space<semaphore_mem>>) src(%dma_wait3A_757 : memref<16x128xf32, #tpu.memory_space<hbm>>) dst(%dma_wait3A_755 : memref<16x128xf32, #tpu.memory_space<vmem>>)
    } else {
    }
    %iota3A = tpu.iota {dimensions = array<i32: 0>} : vector<16xi32>
    %get3A = arith.constant 0 : index
    %get3A_60 = tpu.vector_load %arg13[%get3A] {strides = array<i32>} : memref<128xf32, #tpu.memory_space<vmem>>, vector<16xf32>,
    %get3A_61 = arith.constant 16 : index
    %get3A_62 = tpu.vector_load %arg13[%get3A_61] {strides = array<i32>} : memref<128xf32, #tpu.memory_space<vmem>>, vector<16xf32>,
    %get3A_63 = arith.constant 32 : index
    %get3A_64 = tpu.vector_load %arg13[%get3A_63] {strides = array<i32>} : memref<128xf32, #tpu.memory_space<vmem>>, vector<16xf32>,
    %get3A_65 = arith.constant 48 : index
    %get3A_66 = tpu.vector_load %arg13[%get3A_65] {strides = array<i32>} : memref<128xf32, #tpu.memory_space<vmem>>, vector<16xf32>,
    %get3A_67 = arith.constant 64 : index
    %get3A_68 = tpu.vector_load %arg13[%get3A_67] {strides = array<i32>} : memref<128xf32, #tpu.memory_space<vmem>>, vector<16xf32>,
    %get3A_69 = arith.constant 80 : index
    %get3A_70 = tpu.vector_load %arg13[%get3A_69] {strides = array<i32>} : memref<128xf32, #tpu.memory_space<vmem>>, vector<16xf32>,
    %get3A_71 = arith.constant 96 : index
    %get3A_72 = tpu.vector_load %arg13[%get3A_71] {strides = array<i32>} : memref<128xf32, #tpu.memory_space<vmem>>, vector<16xf32>,
    %get3A_73 = arith.constant 112 : index
    %get3A_74 = tpu.vector_load %arg13[%get3A_73] {strides = array<i32>} : memref<128xf32, #tpu.memory_space<vmem>>, vector<16xf32>,
    %parallel_loop3A_75 = arith.constant 0 : i32
    %parallel_loop3A_76 = arith.constant 384 : i32
    %parallel_loop3A_77 = arith.constant 1 : i32
    scf.for %parallel_loop3A_748 = %parallel_loop3A_75 to %parallel_loop3A_76 step %parallel_loop3A_77  : i32 {
      %parallel_loop3A_749 = arith.index_cast %parallel_loop3A_748 : i32 to index
      %parallel_loop3A_750 = arith.constant 0 : index
      %parallel_loop3A_751 = tpu.vector_load %arg11[%parallel_loop3A_749, %parallel_loop3A_750] {strides = array<i32>} : memref<384x128xf32, #tpu.memory_space<vmem>>, vector<16xf32>,
      %parallel_loop3A_752 = arith.mulf %parallel_loop3A_751, %get3A_60 : vector<16xf32>
      %parallel_loop3A_753 = arith.index_cast %parallel_loop3A_748 : i32 to index
      %parallel_loop3A_754 = arith.constant 16 : index
      %parallel_loop3A_755 = tpu.vector_load %arg11[%parallel_loop3A_753, %parallel_loop3A_754] {strides = array<i32>} : memref<384x128xf32, #tpu.memory_space<vmem>>, vector<16xf32>,
      %parallel_loop3A_756 = arith.mulf %parallel_loop3A_755, %get3A_62 : vector<16xf32>
      %parallel_loop3A_757 = arith.index_cast %parallel_loop3A_748 : i32 to index
      %parallel_loop3A_758 = arith.constant 32 : index
      %parallel_loop3A_759 = tpu.vector_load %arg11[%parallel_loop3A_757, %parallel_loop3A_758] {strides = array<i32>} : memref<384x128xf32, #tpu.memory_space<vmem>>, vector<16xf32>,
      %parallel_loop3A_760 = arith.mulf %parallel_loop3A_759, %get3A_64 : vector<16xf32>
      %parallel_loop3A_761 = arith.addf %parallel_loop3A_752, %parallel_loop3A_760 : vector<16xf32>
      %parallel_loop3A_762 = arith.index_cast %parallel_loop3A_748 : i32 to index
      %parallel_loop3A_763 = arith.constant 48 : index
      %parallel_loop3A_764 = tpu.vector_load %arg11[%parallel_loop3A_762, %parallel_loop3A_763] {strides = array<i32>} : memref<384x128xf32, #tpu.memory_space<vmem>>, vector<16xf32>,
      %parallel_loop3A_765 = arith.mulf %parallel_loop3A_764, %get3A_66 : vector<16xf32>
      %parallel_loop3A_766 = arith.addf %parallel_loop3A_756, %parallel_loop3A_765 : vector<16xf32>
      %parallel_loop3A_767 = arith.index_cast %parallel_loop3A_748 : i32 to index
      %parallel_loop3A_768 = arith.constant 64 : index
      %parallel_loop3A_769 = tpu.vector_load %arg11[%parallel_loop3A_767, %parallel_loop3A_768] {strides = array<i32>} : memref<384x128xf32, #tpu.memory_space<vmem>>, vector<16xf32>,
      %parallel_loop3A_770 = arith.mulf %parallel_loop3A_769, %get3A_68 : vector<16xf32>
      %parallel_loop3A_771 = arith.addf %parallel_loop3A_761, %parallel_loop3A_770 : vector<16xf32>
      %parallel_loop3A_772 = arith.index_cast %parallel_loop3A_748 : i32 to index
      %parallel_loop3A_773 = arith.constant 80 : index
      %parallel_loop3A_774 = tpu.vector_load %arg11[%parallel_loop3A_772, %parallel_loop3A_773] {strides = array<i32>} : memref<384x128xf32, #tpu.memory_space<vmem>>, vector<16xf32>,
      %parallel_loop3A_775 = arith.mulf %parallel_loop3A_774, %get3A_70 : vector<16xf32>
      %parallel_loop3A_776 = arith.addf %parallel_loop3A_766, %parallel_loop3A_775 : vector<16xf32>
      %parallel_loop3A_777 = arith.index_cast %parallel_loop3A_748 : i32 to index
      %parallel_loop3A_778 = arith.constant 96 : index
      %parallel_loop3A_779 = tpu.vector_load %arg11[%parallel_loop3A_777, %parallel_loop3A_778] {strides = array<i32>} : memref<384x128xf32, #tpu.memory_space<vmem>>, vector<16xf32>,
      %parallel_loop3A_780 = arith.mulf %parallel_loop3A_779, %get3A_72 : vector<16xf32>
      %parallel_loop3A_781 = arith.addf %parallel_loop3A_771, %parallel_loop3A_780 : vector<16xf32>
      %parallel_loop3A_782 = arith.index_cast %parallel_loop3A_748 : i32 to index
      %parallel_loop3A_783 = arith.constant 112 : index
      %parallel_loop3A_784 = tpu.vector_load %arg11[%parallel_loop3A_782, %parallel_loop3A_783] {strides = array<i32>} : memref<384x128xf32, #tpu.memory_space<vmem>>, vector<16xf32>,
      %parallel_loop3A_785 = arith.mulf %parallel_loop3A_784, %get3A_74 : vector<16xf32>
      %parallel_loop3A_786 = arith.addf %parallel_loop3A_776, %parallel_loop3A_785 : vector<16xf32>
      %parallel_loop3A_787 = arith.addf %parallel_loop3A_781, %parallel_loop3A_786 : vector<16xf32>
      %parallel_loop3A_788 = arith.constant true
      %parallel_loop3A_789 = vector.broadcast %parallel_loop3A_788 : i1 to vector<16xi1>
      %parallel_loop3A_790 = tpu.scan <sum>, %parallel_loop3A_787 masked %parallel_loop3A_789 : vector<16xf32>, vector<16xi1> -> vector<16xf32>
      %parallel_loop3A_791 = arith.constant 16 : i32
      %parallel_loop3A_792 = arith.muli %parallel_loop3A_748, %parallel_loop3A_791 : i32
      %parallel_loop3A_793 = arith.index_cast %parallel_loop3A_792 : i32 to index
      %parallel_loop3A_794 = tpu.vector_load %arg10[%parallel_loop3A_793] {strides = array<i32>} : memref<6144xf32, #tpu.memory_space<vmem>>, vector<16xf32>,
      tpu.vector_store %arg10[%parallel_loop3A_793], %parallel_loop3A_790 {strides = array<i32>} : memref<6144xf32, #tpu.memory_space<vmem>>, vector<16xf32>,
    } {sc.loop_unroll_factor = 2 : i64, sc.parallel_access}
    %parallel_loop3A_78 = arith.constant 0 : i32
    %parallel_loop3A_79 = arith.constant 24 : i32
    %parallel_loop3A_80 = arith.constant 1 : i32
    scf.for %parallel_loop3A_748 = %parallel_loop3A_78 to %parallel_loop3A_79 step %parallel_loop3A_80  : i32 {
      %parallel_loop3A_749 = arith.constant 16 : i32
      %parallel_loop3A_750 = arith.muli %parallel_loop3A_748, %parallel_loop3A_749 : i32
      %parallel_loop3A_751 = vector.broadcast %parallel_loop3A_750 : i32 to vector<16xi32>
      %parallel_loop3A_752 = arith.addi %iota3A, %parallel_loop3A_751 : vector<16xi32>
      %parallel_loop3A_753 = arith.constant 16 : i32
      %parallel_loop3A_754 = vector.broadcast %parallel_loop3A_753 : i32 to vector<16xi32>
      %parallel_loop3A_755 = arith.muli %parallel_loop3A_752, %parallel_loop3A_754 : vector<16xi32>
      %parallel_loop3A_756 = arith.constant 15 : i32
      %parallel_loop3A_757 = vector.broadcast %parallel_loop3A_756 : i32 to vector<16xi32>
      %parallel_loop3A_758 = arith.addi %parallel_loop3A_755, %parallel_loop3A_757 : vector<16xi32>
      %parallel_loop3A_759 = tpu.vector_load_idx %arg10[%parallel_loop3A_758] : memref<6144xf32, #tpu.memory_space<vmem>>[vector<16xi32>], vector<16xf32>,
      %parallel_loop3A_760 = arith.constant 16 : i32
      %parallel_loop3A_761 = arith.muli %parallel_loop3A_748, %parallel_loop3A_760 : i32
      %parallel_loop3A_762 = arith.index_cast %parallel_loop3A_761 : i32 to index
      %parallel_loop3A_763 = tpu.vector_load %arg14[%parallel_loop3A_762] {strides = array<i32>} : memref<384xf32, #tpu.memory_space<vmem>>, vector<16xf32>,
      tpu.vector_store %arg14[%parallel_loop3A_762], %parallel_loop3A_759 {strides = array<i32>} : memref<384xf32, #tpu.memory_space<vmem>>, vector<16xf32>,
    } {sc.loop_unroll_factor = 1 : i64, sc.parallel_access}
    %mul3A_81 = arith.constant 6144 : i32
    %mul3A_82 = arith.muli %arg1, %mul3A_81 : i32
    %dma_wait3A_83 = tpu.memref_slice %arg19[%mul3A_82] : memref<98304xf32, #tpu.memory_space<vmem_shared>> -> memref<6144xf32, #tpu.memory_space<vmem_shared>>
    %dma_wait3A_84 = tpu.memref_slice %arg19[%mul3A_82] : memref<98304xf32, #tpu.memory_space<vmem_shared>> -> memref<6144xf32, #tpu.memory_space<vmem_shared>>
    tpu.wait_dma2 semaphore(%arg22 : memref<!tpu.dma_semaphore, #tpu.memory_space<semaphore_mem>>) src(%arg9 : memref<6144xf32, #tpu.memory_space<vmem>>) dst(%dma_wait3A_84 : memref<6144xf32, #tpu.memory_space<vmem_shared>>)
    %barrier3A = arith.constant 0 : index
    tpu.barrier barrier_id(%barrier3A)
    %mul3A_85 = arith.constant 384 : i32
    %mul3A_86 = arith.muli %arg1, %mul3A_85 : i32
    %add3A_87 = arith.constant 0 : i32
    %add3A_88 = arith.addi %add3A_87, %mul3A_86 : i32
    %dma_start3A_89 = arith.constant 0 : i32
    %dma_start3A_90 = tpu.memref_slice %arg10[%dma_start3A_89] : memref<6144xf32, #tpu.memory_space<vmem>> -> memref<384xf32, #tpu.memory_space<vmem>>
    %dma_start3A_91 = tpu.memref_slice %arg19[%add3A_88] : memref<98304xf32, #tpu.memory_space<vmem_shared>> -> memref<384xf32, #tpu.memory_space<vmem_shared>>
    %dma_start3A_92 = arith.constant 0 : i32
    %dma_start3A_93 = tpu.memref_slice %arg10[%dma_start3A_92] : memref<6144xf32, #tpu.memory_space<vmem>> -> memref<384xf32, #tpu.memory_space<vmem>>
    %dma_start3A_94 = tpu.memref_slice %arg19[%add3A_88] : memref<98304xf32, #tpu.memory_space<vmem_shared>> -> memref<384xf32, #tpu.memory_space<vmem_shared>>
    tpu.enqueue_dma source(%dma_start3A_94 : memref<384xf32, #tpu.memory_space<vmem_shared>>) target(%dma_start3A_93 : memref<384xf32, #tpu.memory_space<vmem>>) target_semaphore(%arg22 : memref<!tpu.dma_semaphore, #tpu.memory_space<semaphore_mem>>)
    %mul3A_95 = arith.constant 384 : i32
    %mul3A_96 = arith.muli %arg1, %mul3A_95 : i32
    %add3A_97 = arith.constant 6144 : i32
    %add3A_98 = arith.addi %add3A_97, %mul3A_96 : i32
    %dma_start3A_99 = arith.constant 384 : i32
    %dma_start3A_100 = tpu.memref_slice %arg10[%dma_start3A_99] : memref<6144xf32, #tpu.memory_space<vmem>> -> memref<384xf32, #tpu.memory_space<vmem>>
    %dma_start3A_101 = tpu.memref_slice %arg19[%add3A_98] : memref<98304xf32, #tpu.memory_space<vmem_shared>> -> memref<384xf32, #tpu.memory_space<vmem_shared>>
    %dma_start3A_102 = arith.constant 384 : i32
    %dma_start3A_103 = tpu.memref_slice %arg10[%dma_start3A_102] : memref<6144xf32, #tpu.memory_space<vmem>> -> memref<384xf32, #tpu.memory_space<vmem>>
    %dma_start3A_104 = tpu.memref_slice %arg19[%add3A_98] : memref<98304xf32, #tpu.memory_space<vmem_shared>> -> memref<384xf32, #tpu.memory_space<vmem_shared>>
    tpu.enqueue_dma source(%dma_start3A_104 : memref<384xf32, #tpu.memory_space<vmem_shared>>) target(%dma_start3A_103 : memref<384xf32, #tpu.memory_space<vmem>>) target_semaphore(%arg22 : memref<!tpu.dma_semaphore, #tpu.memory_space<semaphore_mem>>)
    %mul3A_105 = arith.constant 384 : i32
    %mul3A_106 = arith.muli %arg1, %mul3A_105 : i32
    %add3A_107 = arith.constant 12288 : i32
    %add3A_108 = arith.addi %add3A_107, %mul3A_106 : i32
    %dma_start3A_109 = arith.constant 768 : i32
    %dma_start3A_110 = tpu.memref_slice %arg10[%dma_start3A_109] : memref<6144xf32, #tpu.memory_space<vmem>> -> memref<384xf32, #tpu.memory_space<vmem>>
    %dma_start3A_111 = tpu.memref_slice %arg19[%add3A_108] : memref<98304xf32, #tpu.memory_space<vmem_shared>> -> memref<384xf32, #tpu.memory_space<vmem_shared>>
    %dma_start3A_112 = arith.constant 768 : i32
    %dma_start3A_113 = tpu.memref_slice %arg10[%dma_start3A_112] : memref<6144xf32, #tpu.memory_space<vmem>> -> memref<384xf32, #tpu.memory_space<vmem>>
    %dma_start3A_114 = tpu.memref_slice %arg19[%add3A_108] : memref<98304xf32, #tpu.memory_space<vmem_shared>> -> memref<384xf32, #tpu.memory_space<vmem_shared>>
    tpu.enqueue_dma source(%dma_start3A_114 : memref<384xf32, #tpu.memory_space<vmem_shared>>) target(%dma_start3A_113 : memref<384xf32, #tpu.memory_space<vmem>>) target_semaphore(%arg22 : memref<!tpu.dma_semaphore, #tpu.memory_space<semaphore_mem>>)
    %mul3A_115 = arith.constant 384 : i32
    %mul3A_116 = arith.muli %arg1, %mul3A_115 : i32
    %add3A_117 = arith.constant 18432 : i32
    %add3A_118 = arith.addi %add3A_117, %mul3A_116 : i32
    %dma_start3A_119 = arith.constant 1152 : i32
    %dma_start3A_120 = tpu.memref_slice %arg10[%dma_start3A_119] : memref<6144xf32, #tpu.memory_space<vmem>> -> memref<384xf32, #tpu.memory_space<vmem>>
    %dma_start3A_121 = tpu.memref_slice %arg19[%add3A_118] : memref<98304xf32, #tpu.memory_space<vmem_shared>> -> memref<384xf32, #tpu.memory_space<vmem_shared>>
    %dma_start3A_122 = arith.constant 1152 : i32
    %dma_start3A_123 = tpu.memref_slice %arg10[%dma_start3A_122] : memref<6144xf32, #tpu.memory_space<vmem>> -> memref<384xf32, #tpu.memory_space<vmem>>
    %dma_start3A_124 = tpu.memref_slice %arg19[%add3A_118] : memref<98304xf32, #tpu.memory_space<vmem_shared>> -> memref<384xf32, #tpu.memory_space<vmem_shared>>
    tpu.enqueue_dma source(%dma_start3A_124 : memref<384xf32, #tpu.memory_space<vmem_shared>>) target(%dma_start3A_123 : memref<384xf32, #tpu.memory_space<vmem>>) target_semaphore(%arg22 : memref<!tpu.dma_semaphore, #tpu.memory_space<semaphore_mem>>)
    %mul3A_125 = arith.constant 384 : i32
    %mul3A_126 = arith.muli %arg1, %mul3A_125 : i32
    %add3A_127 = arith.constant 24576 : i32
    %add3A_128 = arith.addi %add3A_127, %mul3A_126 : i32
    %dma_start3A_129 = arith.constant 1536 : i32
    %dma_start3A_130 = tpu.memref_slice %arg10[%dma_start3A_129] : memref<6144xf32, #tpu.memory_space<vmem>> -> memref<384xf32, #tpu.memory_space<vmem>>
    %dma_start3A_131 = tpu.memref_slice %arg19[%add3A_128] : memref<98304xf32, #tpu.memory_space<vmem_shared>> -> memref<384xf32, #tpu.memory_space<vmem_shared>>
    %dma_start3A_132 = arith.constant 1536 : i32
    %dma_start3A_133 = tpu.memref_slice %arg10[%dma_start3A_132] : memref<6144xf32, #tpu.memory_space<vmem>> -> memref<384xf32, #tpu.memory_space<vmem>>
    %dma_start3A_134 = tpu.memref_slice %arg19[%add3A_128] : memref<98304xf32, #tpu.memory_space<vmem_shared>> -> memref<384xf32, #tpu.memory_space<vmem_shared>>
    tpu.enqueue_dma source(%dma_start3A_134 : memref<384xf32, #tpu.memory_space<vmem_shared>>) target(%dma_start3A_133 : memref<384xf32, #tpu.memory_space<vmem>>) target_semaphore(%arg22 : memref<!tpu.dma_semaphore, #tpu.memory_space<semaphore_mem>>)
    %mul3A_135 = arith.constant 384 : i32
    %mul3A_136 = arith.muli %arg1, %mul3A_135 : i32
    %add3A_137 = arith.constant 30720 : i32
    %add3A_138 = arith.addi %add3A_137, %mul3A_136 : i32
    %dma_start3A_139 = arith.constant 1920 : i32
    %dma_start3A_140 = tpu.memref_slice %arg10[%dma_start3A_139] : memref<6144xf32, #tpu.memory_space<vmem>> -> memref<384xf32, #tpu.memory_space<vmem>>
    %dma_start3A_141 = tpu.memref_slice %arg19[%add3A_138] : memref<98304xf32, #tpu.memory_space<vmem_shared>> -> memref<384xf32, #tpu.memory_space<vmem_shared>>
    %dma_start3A_142 = arith.constant 1920 : i32
    %dma_start3A_143 = tpu.memref_slice %arg10[%dma_start3A_142] : memref<6144xf32, #tpu.memory_space<vmem>> -> memref<384xf32, #tpu.memory_space<vmem>>
    %dma_start3A_144 = tpu.memref_slice %arg19[%add3A_138] : memref<98304xf32, #tpu.memory_space<vmem_shared>> -> memref<384xf32, #tpu.memory_space<vmem_shared>>
    tpu.enqueue_dma source(%dma_start3A_144 : memref<384xf32, #tpu.memory_space<vmem_shared>>) target(%dma_start3A_143 : memref<384xf32, #tpu.memory_space<vmem>>) target_semaphore(%arg22 : memref<!tpu.dma_semaphore, #tpu.memory_space<semaphore_mem>>)
    %mul3A_145 = arith.constant 384 : i32
    %mul3A_146 = arith.muli %arg1, %mul3A_145 : i32
    %add3A_147 = arith.constant 36864 : i32
    %add3A_148 = arith.addi %add3A_147, %mul3A_146 : i32
    %dma_start3A_149 = arith.constant 2304 : i32
    %dma_start3A_150 = tpu.memref_slice %arg10[%dma_start3A_149] : memref<6144xf32, #tpu.memory_space<vmem>> -> memref<384xf32, #tpu.memory_space<vmem>>
    %dma_start3A_151 = tpu.memref_slice %arg19[%add3A_148] : memref<98304xf32, #tpu.memory_space<vmem_shared>> -> memref<384xf32, #tpu.memory_space<vmem_shared>>
    %dma_start3A_152 = arith.constant 2304 : i32
    %dma_start3A_153 = tpu.memref_slice %arg10[%dma_start3A_152] : memref<6144xf32, #tpu.memory_space<vmem>> -> memref<384xf32, #tpu.memory_space<vmem>>
    %dma_start3A_154 = tpu.memref_slice %arg19[%add3A_148] : memref<98304xf32, #tpu.memory_space<vmem_shared>> -> memref<384xf32, #tpu.memory_space<vmem_shared>>
    tpu.enqueue_dma source(%dma_start3A_154 : memref<384xf32, #tpu.memory_space<vmem_shared>>) target(%dma_start3A_153 : memref<384xf32, #tpu.memory_space<vmem>>) target_semaphore(%arg22 : memref<!tpu.dma_semaphore, #tpu.memory_space<semaphore_mem>>)
    %mul3A_155 = arith.constant 384 : i32
    %mul3A_156 = arith.muli %arg1, %mul3A_155 : i32
    %add3A_157 = arith.constant 43008 : i32
    %add3A_158 = arith.addi %add3A_157, %mul3A_156 : i32
    %dma_start3A_159 = arith.constant 2688 : i32
    %dma_start3A_160 = tpu.memref_slice %arg10[%dma_start3A_159] : memref<6144xf32, #tpu.memory_space<vmem>> -> memref<384xf32, #tpu.memory_space<vmem>>
    %dma_start3A_161 = tpu.memref_slice %arg19[%add3A_158] : memref<98304xf32, #tpu.memory_space<vmem_shared>> -> memref<384xf32, #tpu.memory_space<vmem_shared>>
    %dma_start3A_162 = arith.constant 2688 : i32
    %dma_start3A_163 = tpu.memref_slice %arg10[%dma_start3A_162] : memref<6144xf32, #tpu.memory_space<vmem>> -> memref<384xf32, #tpu.memory_space<vmem>>
    %dma_start3A_164 = tpu.memref_slice %arg19[%add3A_158] : memref<98304xf32, #tpu.memory_space<vmem_shared>> -> memref<384xf32, #tpu.memory_space<vmem_shared>>
    tpu.enqueue_dma source(%dma_start3A_164 : memref<384xf32, #tpu.memory_space<vmem_shared>>) target(%dma_start3A_163 : memref<384xf32, #tpu.memory_space<vmem>>) target_semaphore(%arg22 : memref<!tpu.dma_semaphore, #tpu.memory_space<semaphore_mem>>)
    %mul3A_165 = arith.constant 384 : i32
    %mul3A_166 = arith.muli %arg1, %mul3A_165 : i32
    %add3A_167 = arith.constant 49152 : i32
    %add3A_168 = arith.addi %add3A_167, %mul3A_166 : i32
    %dma_start3A_169 = arith.constant 3072 : i32
    %dma_start3A_170 = tpu.memref_slice %arg10[%dma_start3A_169] : memref<6144xf32, #tpu.memory_space<vmem>> -> memref<384xf32, #tpu.memory_space<vmem>>
    %dma_start3A_171 = tpu.memref_slice %arg19[%add3A_168] : memref<98304xf32, #tpu.memory_space<vmem_shared>> -> memref<384xf32, #tpu.memory_space<vmem_shared>>
    %dma_start3A_172 = arith.constant 3072 : i32
    %dma_start3A_173 = tpu.memref_slice %arg10[%dma_start3A_172] : memref<6144xf32, #tpu.memory_space<vmem>> -> memref<384xf32, #tpu.memory_space<vmem>>
    %dma_start3A_174 = tpu.memref_slice %arg19[%add3A_168] : memref<98304xf32, #tpu.memory_space<vmem_shared>> -> memref<384xf32, #tpu.memory_space<vmem_shared>>
    tpu.enqueue_dma source(%dma_start3A_174 : memref<384xf32, #tpu.memory_space<vmem_shared>>) target(%dma_start3A_173 : memref<384xf32, #tpu.memory_space<vmem>>) target_semaphore(%arg22 : memref<!tpu.dma_semaphore, #tpu.memory_space<semaphore_mem>>)
    %mul3A_175 = arith.constant 384 : i32
    %mul3A_176 = arith.muli %arg1, %mul3A_175 : i32
    %add3A_177 = arith.constant 55296 : i32
    %add3A_178 = arith.addi %add3A_177, %mul3A_176 : i32
    %dma_start3A_179 = arith.constant 3456 : i32
    %dma_start3A_180 = tpu.memref_slice %arg10[%dma_start3A_179] : memref<6144xf32, #tpu.memory_space<vmem>> -> memref<384xf32, #tpu.memory_space<vmem>>
    %dma_start3A_181 = tpu.memref_slice %arg19[%add3A_178] : memref<98304xf32, #tpu.memory_space<vmem_shared>> -> memref<384xf32, #tpu.memory_space<vmem_shared>>
    %dma_start3A_182 = arith.constant 3456 : i32
    %dma_start3A_183 = tpu.memref_slice %arg10[%dma_start3A_182] : memref<6144xf32, #tpu.memory_space<vmem>> -> memref<384xf32, #tpu.memory_space<vmem>>
    %dma_start3A_184 = tpu.memref_slice %arg19[%add3A_178] : memref<98304xf32, #tpu.memory_space<vmem_shared>> -> memref<384xf32, #tpu.memory_space<vmem_shared>>
    tpu.enqueue_dma source(%dma_start3A_184 : memref<384xf32, #tpu.memory_space<vmem_shared>>) target(%dma_start3A_183 : memref<384xf32, #tpu.memory_space<vmem>>) target_semaphore(%arg22 : memref<!tpu.dma_semaphore, #tpu.memory_space<semaphore_mem>>)
    %mul3A_185 = arith.constant 384 : i32
    %mul3A_186 = arith.muli %arg1, %mul3A_185 : i32
    %add3A_187 = arith.constant 61440 : i32
    %add3A_188 = arith.addi %add3A_187, %mul3A_186 : i32
    %dma_start3A_189 = arith.constant 3840 : i32
    %dma_start3A_190 = tpu.memref_slice %arg10[%dma_start3A_189] : memref<6144xf32, #tpu.memory_space<vmem>> -> memref<384xf32, #tpu.memory_space<vmem>>
    %dma_start3A_191 = tpu.memref_slice %arg19[%add3A_188] : memref<98304xf32, #tpu.memory_space<vmem_shared>> -> memref<384xf32, #tpu.memory_space<vmem_shared>>
    %dma_start3A_192 = arith.constant 3840 : i32
    %dma_start3A_193 = tpu.memref_slice %arg10[%dma_start3A_192] : memref<6144xf32, #tpu.memory_space<vmem>> -> memref<384xf32, #tpu.memory_space<vmem>>
    %dma_start3A_194 = tpu.memref_slice %arg19[%add3A_188] : memref<98304xf32, #tpu.memory_space<vmem_shared>> -> memref<384xf32, #tpu.memory_space<vmem_shared>>
    tpu.enqueue_dma source(%dma_start3A_194 : memref<384xf32, #tpu.memory_space<vmem_shared>>) target(%dma_start3A_193 : memref<384xf32, #tpu.memory_space<vmem>>) target_semaphore(%arg22 : memref<!tpu.dma_semaphore, #tpu.memory_space<semaphore_mem>>)
    %mul3A_195 = arith.constant 384 : i32
    %mul3A_196 = arith.muli %arg1, %mul3A_195 : i32
    %add3A_197 = arith.constant 67584 : i32
    %add3A_198 = arith.addi %add3A_197, %mul3A_196 : i32
    %dma_start3A_199 = arith.constant 4224 : i32
    %dma_start3A_200 = tpu.memref_slice %arg10[%dma_start3A_199] : memref<6144xf32, #tpu.memory_space<vmem>> -> memref<384xf32, #tpu.memory_space<vmem>>
    %dma_start3A_201 = tpu.memref_slice %arg19[%add3A_198] : memref<98304xf32, #tpu.memory_space<vmem_shared>> -> memref<384xf32, #tpu.memory_space<vmem_shared>>
    %dma_start3A_202 = arith.constant 4224 : i32
    %dma_start3A_203 = tpu.memref_slice %arg10[%dma_start3A_202] : memref<6144xf32, #tpu.memory_space<vmem>> -> memref<384xf32, #tpu.memory_space<vmem>>
    %dma_start3A_204 = tpu.memref_slice %arg19[%add3A_198] : memref<98304xf32, #tpu.memory_space<vmem_shared>> -> memref<384xf32, #tpu.memory_space<vmem_shared>>
    tpu.enqueue_dma source(%dma_start3A_204 : memref<384xf32, #tpu.memory_space<vmem_shared>>) target(%dma_start3A_203 : memref<384xf32, #tpu.memory_space<vmem>>) target_semaphore(%arg22 : memref<!tpu.dma_semaphore, #tpu.memory_space<semaphore_mem>>)
    %mul3A_205 = arith.constant 384 : i32
    %mul3A_206 = arith.muli %arg1, %mul3A_205 : i32
    %add3A_207 = arith.constant 73728 : i32
    %add3A_208 = arith.addi %add3A_207, %mul3A_206 : i32
    %dma_start3A_209 = arith.constant 4608 : i32
    %dma_start3A_210 = tpu.memref_slice %arg10[%dma_start3A_209] : memref<6144xf32, #tpu.memory_space<vmem>> -> memref<384xf32, #tpu.memory_space<vmem>>
    %dma_start3A_211 = tpu.memref_slice %arg19[%add3A_208] : memref<98304xf32, #tpu.memory_space<vmem_shared>> -> memref<384xf32, #tpu.memory_space<vmem_shared>>
    %dma_start3A_212 = arith.constant 4608 : i32
    %dma_start3A_213 = tpu.memref_slice %arg10[%dma_start3A_212] : memref<6144xf32, #tpu.memory_space<vmem>> -> memref<384xf32, #tpu.memory_space<vmem>>
    %dma_start3A_214 = tpu.memref_slice %arg19[%add3A_208] : memref<98304xf32, #tpu.memory_space<vmem_shared>> -> memref<384xf32, #tpu.memory_space<vmem_shared>>
    tpu.enqueue_dma source(%dma_start3A_214 : memref<384xf32, #tpu.memory_space<vmem_shared>>) target(%dma_start3A_213 : memref<384xf32, #tpu.memory_space<vmem>>) target_semaphore(%arg22 : memref<!tpu.dma_semaphore, #tpu.memory_space<semaphore_mem>>)
    %mul3A_215 = arith.constant 384 : i32
    %mul3A_216 = arith.muli %arg1, %mul3A_215 : i32
    %add3A_217 = arith.constant 79872 : i32
    %add3A_218 = arith.addi %add3A_217, %mul3A_216 : i32
    %dma_start3A_219 = arith.constant 4992 : i32
    %dma_start3A_220 = tpu.memref_slice %arg10[%dma_start3A_219] : memref<6144xf32, #tpu.memory_space<vmem>> -> memref<384xf32, #tpu.memory_space<vmem>>
    %dma_start3A_221 = tpu.memref_slice %arg19[%add3A_218] : memref<98304xf32, #tpu.memory_space<vmem_shared>> -> memref<384xf32, #tpu.memory_space<vmem_shared>>
    %dma_start3A_222 = arith.constant 4992 : i32
    %dma_start3A_223 = tpu.memref_slice %arg10[%dma_start3A_222] : memref<6144xf32, #tpu.memory_space<vmem>> -> memref<384xf32, #tpu.memory_space<vmem>>
    %dma_start3A_224 = tpu.memref_slice %arg19[%add3A_218] : memref<98304xf32, #tpu.memory_space<vmem_shared>> -> memref<384xf32, #tpu.memory_space<vmem_shared>>
    tpu.enqueue_dma source(%dma_start3A_224 : memref<384xf32, #tpu.memory_space<vmem_shared>>) target(%dma_start3A_223 : memref<384xf32, #tpu.memory_space<vmem>>) target_semaphore(%arg22 : memref<!tpu.dma_semaphore, #tpu.memory_space<semaphore_mem>>)
    %mul3A_225 = arith.constant 384 : i32
    %mul3A_226 = arith.muli %arg1, %mul3A_225 : i32
    %add3A_227 = arith.constant 86016 : i32
    %add3A_228 = arith.addi %add3A_227, %mul3A_226 : i32
    %dma_start3A_229 = arith.constant 5376 : i32
    %dma_start3A_230 = tpu.memref_slice %arg10[%dma_start3A_229] : memref<6144xf32, #tpu.memory_space<vmem>> -> memref<384xf32, #tpu.memory_space<vmem>>
    %dma_start3A_231 = tpu.memref_slice %arg19[%add3A_228] : memref<98304xf32, #tpu.memory_space<vmem_shared>> -> memref<384xf32, #tpu.memory_space<vmem_shared>>
    %dma_start3A_232 = arith.constant 5376 : i32
    %dma_start3A_233 = tpu.memref_slice %arg10[%dma_start3A_232] : memref<6144xf32, #tpu.memory_space<vmem>> -> memref<384xf32, #tpu.memory_space<vmem>>
    %dma_start3A_234 = tpu.memref_slice %arg19[%add3A_228] : memref<98304xf32, #tpu.memory_space<vmem_shared>> -> memref<384xf32, #tpu.memory_space<vmem_shared>>
    tpu.enqueue_dma source(%dma_start3A_234 : memref<384xf32, #tpu.memory_space<vmem_shared>>) target(%dma_start3A_233 : memref<384xf32, #tpu.memory_space<vmem>>) target_semaphore(%arg22 : memref<!tpu.dma_semaphore, #tpu.memory_space<semaphore_mem>>)
    %mul3A_235 = arith.constant 384 : i32
    %mul3A_236 = arith.muli %arg1, %mul3A_235 : i32
    %add3A_237 = arith.constant 92160 : i32
    %add3A_238 = arith.addi %add3A_237, %mul3A_236 : i32
    %dma_start3A_239 = arith.constant 5760 : i32
    %dma_start3A_240 = tpu.memref_slice %arg10[%dma_start3A_239] : memref<6144xf32, #tpu.memory_space<vmem>> -> memref<384xf32, #tpu.memory_space<vmem>>
    %dma_start3A_241 = tpu.memref_slice %arg19[%add3A_238] : memref<98304xf32, #tpu.memory_space<vmem_shared>> -> memref<384xf32, #tpu.memory_space<vmem_shared>>
    %dma_start3A_242 = arith.constant 5760 : i32
    %dma_start3A_243 = tpu.memref_slice %arg10[%dma_start3A_242] : memref<6144xf32, #tpu.memory_space<vmem>> -> memref<384xf32, #tpu.memory_space<vmem>>
    %dma_start3A_244 = tpu.memref_slice %arg19[%add3A_238] : memref<98304xf32, #tpu.memory_space<vmem_shared>> -> memref<384xf32, #tpu.memory_space<vmem_shared>>
    tpu.enqueue_dma source(%dma_start3A_244 : memref<384xf32, #tpu.memory_space<vmem_shared>>) target(%dma_start3A_243 : memref<384xf32, #tpu.memory_space<vmem>>) target_semaphore(%arg22 : memref<!tpu.dma_semaphore, #tpu.memory_space<semaphore_mem>>)
    %mul3A_245 = arith.constant 384 : i32
    %mul3A_246 = arith.muli %arg1, %mul3A_245 : i32
    %add3A_247 = arith.constant 0 : i32
    %add3A_248 = arith.addi %add3A_247, %mul3A_246 : i32
    %dma_wait3A_249 = arith.constant 0 : i32
    %dma_wait3A_250 = tpu.memref_slice %arg10[%dma_wait3A_249] : memref<6144xf32, #tpu.memory_space<vmem>> -> memref<384xf32, #tpu.memory_space<vmem>>
    %dma_wait3A_251 = tpu.memref_slice %arg19[%add3A_248] : memref<98304xf32, #tpu.memory_space<vmem_shared>> -> memref<384xf32, #tpu.memory_space<vmem_shared>>
    %dma_wait3A_252 = arith.constant 0 : i32
    %dma_wait3A_253 = tpu.memref_slice %arg10[%dma_wait3A_252] : memref<6144xf32, #tpu.memory_space<vmem>> -> memref<384xf32, #tpu.memory_space<vmem>>
    %dma_wait3A_254 = tpu.memref_slice %arg19[%add3A_248] : memref<98304xf32, #tpu.memory_space<vmem_shared>> -> memref<384xf32, #tpu.memory_space<vmem_shared>>
    tpu.wait_dma2 semaphore(%arg22 : memref<!tpu.dma_semaphore, #tpu.memory_space<semaphore_mem>>) src(%dma_wait3A_254 : memref<384xf32, #tpu.memory_space<vmem_shared>>) dst(%dma_wait3A_253 : memref<384xf32, #tpu.memory_space<vmem>>)
    %mul3A_255 = arith.constant 384 : i32
    %mul3A_256 = arith.muli %arg1, %mul3A_255 : i32
    %add3A_257 = arith.constant 6144 : i32
    %add3A_258 = arith.addi %add3A_257, %mul3A_256 : i32
    %dma_wait3A_259 = arith.constant 384 : i32
    %dma_wait3A_260 = tpu.memref_slice %arg10[%dma_wait3A_259] : memref<6144xf32, #tpu.memory_space<vmem>> -> memref<384xf32, #tpu.memory_space<vmem>>
    %dma_wait3A_261 = tpu.memref_slice %arg19[%add3A_258] : memref<98304xf32, #tpu.memory_space<vmem_shared>> -> memref<384xf32, #tpu.memory_space<vmem_shared>>
    %dma_wait3A_262 = arith.constant 384 : i32
    %dma_wait3A_263 = tpu.memref_slice %arg10[%dma_wait3A_262] : memref<6144xf32, #tpu.memory_space<vmem>> -> memref<384xf32, #tpu.memory_space<vmem>>
    %dma_wait3A_264 = tpu.memref_slice %arg19[%add3A_258] : memref<98304xf32, #tpu.memory_space<vmem_shared>> -> memref<384xf32, #tpu.memory_space<vmem_shared>>
    tpu.wait_dma2 semaphore(%arg22 : memref<!tpu.dma_semaphore, #tpu.memory_space<semaphore_mem>>) src(%dma_wait3A_264 : memref<384xf32, #tpu.memory_space<vmem_shared>>) dst(%dma_wait3A_263 : memref<384xf32, #tpu.memory_space<vmem>>)
    %mul3A_265 = arith.constant 384 : i32
    %mul3A_266 = arith.muli %arg1, %mul3A_265 : i32
    %add3A_267 = arith.constant 12288 : i32
    %add3A_268 = arith.addi %add3A_267, %mul3A_266 : i32
    %dma_wait3A_269 = arith.constant 768 : i32
    %dma_wait3A_270 = tpu.memref_slice %arg10[%dma_wait3A_269] : memref<6144xf32, #tpu.memory_space<vmem>> -> memref<384xf32, #tpu.memory_space<vmem>>
    %dma_wait3A_271 = tpu.memref_slice %arg19[%add3A_268] : memref<98304xf32, #tpu.memory_space<vmem_shared>> -> memref<384xf32, #tpu.memory_space<vmem_shared>>
    %dma_wait3A_272 = arith.constant 768 : i32
    %dma_wait3A_273 = tpu.memref_slice %arg10[%dma_wait3A_272] : memref<6144xf32, #tpu.memory_space<vmem>> -> memref<384xf32, #tpu.memory_space<vmem>>
    %dma_wait3A_274 = tpu.memref_slice %arg19[%add3A_268] : memref<98304xf32, #tpu.memory_space<vmem_shared>> -> memref<384xf32, #tpu.memory_space<vmem_shared>>
    tpu.wait_dma2 semaphore(%arg22 : memref<!tpu.dma_semaphore, #tpu.memory_space<semaphore_mem>>) src(%dma_wait3A_274 : memref<384xf32, #tpu.memory_space<vmem_shared>>) dst(%dma_wait3A_273 : memref<384xf32, #tpu.memory_space<vmem>>)
    %mul3A_275 = arith.constant 384 : i32
    %mul3A_276 = arith.muli %arg1, %mul3A_275 : i32
    %add3A_277 = arith.constant 18432 : i32
    %add3A_278 = arith.addi %add3A_277, %mul3A_276 : i32
    %dma_wait3A_279 = arith.constant 1152 : i32
    %dma_wait3A_280 = tpu.memref_slice %arg10[%dma_wait3A_279] : memref<6144xf32, #tpu.memory_space<vmem>> -> memref<384xf32, #tpu.memory_space<vmem>>
    %dma_wait3A_281 = tpu.memref_slice %arg19[%add3A_278] : memref<98304xf32, #tpu.memory_space<vmem_shared>> -> memref<384xf32, #tpu.memory_space<vmem_shared>>
    %dma_wait3A_282 = arith.constant 1152 : i32
    %dma_wait3A_283 = tpu.memref_slice %arg10[%dma_wait3A_282] : memref<6144xf32, #tpu.memory_space<vmem>> -> memref<384xf32, #tpu.memory_space<vmem>>
    %dma_wait3A_284 = tpu.memref_slice %arg19[%add3A_278] : memref<98304xf32, #tpu.memory_space<vmem_shared>> -> memref<384xf32, #tpu.memory_space<vmem_shared>>
    tpu.wait_dma2 semaphore(%arg22 : memref<!tpu.dma_semaphore, #tpu.memory_space<semaphore_mem>>) src(%dma_wait3A_284 : memref<384xf32, #tpu.memory_space<vmem_shared>>) dst(%dma_wait3A_283 : memref<384xf32, #tpu.memory_space<vmem>>)
    %mul3A_285 = arith.constant 384 : i32
    %mul3A_286 = arith.muli %arg1, %mul3A_285 : i32
    %add3A_287 = arith.constant 24576 : i32
    %add3A_288 = arith.addi %add3A_287, %mul3A_286 : i32
    %dma_wait3A_289 = arith.constant 1536 : i32
    %dma_wait3A_290 = tpu.memref_slice %arg10[%dma_wait3A_289] : memref<6144xf32, #tpu.memory_space<vmem>> -> memref<384xf32, #tpu.memory_space<vmem>>
    %dma_wait3A_291 = tpu.memref_slice %arg19[%add3A_288] : memref<98304xf32, #tpu.memory_space<vmem_shared>> -> memref<384xf32, #tpu.memory_space<vmem_shared>>
    %dma_wait3A_292 = arith.constant 1536 : i32
    %dma_wait3A_293 = tpu.memref_slice %arg10[%dma_wait3A_292] : memref<6144xf32, #tpu.memory_space<vmem>> -> memref<384xf32, #tpu.memory_space<vmem>>
    %dma_wait3A_294 = tpu.memref_slice %arg19[%add3A_288] : memref<98304xf32, #tpu.memory_space<vmem_shared>> -> memref<384xf32, #tpu.memory_space<vmem_shared>>
    tpu.wait_dma2 semaphore(%arg22 : memref<!tpu.dma_semaphore, #tpu.memory_space<semaphore_mem>>) src(%dma_wait3A_294 : memref<384xf32, #tpu.memory_space<vmem_shared>>) dst(%dma_wait3A_293 : memref<384xf32, #tpu.memory_space<vmem>>)
    %mul3A_295 = arith.constant 384 : i32
    %mul3A_296 = arith.muli %arg1, %mul3A_295 : i32
    %add3A_297 = arith.constant 30720 : i32
    %add3A_298 = arith.addi %add3A_297, %mul3A_296 : i32
    %dma_wait3A_299 = arith.constant 1920 : i32
    %dma_wait3A_300 = tpu.memref_slice %arg10[%dma_wait3A_299] : memref<6144xf32, #tpu.memory_space<vmem>> -> memref<384xf32, #tpu.memory_space<vmem>>
    %dma_wait3A_301 = tpu.memref_slice %arg19[%add3A_298] : memref<98304xf32, #tpu.memory_space<vmem_shared>> -> memref<384xf32, #tpu.memory_space<vmem_shared>>
    %dma_wait3A_302 = arith.constant 1920 : i32
    %dma_wait3A_303 = tpu.memref_slice %arg10[%dma_wait3A_302] : memref<6144xf32, #tpu.memory_space<vmem>> -> memref<384xf32, #tpu.memory_space<vmem>>
    %dma_wait3A_304 = tpu.memref_slice %arg19[%add3A_298] : memref<98304xf32, #tpu.memory_space<vmem_shared>> -> memref<384xf32, #tpu.memory_space<vmem_shared>>
    tpu.wait_dma2 semaphore(%arg22 : memref<!tpu.dma_semaphore, #tpu.memory_space<semaphore_mem>>) src(%dma_wait3A_304 : memref<384xf32, #tpu.memory_space<vmem_shared>>) dst(%dma_wait3A_303 : memref<384xf32, #tpu.memory_space<vmem>>)
    %mul3A_305 = arith.constant 384 : i32
    %mul3A_306 = arith.muli %arg1, %mul3A_305 : i32
    %add3A_307 = arith.constant 36864 : i32
    %add3A_308 = arith.addi %add3A_307, %mul3A_306 : i32
    %dma_wait3A_309 = arith.constant 2304 : i32
    %dma_wait3A_310 = tpu.memref_slice %arg10[%dma_wait3A_309] : memref<6144xf32, #tpu.memory_space<vmem>> -> memref<384xf32, #tpu.memory_space<vmem>>
    %dma_wait3A_311 = tpu.memref_slice %arg19[%add3A_308] : memref<98304xf32, #tpu.memory_space<vmem_shared>> -> memref<384xf32, #tpu.memory_space<vmem_shared>>
    %dma_wait3A_312 = arith.constant 2304 : i32
    %dma_wait3A_313 = tpu.memref_slice %arg10[%dma_wait3A_312] : memref<6144xf32, #tpu.memory_space<vmem>> -> memref<384xf32, #tpu.memory_space<vmem>>
    %dma_wait3A_314 = tpu.memref_slice %arg19[%add3A_308] : memref<98304xf32, #tpu.memory_space<vmem_shared>> -> memref<384xf32, #tpu.memory_space<vmem_shared>>
    tpu.wait_dma2 semaphore(%arg22 : memref<!tpu.dma_semaphore, #tpu.memory_space<semaphore_mem>>) src(%dma_wait3A_314 : memref<384xf32, #tpu.memory_space<vmem_shared>>) dst(%dma_wait3A_313 : memref<384xf32, #tpu.memory_space<vmem>>)
    %mul3A_315 = arith.constant 384 : i32
    %mul3A_316 = arith.muli %arg1, %mul3A_315 : i32
    %add3A_317 = arith.constant 43008 : i32
    %add3A_318 = arith.addi %add3A_317, %mul3A_316 : i32
    %dma_wait3A_319 = arith.constant 2688 : i32
    %dma_wait3A_320 = tpu.memref_slice %arg10[%dma_wait3A_319] : memref<6144xf32, #tpu.memory_space<vmem>> -> memref<384xf32, #tpu.memory_space<vmem>>
    %dma_wait3A_321 = tpu.memref_slice %arg19[%add3A_318] : memref<98304xf32, #tpu.memory_space<vmem_shared>> -> memref<384xf32, #tpu.memory_space<vmem_shared>>
    %dma_wait3A_322 = arith.constant 2688 : i32
    %dma_wait3A_323 = tpu.memref_slice %arg10[%dma_wait3A_322] : memref<6144xf32, #tpu.memory_space<vmem>> -> memref<384xf32, #tpu.memory_space<vmem>>
    %dma_wait3A_324 = tpu.memref_slice %arg19[%add3A_318] : memref<98304xf32, #tpu.memory_space<vmem_shared>> -> memref<384xf32, #tpu.memory_space<vmem_shared>>
    tpu.wait_dma2 semaphore(%arg22 : memref<!tpu.dma_semaphore, #tpu.memory_space<semaphore_mem>>) src(%dma_wait3A_324 : memref<384xf32, #tpu.memory_space<vmem_shared>>) dst(%dma_wait3A_323 : memref<384xf32, #tpu.memory_space<vmem>>)
    %mul3A_325 = arith.constant 384 : i32
    %mul3A_326 = arith.muli %arg1, %mul3A_325 : i32
    %add3A_327 = arith.constant 49152 : i32
    %add3A_328 = arith.addi %add3A_327, %mul3A_326 : i32
    %dma_wait3A_329 = arith.constant 3072 : i32
    %dma_wait3A_330 = tpu.memref_slice %arg10[%dma_wait3A_329] : memref<6144xf32, #tpu.memory_space<vmem>> -> memref<384xf32, #tpu.memory_space<vmem>>
    %dma_wait3A_331 = tpu.memref_slice %arg19[%add3A_328] : memref<98304xf32, #tpu.memory_space<vmem_shared>> -> memref<384xf32, #tpu.memory_space<vmem_shared>>
    %dma_wait3A_332 = arith.constant 3072 : i32
    %dma_wait3A_333 = tpu.memref_slice %arg10[%dma_wait3A_332] : memref<6144xf32, #tpu.memory_space<vmem>> -> memref<384xf32, #tpu.memory_space<vmem>>
    %dma_wait3A_334 = tpu.memref_slice %arg19[%add3A_328] : memref<98304xf32, #tpu.memory_space<vmem_shared>> -> memref<384xf32, #tpu.memory_space<vmem_shared>>
    tpu.wait_dma2 semaphore(%arg22 : memref<!tpu.dma_semaphore, #tpu.memory_space<semaphore_mem>>) src(%dma_wait3A_334 : memref<384xf32, #tpu.memory_space<vmem_shared>>) dst(%dma_wait3A_333 : memref<384xf32, #tpu.memory_space<vmem>>)
    %mul3A_335 = arith.constant 384 : i32
    %mul3A_336 = arith.muli %arg1, %mul3A_335 : i32
    %add3A_337 = arith.constant 55296 : i32
    %add3A_338 = arith.addi %add3A_337, %mul3A_336 : i32
    %dma_wait3A_339 = arith.constant 3456 : i32
    %dma_wait3A_340 = tpu.memref_slice %arg10[%dma_wait3A_339] : memref<6144xf32, #tpu.memory_space<vmem>> -> memref<384xf32, #tpu.memory_space<vmem>>
    %dma_wait3A_341 = tpu.memref_slice %arg19[%add3A_338] : memref<98304xf32, #tpu.memory_space<vmem_shared>> -> memref<384xf32, #tpu.memory_space<vmem_shared>>
    %dma_wait3A_342 = arith.constant 3456 : i32
    %dma_wait3A_343 = tpu.memref_slice %arg10[%dma_wait3A_342] : memref<6144xf32, #tpu.memory_space<vmem>> -> memref<384xf32, #tpu.memory_space<vmem>>
    %dma_wait3A_344 = tpu.memref_slice %arg19[%add3A_338] : memref<98304xf32, #tpu.memory_space<vmem_shared>> -> memref<384xf32, #tpu.memory_space<vmem_shared>>
    tpu.wait_dma2 semaphore(%arg22 : memref<!tpu.dma_semaphore, #tpu.memory_space<semaphore_mem>>) src(%dma_wait3A_344 : memref<384xf32, #tpu.memory_space<vmem_shared>>) dst(%dma_wait3A_343 : memref<384xf32, #tpu.memory_space<vmem>>)
    %mul3A_345 = arith.constant 384 : i32
    %mul3A_346 = arith.muli %arg1, %mul3A_345 : i32
    %add3A_347 = arith.constant 61440 : i32
    %add3A_348 = arith.addi %add3A_347, %mul3A_346 : i32
    %dma_wait3A_349 = arith.constant 3840 : i32
    %dma_wait3A_350 = tpu.memref_slice %arg10[%dma_wait3A_349] : memref<6144xf32, #tpu.memory_space<vmem>> -> memref<384xf32, #tpu.memory_space<vmem>>
    %dma_wait3A_351 = tpu.memref_slice %arg19[%add3A_348] : memref<98304xf32, #tpu.memory_space<vmem_shared>> -> memref<384xf32, #tpu.memory_space<vmem_shared>>
    %dma_wait3A_352 = arith.constant 3840 : i32
    %dma_wait3A_353 = tpu.memref_slice %arg10[%dma_wait3A_352] : memref<6144xf32, #tpu.memory_space<vmem>> -> memref<384xf32, #tpu.memory_space<vmem>>
    %dma_wait3A_354 = tpu.memref_slice %arg19[%add3A_348] : memref<98304xf32, #tpu.memory_space<vmem_shared>> -> memref<384xf32, #tpu.memory_space<vmem_shared>>
    tpu.wait_dma2 semaphore(%arg22 : memref<!tpu.dma_semaphore, #tpu.memory_space<semaphore_mem>>) src(%dma_wait3A_354 : memref<384xf32, #tpu.memory_space<vmem_shared>>) dst(%dma_wait3A_353 : memref<384xf32, #tpu.memory_space<vmem>>)
    %mul3A_355 = arith.constant 384 : i32
    %mul3A_356 = arith.muli %arg1, %mul3A_355 : i32
    %add3A_357 = arith.constant 67584 : i32
    %add3A_358 = arith.addi %add3A_357, %mul3A_356 : i32
    %dma_wait3A_359 = arith.constant 4224 : i32
    %dma_wait3A_360 = tpu.memref_slice %arg10[%dma_wait3A_359] : memref<6144xf32, #tpu.memory_space<vmem>> -> memref<384xf32, #tpu.memory_space<vmem>>
    %dma_wait3A_361 = tpu.memref_slice %arg19[%add3A_358] : memref<98304xf32, #tpu.memory_space<vmem_shared>> -> memref<384xf32, #tpu.memory_space<vmem_shared>>
    %dma_wait3A_362 = arith.constant 4224 : i32
    %dma_wait3A_363 = tpu.memref_slice %arg10[%dma_wait3A_362] : memref<6144xf32, #tpu.memory_space<vmem>> -> memref<384xf32, #tpu.memory_space<vmem>>
    %dma_wait3A_364 = tpu.memref_slice %arg19[%add3A_358] : memref<98304xf32, #tpu.memory_space<vmem_shared>> -> memref<384xf32, #tpu.memory_space<vmem_shared>>
    tpu.wait_dma2 semaphore(%arg22 : memref<!tpu.dma_semaphore, #tpu.memory_space<semaphore_mem>>) src(%dma_wait3A_364 : memref<384xf32, #tpu.memory_space<vmem_shared>>) dst(%dma_wait3A_363 : memref<384xf32, #tpu.memory_space<vmem>>)
    %mul3A_365 = arith.constant 384 : i32
    %mul3A_366 = arith.muli %arg1, %mul3A_365 : i32
    %add3A_367 = arith.constant 73728 : i32
    %add3A_368 = arith.addi %add3A_367, %mul3A_366 : i32
    %dma_wait3A_369 = arith.constant 4608 : i32
    %dma_wait3A_370 = tpu.memref_slice %arg10[%dma_wait3A_369] : memref<6144xf32, #tpu.memory_space<vmem>> -> memref<384xf32, #tpu.memory_space<vmem>>
    %dma_wait3A_371 = tpu.memref_slice %arg19[%add3A_368] : memref<98304xf32, #tpu.memory_space<vmem_shared>> -> memref<384xf32, #tpu.memory_space<vmem_shared>>
    %dma_wait3A_372 = arith.constant 4608 : i32
    %dma_wait3A_373 = tpu.memref_slice %arg10[%dma_wait3A_372] : memref<6144xf32, #tpu.memory_space<vmem>> -> memref<384xf32, #tpu.memory_space<vmem>>
    %dma_wait3A_374 = tpu.memref_slice %arg19[%add3A_368] : memref<98304xf32, #tpu.memory_space<vmem_shared>> -> memref<384xf32, #tpu.memory_space<vmem_shared>>
    tpu.wait_dma2 semaphore(%arg22 : memref<!tpu.dma_semaphore, #tpu.memory_space<semaphore_mem>>) src(%dma_wait3A_374 : memref<384xf32, #tpu.memory_space<vmem_shared>>) dst(%dma_wait3A_373 : memref<384xf32, #tpu.memory_space<vmem>>)
    %mul3A_375 = arith.constant 384 : i32
    %mul3A_376 = arith.muli %arg1, %mul3A_375 : i32
    %add3A_377 = arith.constant 79872 : i32
    %add3A_378 = arith.addi %add3A_377, %mul3A_376 : i32
    %dma_wait3A_379 = arith.constant 4992 : i32
    %dma_wait3A_380 = tpu.memref_slice %arg10[%dma_wait3A_379] : memref<6144xf32, #tpu.memory_space<vmem>> -> memref<384xf32, #tpu.memory_space<vmem>>
    %dma_wait3A_381 = tpu.memref_slice %arg19[%add3A_378] : memref<98304xf32, #tpu.memory_space<vmem_shared>> -> memref<384xf32, #tpu.memory_space<vmem_shared>>
    %dma_wait3A_382 = arith.constant 4992 : i32
    %dma_wait3A_383 = tpu.memref_slice %arg10[%dma_wait3A_382] : memref<6144xf32, #tpu.memory_space<vmem>> -> memref<384xf32, #tpu.memory_space<vmem>>
    %dma_wait3A_384 = tpu.memref_slice %arg19[%add3A_378] : memref<98304xf32, #tpu.memory_space<vmem_shared>> -> memref<384xf32, #tpu.memory_space<vmem_shared>>
    tpu.wait_dma2 semaphore(%arg22 : memref<!tpu.dma_semaphore, #tpu.memory_space<semaphore_mem>>) src(%dma_wait3A_384 : memref<384xf32, #tpu.memory_space<vmem_shared>>) dst(%dma_wait3A_383 : memref<384xf32, #tpu.memory_space<vmem>>)
    %mul3A_385 = arith.constant 384 : i32
    %mul3A_386 = arith.muli %arg1, %mul3A_385 : i32
    %add3A_387 = arith.constant 86016 : i32
    %add3A_388 = arith.addi %add3A_387, %mul3A_386 : i32
    %dma_wait3A_389 = arith.constant 5376 : i32
    %dma_wait3A_390 = tpu.memref_slice %arg10[%dma_wait3A_389] : memref<6144xf32, #tpu.memory_space<vmem>> -> memref<384xf32, #tpu.memory_space<vmem>>
    %dma_wait3A_391 = tpu.memref_slice %arg19[%add3A_388] : memref<98304xf32, #tpu.memory_space<vmem_shared>> -> memref<384xf32, #tpu.memory_space<vmem_shared>>
    %dma_wait3A_392 = arith.constant 5376 : i32
    %dma_wait3A_393 = tpu.memref_slice %arg10[%dma_wait3A_392] : memref<6144xf32, #tpu.memory_space<vmem>> -> memref<384xf32, #tpu.memory_space<vmem>>
    %dma_wait3A_394 = tpu.memref_slice %arg19[%add3A_388] : memref<98304xf32, #tpu.memory_space<vmem_shared>> -> memref<384xf32, #tpu.memory_space<vmem_shared>>
    tpu.wait_dma2 semaphore(%arg22 : memref<!tpu.dma_semaphore, #tpu.memory_space<semaphore_mem>>) src(%dma_wait3A_394 : memref<384xf32, #tpu.memory_space<vmem_shared>>) dst(%dma_wait3A_393 : memref<384xf32, #tpu.memory_space<vmem>>)
    %mul3A_395 = arith.constant 384 : i32
    %mul3A_396 = arith.muli %arg1, %mul3A_395 : i32
    %add3A_397 = arith.constant 92160 : i32
    %add3A_398 = arith.addi %add3A_397, %mul3A_396 : i32
    %dma_wait3A_399 = arith.constant 5760 : i32
    %dma_wait3A_400 = tpu.memref_slice %arg10[%dma_wait3A_399] : memref<6144xf32, #tpu.memory_space<vmem>> -> memref<384xf32, #tpu.memory_space<vmem>>
    %dma_wait3A_401 = tpu.memref_slice %arg19[%add3A_398] : memref<98304xf32, #tpu.memory_space<vmem_shared>> -> memref<384xf32, #tpu.memory_space<vmem_shared>>
    %dma_wait3A_402 = arith.constant 5760 : i32
    %dma_wait3A_403 = tpu.memref_slice %arg10[%dma_wait3A_402] : memref<6144xf32, #tpu.memory_space<vmem>> -> memref<384xf32, #tpu.memory_space<vmem>>
    %dma_wait3A_404 = tpu.memref_slice %arg19[%add3A_398] : memref<98304xf32, #tpu.memory_space<vmem_shared>> -> memref<384xf32, #tpu.memory_space<vmem_shared>>
    tpu.wait_dma2 semaphore(%arg22 : memref<!tpu.dma_semaphore, #tpu.memory_space<semaphore_mem>>) src(%dma_wait3A_404 : memref<384xf32, #tpu.memory_space<vmem_shared>>) dst(%dma_wait3A_403 : memref<384xf32, #tpu.memory_space<vmem>>)
    %parallel_loop3A_405 = arith.constant 0 : i32
    %parallel_loop3A_406 = arith.constant 24 : i32
    %parallel_loop3A_407 = arith.constant 1 : i32
    scf.for %parallel_loop3A_748 = %parallel_loop3A_405 to %parallel_loop3A_406 step %parallel_loop3A_407  : i32 {
      %parallel_loop3A_749 = arith.constant 16 : i32
      %parallel_loop3A_750 = arith.muli %parallel_loop3A_748, %parallel_loop3A_749 : i32
      %parallel_loop3A_751 = arith.index_cast %parallel_loop3A_750 : i32 to index
      %parallel_loop3A_752 = tpu.vector_load %arg10[%parallel_loop3A_751] {strides = array<i32>} : memref<6144xf32, #tpu.memory_space<vmem>>, vector<16xf32>,
      %parallel_loop3A_753 = arith.constant 16 : i32
      %parallel_loop3A_754 = arith.muli %parallel_loop3A_748, %parallel_loop3A_753 : i32
      %parallel_loop3A_755 = arith.constant 384 : i32
      %parallel_loop3A_756 = arith.addi %parallel_loop3A_755, %parallel_loop3A_754 : i32
      %parallel_loop3A_757 = arith.index_cast %parallel_loop3A_756 : i32 to index
      %parallel_loop3A_758 = tpu.vector_load %arg10[%parallel_loop3A_757] {strides = array<i32>} : memref<6144xf32, #tpu.memory_space<vmem>>, vector<16xf32>,
      %parallel_loop3A_759 = arith.addf %parallel_loop3A_752, %parallel_loop3A_758 : vector<16xf32>
      %parallel_loop3A_760 = arith.constant 16 : i32
      %parallel_loop3A_761 = arith.muli %parallel_loop3A_748, %parallel_loop3A_760 : i32
      %parallel_loop3A_762 = arith.constant 768 : i32
      %parallel_loop3A_763 = arith.addi %parallel_loop3A_762, %parallel_loop3A_761 : i32
      %parallel_loop3A_764 = arith.index_cast %parallel_loop3A_763 : i32 to index
      %parallel_loop3A_765 = tpu.vector_load %arg10[%parallel_loop3A_764] {strides = array<i32>} : memref<6144xf32, #tpu.memory_space<vmem>>, vector<16xf32>,
      %parallel_loop3A_766 = arith.addf %parallel_loop3A_759, %parallel_loop3A_765 : vector<16xf32>
      %parallel_loop3A_767 = arith.constant 16 : i32
      %parallel_loop3A_768 = arith.muli %parallel_loop3A_748, %parallel_loop3A_767 : i32
      %parallel_loop3A_769 = arith.constant 1152 : i32
      %parallel_loop3A_770 = arith.addi %parallel_loop3A_769, %parallel_loop3A_768 : i32
      %parallel_loop3A_771 = arith.index_cast %parallel_loop3A_770 : i32 to index
      %parallel_loop3A_772 = tpu.vector_load %arg10[%parallel_loop3A_771] {strides = array<i32>} : memref<6144xf32, #tpu.memory_space<vmem>>, vector<16xf32>,
      %parallel_loop3A_773 = arith.addf %parallel_loop3A_766, %parallel_loop3A_772 : vector<16xf32>
      %parallel_loop3A_774 = arith.constant 16 : i32
      %parallel_loop3A_775 = arith.muli %parallel_loop3A_748, %parallel_loop3A_774 : i32
      %parallel_loop3A_776 = arith.constant 1536 : i32
      %parallel_loop3A_777 = arith.addi %parallel_loop3A_776, %parallel_loop3A_775 : i32
      %parallel_loop3A_778 = arith.index_cast %parallel_loop3A_777 : i32 to index
      %parallel_loop3A_779 = tpu.vector_load %arg10[%parallel_loop3A_778] {strides = array<i32>} : memref<6144xf32, #tpu.memory_space<vmem>>, vector<16xf32>,
      %parallel_loop3A_780 = arith.addf %parallel_loop3A_773, %parallel_loop3A_779 : vector<16xf32>
      %parallel_loop3A_781 = arith.constant 16 : i32
      %parallel_loop3A_782 = arith.muli %parallel_loop3A_748, %parallel_loop3A_781 : i32
      %parallel_loop3A_783 = arith.constant 1920 : i32
      %parallel_loop3A_784 = arith.addi %parallel_loop3A_783, %parallel_loop3A_782 : i32
      %parallel_loop3A_785 = arith.index_cast %parallel_loop3A_784 : i32 to index
      %parallel_loop3A_786 = tpu.vector_load %arg10[%parallel_loop3A_785] {strides = array<i32>} : memref<6144xf32, #tpu.memory_space<vmem>>, vector<16xf32>,
      %parallel_loop3A_787 = arith.addf %parallel_loop3A_780, %parallel_loop3A_786 : vector<16xf32>
      %parallel_loop3A_788 = arith.constant 16 : i32
      %parallel_loop3A_789 = arith.muli %parallel_loop3A_748, %parallel_loop3A_788 : i32
      %parallel_loop3A_790 = arith.constant 2304 : i32
      %parallel_loop3A_791 = arith.addi %parallel_loop3A_790, %parallel_loop3A_789 : i32
      %parallel_loop3A_792 = arith.index_cast %parallel_loop3A_791 : i32 to index
      %parallel_loop3A_793 = tpu.vector_load %arg10[%parallel_loop3A_792] {strides = array<i32>} : memref<6144xf32, #tpu.memory_space<vmem>>, vector<16xf32>,
      %parallel_loop3A_794 = arith.addf %parallel_loop3A_787, %parallel_loop3A_793 : vector<16xf32>
      %parallel_loop3A_795 = arith.constant 16 : i32
      %parallel_loop3A_796 = arith.muli %parallel_loop3A_748, %parallel_loop3A_795 : i32
      %parallel_loop3A_797 = arith.constant 2688 : i32
      %parallel_loop3A_798 = arith.addi %parallel_loop3A_797, %parallel_loop3A_796 : i32
      %parallel_loop3A_799 = arith.index_cast %parallel_loop3A_798 : i32 to index
      %parallel_loop3A_800 = tpu.vector_load %arg10[%parallel_loop3A_799] {strides = array<i32>} : memref<6144xf32, #tpu.memory_space<vmem>>, vector<16xf32>,
      %parallel_loop3A_801 = arith.addf %parallel_loop3A_794, %parallel_loop3A_800 : vector<16xf32>
      %parallel_loop3A_802 = arith.constant 16 : i32
      %parallel_loop3A_803 = arith.muli %parallel_loop3A_748, %parallel_loop3A_802 : i32
      %parallel_loop3A_804 = arith.constant 3072 : i32
      %parallel_loop3A_805 = arith.addi %parallel_loop3A_804, %parallel_loop3A_803 : i32
      %parallel_loop3A_806 = arith.index_cast %parallel_loop3A_805 : i32 to index
      %parallel_loop3A_807 = tpu.vector_load %arg10[%parallel_loop3A_806] {strides = array<i32>} : memref<6144xf32, #tpu.memory_space<vmem>>, vector<16xf32>,
      %parallel_loop3A_808 = arith.addf %parallel_loop3A_801, %parallel_loop3A_807 : vector<16xf32>
      %parallel_loop3A_809 = arith.constant 16 : i32
      %parallel_loop3A_810 = arith.muli %parallel_loop3A_748, %parallel_loop3A_809 : i32
      %parallel_loop3A_811 = arith.constant 3456 : i32
      %parallel_loop3A_812 = arith.addi %parallel_loop3A_811, %parallel_loop3A_810 : i32
      %parallel_loop3A_813 = arith.index_cast %parallel_loop3A_812 : i32 to index
      %parallel_loop3A_814 = tpu.vector_load %arg10[%parallel_loop3A_813] {strides = array<i32>} : memref<6144xf32, #tpu.memory_space<vmem>>, vector<16xf32>,
      %parallel_loop3A_815 = arith.addf %parallel_loop3A_808, %parallel_loop3A_814 : vector<16xf32>
      %parallel_loop3A_816 = arith.constant 16 : i32
      %parallel_loop3A_817 = arith.muli %parallel_loop3A_748, %parallel_loop3A_816 : i32
      %parallel_loop3A_818 = arith.constant 3840 : i32
      %parallel_loop3A_819 = arith.addi %parallel_loop3A_818, %parallel_loop3A_817 : i32
      %parallel_loop3A_820 = arith.index_cast %parallel_loop3A_819 : i32 to index
      %parallel_loop3A_821 = tpu.vector_load %arg10[%parallel_loop3A_820] {strides = array<i32>} : memref<6144xf32, #tpu.memory_space<vmem>>, vector<16xf32>,
      %parallel_loop3A_822 = arith.addf %parallel_loop3A_815, %parallel_loop3A_821 : vector<16xf32>
      %parallel_loop3A_823 = arith.constant 16 : i32
      %parallel_loop3A_824 = arith.muli %parallel_loop3A_748, %parallel_loop3A_823 : i32
      %parallel_loop3A_825 = arith.constant 4224 : i32
      %parallel_loop3A_826 = arith.addi %parallel_loop3A_825, %parallel_loop3A_824 : i32
      %parallel_loop3A_827 = arith.index_cast %parallel_loop3A_826 : i32 to index
      %parallel_loop3A_828 = tpu.vector_load %arg10[%parallel_loop3A_827] {strides = array<i32>} : memref<6144xf32, #tpu.memory_space<vmem>>, vector<16xf32>,
      %parallel_loop3A_829 = arith.addf %parallel_loop3A_822, %parallel_loop3A_828 : vector<16xf32>
      %parallel_loop3A_830 = arith.constant 16 : i32
      %parallel_loop3A_831 = arith.muli %parallel_loop3A_748, %parallel_loop3A_830 : i32
      %parallel_loop3A_832 = arith.constant 4608 : i32
      %parallel_loop3A_833 = arith.addi %parallel_loop3A_832, %parallel_loop3A_831 : i32
      %parallel_loop3A_834 = arith.index_cast %parallel_loop3A_833 : i32 to index
      %parallel_loop3A_835 = tpu.vector_load %arg10[%parallel_loop3A_834] {strides = array<i32>} : memref<6144xf32, #tpu.memory_space<vmem>>, vector<16xf32>,
      %parallel_loop3A_836 = arith.addf %parallel_loop3A_829, %parallel_loop3A_835 : vector<16xf32>
      %parallel_loop3A_837 = arith.constant 16 : i32
      %parallel_loop3A_838 = arith.muli %parallel_loop3A_748, %parallel_loop3A_837 : i32
      %parallel_loop3A_839 = arith.constant 4992 : i32
      %parallel_loop3A_840 = arith.addi %parallel_loop3A_839, %parallel_loop3A_838 : i32
      %parallel_loop3A_841 = arith.index_cast %parallel_loop3A_840 : i32 to index
      %parallel_loop3A_842 = tpu.vector_load %arg10[%parallel_loop3A_841] {strides = array<i32>} : memref<6144xf32, #tpu.memory_space<vmem>>, vector<16xf32>,
      %parallel_loop3A_843 = arith.addf %parallel_loop3A_836, %parallel_loop3A_842 : vector<16xf32>
      %parallel_loop3A_844 = arith.constant 16 : i32
      %parallel_loop3A_845 = arith.muli %parallel_loop3A_748, %parallel_loop3A_844 : i32
      %parallel_loop3A_846 = arith.constant 5376 : i32
      %parallel_loop3A_847 = arith.addi %parallel_loop3A_846, %parallel_loop3A_845 : i32
      %parallel_loop3A_848 = arith.index_cast %parallel_loop3A_847 : i32 to index
      %parallel_loop3A_849 = tpu.vector_load %arg10[%parallel_loop3A_848] {strides = array<i32>} : memref<6144xf32, #tpu.memory_space<vmem>>, vector<16xf32>,
      %parallel_loop3A_850 = arith.addf %parallel_loop3A_843, %parallel_loop3A_849 : vector<16xf32>
      %parallel_loop3A_851 = arith.constant 16 : i32
      %parallel_loop3A_852 = arith.muli %parallel_loop3A_748, %parallel_loop3A_851 : i32
      %parallel_loop3A_853 = arith.constant 5760 : i32
      %parallel_loop3A_854 = arith.addi %parallel_loop3A_853, %parallel_loop3A_852 : i32
      %parallel_loop3A_855 = arith.index_cast %parallel_loop3A_854 : i32 to index
      %parallel_loop3A_856 = tpu.vector_load %arg10[%parallel_loop3A_855] {strides = array<i32>} : memref<6144xf32, #tpu.memory_space<vmem>>, vector<16xf32>,
      %parallel_loop3A_857 = arith.addf %parallel_loop3A_850, %parallel_loop3A_856 : vector<16xf32>
      %parallel_loop3A_858 = arith.constant 1.000000e+00 : f32
      %parallel_loop3A_859 = vector.broadcast %parallel_loop3A_858 : f32 to vector<16xf32>
      %parallel_loop3A_860 = arith.addf %parallel_loop3A_857, %parallel_loop3A_859 : vector<16xf32>
      %parallel_loop3A_861 = tpu.bitcast %parallel_loop3A_860 : vector<16xf32> -> vector<16xi32>
      %parallel_loop3A_862 = arith.constant 1 : i32
      %parallel_loop3A_863 = vector.broadcast %parallel_loop3A_862 : i32 to vector<16xi32>
      %parallel_loop3A_864 = arith.shrsi %parallel_loop3A_861, %parallel_loop3A_863 : vector<16xi32>
      %parallel_loop3A_865 = arith.constant 1597463007 : i32
      %parallel_loop3A_866 = vector.broadcast %parallel_loop3A_865 : i32 to vector<16xi32>
      %parallel_loop3A_867 = arith.subi %parallel_loop3A_866, %parallel_loop3A_864 : vector<16xi32>
      %parallel_loop3A_868 = tpu.bitcast %parallel_loop3A_867 : vector<16xi32> -> vector<16xf32>
      %parallel_loop3A_869 = arith.constant 5.000000e-01 : f32
      %parallel_loop3A_870 = vector.broadcast %parallel_loop3A_869 : f32 to vector<16xf32>
      %parallel_loop3A_871 = arith.mulf %parallel_loop3A_870, %parallel_loop3A_860 : vector<16xf32>
      %parallel_loop3A_872 = arith.mulf %parallel_loop3A_871, %parallel_loop3A_868 : vector<16xf32>
      %parallel_loop3A_873 = arith.mulf %parallel_loop3A_872, %parallel_loop3A_868 : vector<16xf32>
      %parallel_loop3A_874 = arith.constant 1.500000e+00 : f32
      %parallel_loop3A_875 = vector.broadcast %parallel_loop3A_874 : f32 to vector<16xf32>
      %parallel_loop3A_876 = arith.subf %parallel_loop3A_875, %parallel_loop3A_873 : vector<16xf32>
      %parallel_loop3A_877 = arith.mulf %parallel_loop3A_868, %parallel_loop3A_876 : vector<16xf32>
      %parallel_loop3A_878 = arith.constant 5.000000e-01 : f32
      %parallel_loop3A_879 = vector.broadcast %parallel_loop3A_878 : f32 to vector<16xf32>
      %parallel_loop3A_880 = arith.mulf %parallel_loop3A_879, %parallel_loop3A_860 : vector<16xf32>
      %parallel_loop3A_881 = arith.mulf %parallel_loop3A_880, %parallel_loop3A_877 : vector<16xf32>
      %parallel_loop3A_882 = arith.mulf %parallel_loop3A_881, %parallel_loop3A_877 : vector<16xf32>
      %parallel_loop3A_883 = arith.constant 1.500000e+00 : f32
      %parallel_loop3A_884 = vector.broadcast %parallel_loop3A_883 : f32 to vector<16xf32>
      %parallel_loop3A_885 = arith.subf %parallel_loop3A_884, %parallel_loop3A_882 : vector<16xf32>
      %parallel_loop3A_886 = arith.mulf %parallel_loop3A_877, %parallel_loop3A_885 : vector<16xf32>
      %parallel_loop3A_887 = arith.constant 5.000000e-01 : f32
      %parallel_loop3A_888 = vector.broadcast %parallel_loop3A_887 : f32 to vector<16xf32>
      %parallel_loop3A_889 = arith.mulf %parallel_loop3A_888, %parallel_loop3A_860 : vector<16xf32>
      %parallel_loop3A_890 = arith.mulf %parallel_loop3A_889, %parallel_loop3A_886 : vector<16xf32>
      %parallel_loop3A_891 = arith.mulf %parallel_loop3A_890, %parallel_loop3A_886 : vector<16xf32>
      %parallel_loop3A_892 = arith.constant 1.500000e+00 : f32
      %parallel_loop3A_893 = vector.broadcast %parallel_loop3A_892 : f32 to vector<16xf32>
      %parallel_loop3A_894 = arith.subf %parallel_loop3A_893, %parallel_loop3A_891 : vector<16xf32>
      %parallel_loop3A_895 = arith.mulf %parallel_loop3A_886, %parallel_loop3A_894 : vector<16xf32>
      %parallel_loop3A_896 = arith.constant 16 : i32
      %parallel_loop3A_897 = arith.muli %parallel_loop3A_748, %parallel_loop3A_896 : i32
      %parallel_loop3A_898 = arith.index_cast %parallel_loop3A_897 : i32 to index
      %parallel_loop3A_899 = tpu.vector_load %arg16[%parallel_loop3A_898] {strides = array<i32>} : memref<384xf32, #tpu.memory_space<vmem>>, vector<16xf32>,
      tpu.vector_store %arg16[%parallel_loop3A_898], %parallel_loop3A_895 {strides = array<i32>} : memref<384xf32, #tpu.memory_space<vmem>>, vector<16xf32>,
      %parallel_loop3A_900 = arith.constant 16 : i32
      %parallel_loop3A_901 = arith.muli %parallel_loop3A_748, %parallel_loop3A_900 : i32
      %parallel_loop3A_902 = arith.index_cast %parallel_loop3A_901 : i32 to index
      %parallel_loop3A_903 = tpu.vector_load %arg14[%parallel_loop3A_902] {strides = array<i32>} : memref<384xf32, #tpu.memory_space<vmem>>, vector<16xf32>,
      %parallel_loop3A_904 = arith.mulf %parallel_loop3A_895, %parallel_loop3A_903 : vector<16xf32>
      %parallel_loop3A_905 = arith.constant 16 : i32
      %parallel_loop3A_906 = arith.muli %parallel_loop3A_748, %parallel_loop3A_905 : i32
      %parallel_loop3A_907 = arith.index_cast %parallel_loop3A_906 : i32 to index
      %parallel_loop3A_908 = tpu.vector_load %arg15[%parallel_loop3A_907] {strides = array<i32>} : memref<384xf32, #tpu.memory_space<vmem>>, vector<16xf32>,
      tpu.vector_store %arg15[%parallel_loop3A_907], %parallel_loop3A_904 {strides = array<i32>} : memref<384xf32, #tpu.memory_space<vmem>>, vector<16xf32>,
    } {sc.loop_unroll_factor = 1 : i64, sc.parallel_access}
    "tpu.region"() ({
      %run_scoped3A = tpu.sem_alloc : memref<!tpu.dma_semaphore, #tpu.memory_space<semaphore_mem>>
      %dma_start3A_748 = tpu.memref_slice %arg7[%add3A] : memref<12288xf32, #tpu.memory_space<hbm>> -> memref<384xf32, #tpu.memory_space<hbm>>
      %dma_start3A_749 = tpu.memref_slice %arg7[%add3A] : memref<12288xf32, #tpu.memory_space<hbm>> -> memref<384xf32, #tpu.memory_space<hbm>>
      tpu.enqueue_dma source(%arg15 : memref<384xf32, #tpu.memory_space<vmem>>) target(%dma_start3A_749 : memref<384xf32, #tpu.memory_space<hbm>>) target_semaphore(%run_scoped3A : memref<!tpu.dma_semaphore, #tpu.memory_space<semaphore_mem>>)
      %dma_wait3A_750 = tpu.memref_slice %arg7[%add3A] : memref<12288xf32, #tpu.memory_space<hbm>> -> memref<384xf32, #tpu.memory_space<hbm>>
      %dma_wait3A_751 = tpu.memref_slice %arg7[%add3A] : memref<12288xf32, #tpu.memory_space<hbm>> -> memref<384xf32, #tpu.memory_space<hbm>>
      tpu.wait_dma2 semaphore(%run_scoped3A : memref<!tpu.dma_semaphore, #tpu.memory_space<semaphore_mem>>) src(%arg15 : memref<384xf32, #tpu.memory_space<vmem>>) dst(%dma_wait3A_751 : memref<384xf32, #tpu.memory_space<hbm>>)
      tpu.yield
    }) : () -> ()
    %barrier3A_408 = arith.constant 0 : index
    tpu.barrier barrier_id(%barrier3A_408)
    %eq3A = arith.constant 0 : i32
    %eq3A_409 = arith.cmpi eq, %arg1, %eq3A : i32
    %convert_element_type3A_410 = arith.extui %eq3A_409 : i1 to i32
    %cond3A_411 = arith.constant 0 : i32
    %cond3A_412 = arith.cmpi ne, %convert_element_type3A_410, %cond3A_411 : i32
    scf.if %cond3A_412 {
      %sub3A_748 = arith.constant 1 : i32
      %sub3A_749 = arith.subi %sub3A_748, %arg0 : i32
      %semaphore_signal3A = arith.constant 1 : i32
      tpu.sem_signal %arg23, %semaphore_signal3A core_id %sub3A_749 : memref<!tpu.semaphore, #tpu.memory_space<semaphore_mem>>
      %semaphore_wait3A = arith.constant 1 : i32
      %semaphore_wait3A_750 = arith.constant true
      tpu.sem_wait %arg23, %semaphore_wait3A : memref<!tpu.semaphore, #tpu.memory_space<semaphore_mem>>
    } else {
    }
    %barrier3A_413 = arith.constant 0 : index
    tpu.barrier barrier_id(%barrier3A_413)
    tpu.enqueue_dma source(%arg7 : memref<12288xf32, #tpu.memory_space<hbm>>) target(%arg12 : memref<12288xf32, #tpu.memory_space<vmem>>) target_semaphore(%arg20 : memref<!tpu.dma_semaphore, #tpu.memory_space<semaphore_mem>>)
    %parallel_loop3A_414 = arith.constant 0 : i32
    %parallel_loop3A_415 = arith.constant 384 : i32
    %parallel_loop3A_416 = arith.constant 1 : i32
    scf.for %parallel_loop3A_748 = %parallel_loop3A_414 to %parallel_loop3A_415 step %parallel_loop3A_416  : i32 {
      %parallel_loop3A_749 = arith.constant 16 : i32
      %parallel_loop3A_750 = arith.muli %parallel_loop3A_748, %parallel_loop3A_749 : i32
      %parallel_loop3A_751 = arith.index_cast %parallel_loop3A_750 : i32 to index
      %parallel_loop3A_752 = tpu.vector_load %arg9[%parallel_loop3A_751] {strides = array<i32>} : memref<6144xf32, #tpu.memory_space<vmem>>, vector<16xf32>,
      tpu.vector_store %arg9[%parallel_loop3A_751], %broadcast_in_dim3A_39 {strides = array<i32>} : memref<6144xf32, #tpu.memory_space<vmem>>, vector<16xf32>,
    } {sc.loop_unroll_factor = 8 : i64, sc.parallel_access}
    tpu.wait_dma2 semaphore(%arg20 : memref<!tpu.dma_semaphore, #tpu.memory_space<semaphore_mem>>) src(%arg7 : memref<12288xf32, #tpu.memory_space<hbm>>) dst(%arg12 : memref<12288xf32, #tpu.memory_space<vmem>>)
    %parallel_loop3A_417 = arith.constant 0 : i32
    %parallel_loop3A_418 = arith.constant 1250 : i32
    %parallel_loop3A_419 = arith.constant 1 : i32
    scf.for %parallel_loop3A_748 = %parallel_loop3A_417 to %parallel_loop3A_418 step %parallel_loop3A_419  : i32 {
      %parallel_loop3A_749 = arith.constant 16 : i32
      %parallel_loop3A_750 = arith.muli %parallel_loop3A_748, %parallel_loop3A_749 : i32
      %parallel_loop3A_751 = arith.addi %sub3A_25, %parallel_loop3A_750 : i32
      %parallel_loop3A_752 = arith.constant 0 : i32
      %parallel_loop3A_753 = arith.index_cast %parallel_loop3A_752 : i32 to index
      %parallel_loop3A_754 = arith.index_cast %parallel_loop3A_751 : i32 to index
      %parallel_loop3A_755 = tpu.vector_load %arg8[%parallel_loop3A_753, %parallel_loop3A_754] {strides = array<i32>} : memref<2x20096xi32, #tpu.memory_space<vmem>>, vector<16xi32>,
      %parallel_loop3A_756 = arith.constant 16 : i32
      %parallel_loop3A_757 = arith.muli %parallel_loop3A_748, %parallel_loop3A_756 : i32
      %parallel_loop3A_758 = arith.addi %sub3A_25, %parallel_loop3A_757 : i32
      %parallel_loop3A_759 = arith.constant 1 : i32
      %parallel_loop3A_760 = arith.index_cast %parallel_loop3A_759 : i32 to index
      %parallel_loop3A_761 = arith.index_cast %parallel_loop3A_758 : i32 to index
      %parallel_loop3A_762 = tpu.vector_load %arg8[%parallel_loop3A_760, %parallel_loop3A_761] {strides = array<i32>} : memref<2x20096xi32, #tpu.memory_space<vmem>>, vector<16xi32>,
      %parallel_loop3A_763 = tpu.vector_load_idx %arg12[%parallel_loop3A_755] : memref<12288xf32, #tpu.memory_space<vmem>>[vector<16xi32>], vector<16xf32>,
      %parallel_loop3A_764 = vector.broadcast %mul3A_0 : i32 to vector<16xi32>
      %parallel_loop3A_765 = arith.subi %parallel_loop3A_762, %parallel_loop3A_764 : vector<16xi32>
      %parallel_loop3A_766 = tpu.bitcast %parallel_loop3A_765 : vector<16xi32> -> vector<16xi32>
      %parallel_loop3A_767 = arith.constant 6144 : i32
      %parallel_loop3A_768 = vector.broadcast %parallel_loop3A_767 : i32 to vector<16xi32>
      %parallel_loop3A_769 = arith.cmpi ult, %parallel_loop3A_766, %parallel_loop3A_768 : vector<16xi32>
      tpu.vector_store_idx %arg9[%parallel_loop3A_765], %parallel_loop3A_763 masked %parallel_loop3A_769 {add = true} : memref<6144xf32, #tpu.memory_space<vmem>>[vector<16xi32>], vector<16xf32>, vector<16xi1>
    } {sc.loop_unroll_factor = 4 : i64, sc.parallel_access}
    %mul3A_420 = arith.constant 6144 : i32
    %mul3A_421 = arith.muli %arg1, %mul3A_420 : i32
    "tpu.region"() ({
      %run_scoped3A = tpu.sem_alloc : memref<!tpu.dma_semaphore, #tpu.memory_space<semaphore_mem>>
      %dma_start3A_748 = tpu.memref_slice %arg19[%mul3A_421] : memref<98304xf32, #tpu.memory_space<vmem_shared>> -> memref<6144xf32, #tpu.memory_space<vmem_shared>>
      %dma_start3A_749 = tpu.memref_slice %arg19[%mul3A_421] : memref<98304xf32, #tpu.memory_space<vmem_shared>> -> memref<6144xf32, #tpu.memory_space<vmem_shared>>
      tpu.enqueue_dma source(%arg9 : memref<6144xf32, #tpu.memory_space<vmem>>) target(%dma_start3A_749 : memref<6144xf32, #tpu.memory_space<vmem_shared>>) target_semaphore(%run_scoped3A : memref<!tpu.dma_semaphore, #tpu.memory_space<semaphore_mem>>)
      %dma_wait3A_750 = tpu.memref_slice %arg19[%mul3A_421] : memref<98304xf32, #tpu.memory_space<vmem_shared>> -> memref<6144xf32, #tpu.memory_space<vmem_shared>>
      %dma_wait3A_751 = tpu.memref_slice %arg19[%mul3A_421] : memref<98304xf32, #tpu.memory_space<vmem_shared>> -> memref<6144xf32, #tpu.memory_space<vmem_shared>>
      tpu.wait_dma2 semaphore(%run_scoped3A : memref<!tpu.dma_semaphore, #tpu.memory_space<semaphore_mem>>) src(%arg9 : memref<6144xf32, #tpu.memory_space<vmem>>) dst(%dma_wait3A_751 : memref<6144xf32, #tpu.memory_space<vmem_shared>>)
      tpu.yield
    }) : () -> ()
    %barrier3A_422 = arith.constant 0 : index
    tpu.barrier barrier_id(%barrier3A_422)
    %mul3A_423 = arith.constant 384 : i32
    %mul3A_424 = arith.muli %arg1, %mul3A_423 : i32
    %add3A_425 = arith.constant 0 : i32
    %add3A_426 = arith.addi %add3A_425, %mul3A_424 : i32
    %dma_start3A_427 = arith.constant 0 : i32
    %dma_start3A_428 = tpu.memref_slice %arg10[%dma_start3A_427] : memref<6144xf32, #tpu.memory_space<vmem>> -> memref<384xf32, #tpu.memory_space<vmem>>
    %dma_start3A_429 = tpu.memref_slice %arg19[%add3A_426] : memref<98304xf32, #tpu.memory_space<vmem_shared>> -> memref<384xf32, #tpu.memory_space<vmem_shared>>
    %dma_start3A_430 = arith.constant 0 : i32
    %dma_start3A_431 = tpu.memref_slice %arg10[%dma_start3A_430] : memref<6144xf32, #tpu.memory_space<vmem>> -> memref<384xf32, #tpu.memory_space<vmem>>
    %dma_start3A_432 = tpu.memref_slice %arg19[%add3A_426] : memref<98304xf32, #tpu.memory_space<vmem_shared>> -> memref<384xf32, #tpu.memory_space<vmem_shared>>
    tpu.enqueue_dma source(%dma_start3A_432 : memref<384xf32, #tpu.memory_space<vmem_shared>>) target(%dma_start3A_431 : memref<384xf32, #tpu.memory_space<vmem>>) target_semaphore(%arg22 : memref<!tpu.dma_semaphore, #tpu.memory_space<semaphore_mem>>)
    %mul3A_433 = arith.constant 384 : i32
    %mul3A_434 = arith.muli %arg1, %mul3A_433 : i32
    %add3A_435 = arith.constant 6144 : i32
    %add3A_436 = arith.addi %add3A_435, %mul3A_434 : i32
    %dma_start3A_437 = arith.constant 384 : i32
    %dma_start3A_438 = tpu.memref_slice %arg10[%dma_start3A_437] : memref<6144xf32, #tpu.memory_space<vmem>> -> memref<384xf32, #tpu.memory_space<vmem>>
    %dma_start3A_439 = tpu.memref_slice %arg19[%add3A_436] : memref<98304xf32, #tpu.memory_space<vmem_shared>> -> memref<384xf32, #tpu.memory_space<vmem_shared>>
    %dma_start3A_440 = arith.constant 384 : i32
    %dma_start3A_441 = tpu.memref_slice %arg10[%dma_start3A_440] : memref<6144xf32, #tpu.memory_space<vmem>> -> memref<384xf32, #tpu.memory_space<vmem>>
    %dma_start3A_442 = tpu.memref_slice %arg19[%add3A_436] : memref<98304xf32, #tpu.memory_space<vmem_shared>> -> memref<384xf32, #tpu.memory_space<vmem_shared>>
    tpu.enqueue_dma source(%dma_start3A_442 : memref<384xf32, #tpu.memory_space<vmem_shared>>) target(%dma_start3A_441 : memref<384xf32, #tpu.memory_space<vmem>>) target_semaphore(%arg22 : memref<!tpu.dma_semaphore, #tpu.memory_space<semaphore_mem>>)
    %mul3A_443 = arith.constant 384 : i32
    %mul3A_444 = arith.muli %arg1, %mul3A_443 : i32
    %add3A_445 = arith.constant 12288 : i32
    %add3A_446 = arith.addi %add3A_445, %mul3A_444 : i32
    %dma_start3A_447 = arith.constant 768 : i32
    %dma_start3A_448 = tpu.memref_slice %arg10[%dma_start3A_447] : memref<6144xf32, #tpu.memory_space<vmem>> -> memref<384xf32, #tpu.memory_space<vmem>>
    %dma_start3A_449 = tpu.memref_slice %arg19[%add3A_446] : memref<98304xf32, #tpu.memory_space<vmem_shared>> -> memref<384xf32, #tpu.memory_space<vmem_shared>>
    %dma_start3A_450 = arith.constant 768 : i32
    %dma_start3A_451 = tpu.memref_slice %arg10[%dma_start3A_450] : memref<6144xf32, #tpu.memory_space<vmem>> -> memref<384xf32, #tpu.memory_space<vmem>>
    %dma_start3A_452 = tpu.memref_slice %arg19[%add3A_446] : memref<98304xf32, #tpu.memory_space<vmem_shared>> -> memref<384xf32, #tpu.memory_space<vmem_shared>>
    tpu.enqueue_dma source(%dma_start3A_452 : memref<384xf32, #tpu.memory_space<vmem_shared>>) target(%dma_start3A_451 : memref<384xf32, #tpu.memory_space<vmem>>) target_semaphore(%arg22 : memref<!tpu.dma_semaphore, #tpu.memory_space<semaphore_mem>>)
    %mul3A_453 = arith.constant 384 : i32
    %mul3A_454 = arith.muli %arg1, %mul3A_453 : i32
    %add3A_455 = arith.constant 18432 : i32
    %add3A_456 = arith.addi %add3A_455, %mul3A_454 : i32
    %dma_start3A_457 = arith.constant 1152 : i32
    %dma_start3A_458 = tpu.memref_slice %arg10[%dma_start3A_457] : memref<6144xf32, #tpu.memory_space<vmem>> -> memref<384xf32, #tpu.memory_space<vmem>>
    %dma_start3A_459 = tpu.memref_slice %arg19[%add3A_456] : memref<98304xf32, #tpu.memory_space<vmem_shared>> -> memref<384xf32, #tpu.memory_space<vmem_shared>>
    %dma_start3A_460 = arith.constant 1152 : i32
    %dma_start3A_461 = tpu.memref_slice %arg10[%dma_start3A_460] : memref<6144xf32, #tpu.memory_space<vmem>> -> memref<384xf32, #tpu.memory_space<vmem>>
    %dma_start3A_462 = tpu.memref_slice %arg19[%add3A_456] : memref<98304xf32, #tpu.memory_space<vmem_shared>> -> memref<384xf32, #tpu.memory_space<vmem_shared>>
    tpu.enqueue_dma source(%dma_start3A_462 : memref<384xf32, #tpu.memory_space<vmem_shared>>) target(%dma_start3A_461 : memref<384xf32, #tpu.memory_space<vmem>>) target_semaphore(%arg22 : memref<!tpu.dma_semaphore, #tpu.memory_space<semaphore_mem>>)
    %mul3A_463 = arith.constant 384 : i32
    %mul3A_464 = arith.muli %arg1, %mul3A_463 : i32
    %add3A_465 = arith.constant 24576 : i32
    %add3A_466 = arith.addi %add3A_465, %mul3A_464 : i32
    %dma_start3A_467 = arith.constant 1536 : i32
    %dma_start3A_468 = tpu.memref_slice %arg10[%dma_start3A_467] : memref<6144xf32, #tpu.memory_space<vmem>> -> memref<384xf32, #tpu.memory_space<vmem>>
    %dma_start3A_469 = tpu.memref_slice %arg19[%add3A_466] : memref<98304xf32, #tpu.memory_space<vmem_shared>> -> memref<384xf32, #tpu.memory_space<vmem_shared>>
    %dma_start3A_470 = arith.constant 1536 : i32
    %dma_start3A_471 = tpu.memref_slice %arg10[%dma_start3A_470] : memref<6144xf32, #tpu.memory_space<vmem>> -> memref<384xf32, #tpu.memory_space<vmem>>
    %dma_start3A_472 = tpu.memref_slice %arg19[%add3A_466] : memref<98304xf32, #tpu.memory_space<vmem_shared>> -> memref<384xf32, #tpu.memory_space<vmem_shared>>
    tpu.enqueue_dma source(%dma_start3A_472 : memref<384xf32, #tpu.memory_space<vmem_shared>>) target(%dma_start3A_471 : memref<384xf32, #tpu.memory_space<vmem>>) target_semaphore(%arg22 : memref<!tpu.dma_semaphore, #tpu.memory_space<semaphore_mem>>)
    %mul3A_473 = arith.constant 384 : i32
    %mul3A_474 = arith.muli %arg1, %mul3A_473 : i32
    %add3A_475 = arith.constant 30720 : i32
    %add3A_476 = arith.addi %add3A_475, %mul3A_474 : i32
    %dma_start3A_477 = arith.constant 1920 : i32
    %dma_start3A_478 = tpu.memref_slice %arg10[%dma_start3A_477] : memref<6144xf32, #tpu.memory_space<vmem>> -> memref<384xf32, #tpu.memory_space<vmem>>
    %dma_start3A_479 = tpu.memref_slice %arg19[%add3A_476] : memref<98304xf32, #tpu.memory_space<vmem_shared>> -> memref<384xf32, #tpu.memory_space<vmem_shared>>
    %dma_start3A_480 = arith.constant 1920 : i32
    %dma_start3A_481 = tpu.memref_slice %arg10[%dma_start3A_480] : memref<6144xf32, #tpu.memory_space<vmem>> -> memref<384xf32, #tpu.memory_space<vmem>>
    %dma_start3A_482 = tpu.memref_slice %arg19[%add3A_476] : memref<98304xf32, #tpu.memory_space<vmem_shared>> -> memref<384xf32, #tpu.memory_space<vmem_shared>>
    tpu.enqueue_dma source(%dma_start3A_482 : memref<384xf32, #tpu.memory_space<vmem_shared>>) target(%dma_start3A_481 : memref<384xf32, #tpu.memory_space<vmem>>) target_semaphore(%arg22 : memref<!tpu.dma_semaphore, #tpu.memory_space<semaphore_mem>>)
    %mul3A_483 = arith.constant 384 : i32
    %mul3A_484 = arith.muli %arg1, %mul3A_483 : i32
    %add3A_485 = arith.constant 36864 : i32
    %add3A_486 = arith.addi %add3A_485, %mul3A_484 : i32
    %dma_start3A_487 = arith.constant 2304 : i32
    %dma_start3A_488 = tpu.memref_slice %arg10[%dma_start3A_487] : memref<6144xf32, #tpu.memory_space<vmem>> -> memref<384xf32, #tpu.memory_space<vmem>>
    %dma_start3A_489 = tpu.memref_slice %arg19[%add3A_486] : memref<98304xf32, #tpu.memory_space<vmem_shared>> -> memref<384xf32, #tpu.memory_space<vmem_shared>>
    %dma_start3A_490 = arith.constant 2304 : i32
    %dma_start3A_491 = tpu.memref_slice %arg10[%dma_start3A_490] : memref<6144xf32, #tpu.memory_space<vmem>> -> memref<384xf32, #tpu.memory_space<vmem>>
    %dma_start3A_492 = tpu.memref_slice %arg19[%add3A_486] : memref<98304xf32, #tpu.memory_space<vmem_shared>> -> memref<384xf32, #tpu.memory_space<vmem_shared>>
    tpu.enqueue_dma source(%dma_start3A_492 : memref<384xf32, #tpu.memory_space<vmem_shared>>) target(%dma_start3A_491 : memref<384xf32, #tpu.memory_space<vmem>>) target_semaphore(%arg22 : memref<!tpu.dma_semaphore, #tpu.memory_space<semaphore_mem>>)
    %mul3A_493 = arith.constant 384 : i32
    %mul3A_494 = arith.muli %arg1, %mul3A_493 : i32
    %add3A_495 = arith.constant 43008 : i32
    %add3A_496 = arith.addi %add3A_495, %mul3A_494 : i32
    %dma_start3A_497 = arith.constant 2688 : i32
    %dma_start3A_498 = tpu.memref_slice %arg10[%dma_start3A_497] : memref<6144xf32, #tpu.memory_space<vmem>> -> memref<384xf32, #tpu.memory_space<vmem>>
    %dma_start3A_499 = tpu.memref_slice %arg19[%add3A_496] : memref<98304xf32, #tpu.memory_space<vmem_shared>> -> memref<384xf32, #tpu.memory_space<vmem_shared>>
    %dma_start3A_500 = arith.constant 2688 : i32
    %dma_start3A_501 = tpu.memref_slice %arg10[%dma_start3A_500] : memref<6144xf32, #tpu.memory_space<vmem>> -> memref<384xf32, #tpu.memory_space<vmem>>
    %dma_start3A_502 = tpu.memref_slice %arg19[%add3A_496] : memref<98304xf32, #tpu.memory_space<vmem_shared>> -> memref<384xf32, #tpu.memory_space<vmem_shared>>
    tpu.enqueue_dma source(%dma_start3A_502 : memref<384xf32, #tpu.memory_space<vmem_shared>>) target(%dma_start3A_501 : memref<384xf32, #tpu.memory_space<vmem>>) target_semaphore(%arg22 : memref<!tpu.dma_semaphore, #tpu.memory_space<semaphore_mem>>)
    %mul3A_503 = arith.constant 384 : i32
    %mul3A_504 = arith.muli %arg1, %mul3A_503 : i32
    %add3A_505 = arith.constant 49152 : i32
    %add3A_506 = arith.addi %add3A_505, %mul3A_504 : i32
    %dma_start3A_507 = arith.constant 3072 : i32
    %dma_start3A_508 = tpu.memref_slice %arg10[%dma_start3A_507] : memref<6144xf32, #tpu.memory_space<vmem>> -> memref<384xf32, #tpu.memory_space<vmem>>
    %dma_start3A_509 = tpu.memref_slice %arg19[%add3A_506] : memref<98304xf32, #tpu.memory_space<vmem_shared>> -> memref<384xf32, #tpu.memory_space<vmem_shared>>
    %dma_start3A_510 = arith.constant 3072 : i32
    %dma_start3A_511 = tpu.memref_slice %arg10[%dma_start3A_510] : memref<6144xf32, #tpu.memory_space<vmem>> -> memref<384xf32, #tpu.memory_space<vmem>>
    %dma_start3A_512 = tpu.memref_slice %arg19[%add3A_506] : memref<98304xf32, #tpu.memory_space<vmem_shared>> -> memref<384xf32, #tpu.memory_space<vmem_shared>>
    tpu.enqueue_dma source(%dma_start3A_512 : memref<384xf32, #tpu.memory_space<vmem_shared>>) target(%dma_start3A_511 : memref<384xf32, #tpu.memory_space<vmem>>) target_semaphore(%arg22 : memref<!tpu.dma_semaphore, #tpu.memory_space<semaphore_mem>>)
    %mul3A_513 = arith.constant 384 : i32
    %mul3A_514 = arith.muli %arg1, %mul3A_513 : i32
    %add3A_515 = arith.constant 55296 : i32
    %add3A_516 = arith.addi %add3A_515, %mul3A_514 : i32
    %dma_start3A_517 = arith.constant 3456 : i32
    %dma_start3A_518 = tpu.memref_slice %arg10[%dma_start3A_517] : memref<6144xf32, #tpu.memory_space<vmem>> -> memref<384xf32, #tpu.memory_space<vmem>>
    %dma_start3A_519 = tpu.memref_slice %arg19[%add3A_516] : memref<98304xf32, #tpu.memory_space<vmem_shared>> -> memref<384xf32, #tpu.memory_space<vmem_shared>>
    %dma_start3A_520 = arith.constant 3456 : i32
    %dma_start3A_521 = tpu.memref_slice %arg10[%dma_start3A_520] : memref<6144xf32, #tpu.memory_space<vmem>> -> memref<384xf32, #tpu.memory_space<vmem>>
    %dma_start3A_522 = tpu.memref_slice %arg19[%add3A_516] : memref<98304xf32, #tpu.memory_space<vmem_shared>> -> memref<384xf32, #tpu.memory_space<vmem_shared>>
    tpu.enqueue_dma source(%dma_start3A_522 : memref<384xf32, #tpu.memory_space<vmem_shared>>) target(%dma_start3A_521 : memref<384xf32, #tpu.memory_space<vmem>>) target_semaphore(%arg22 : memref<!tpu.dma_semaphore, #tpu.memory_space<semaphore_mem>>)
    %mul3A_523 = arith.constant 384 : i32
    %mul3A_524 = arith.muli %arg1, %mul3A_523 : i32
    %add3A_525 = arith.constant 61440 : i32
    %add3A_526 = arith.addi %add3A_525, %mul3A_524 : i32
    %dma_start3A_527 = arith.constant 3840 : i32
    %dma_start3A_528 = tpu.memref_slice %arg10[%dma_start3A_527] : memref<6144xf32, #tpu.memory_space<vmem>> -> memref<384xf32, #tpu.memory_space<vmem>>
    %dma_start3A_529 = tpu.memref_slice %arg19[%add3A_526] : memref<98304xf32, #tpu.memory_space<vmem_shared>> -> memref<384xf32, #tpu.memory_space<vmem_shared>>
    %dma_start3A_530 = arith.constant 3840 : i32
    %dma_start3A_531 = tpu.memref_slice %arg10[%dma_start3A_530] : memref<6144xf32, #tpu.memory_space<vmem>> -> memref<384xf32, #tpu.memory_space<vmem>>
    %dma_start3A_532 = tpu.memref_slice %arg19[%add3A_526] : memref<98304xf32, #tpu.memory_space<vmem_shared>> -> memref<384xf32, #tpu.memory_space<vmem_shared>>
    tpu.enqueue_dma source(%dma_start3A_532 : memref<384xf32, #tpu.memory_space<vmem_shared>>) target(%dma_start3A_531 : memref<384xf32, #tpu.memory_space<vmem>>) target_semaphore(%arg22 : memref<!tpu.dma_semaphore, #tpu.memory_space<semaphore_mem>>)
    %mul3A_533 = arith.constant 384 : i32
    %mul3A_534 = arith.muli %arg1, %mul3A_533 : i32
    %add3A_535 = arith.constant 67584 : i32
    %add3A_536 = arith.addi %add3A_535, %mul3A_534 : i32
    %dma_start3A_537 = arith.constant 4224 : i32
    %dma_start3A_538 = tpu.memref_slice %arg10[%dma_start3A_537] : memref<6144xf32, #tpu.memory_space<vmem>> -> memref<384xf32, #tpu.memory_space<vmem>>
    %dma_start3A_539 = tpu.memref_slice %arg19[%add3A_536] : memref<98304xf32, #tpu.memory_space<vmem_shared>> -> memref<384xf32, #tpu.memory_space<vmem_shared>>
    %dma_start3A_540 = arith.constant 4224 : i32
    %dma_start3A_541 = tpu.memref_slice %arg10[%dma_start3A_540] : memref<6144xf32, #tpu.memory_space<vmem>> -> memref<384xf32, #tpu.memory_space<vmem>>
    %dma_start3A_542 = tpu.memref_slice %arg19[%add3A_536] : memref<98304xf32, #tpu.memory_space<vmem_shared>> -> memref<384xf32, #tpu.memory_space<vmem_shared>>
    tpu.enqueue_dma source(%dma_start3A_542 : memref<384xf32, #tpu.memory_space<vmem_shared>>) target(%dma_start3A_541 : memref<384xf32, #tpu.memory_space<vmem>>) target_semaphore(%arg22 : memref<!tpu.dma_semaphore, #tpu.memory_space<semaphore_mem>>)
    %mul3A_543 = arith.constant 384 : i32
    %mul3A_544 = arith.muli %arg1, %mul3A_543 : i32
    %add3A_545 = arith.constant 73728 : i32
    %add3A_546 = arith.addi %add3A_545, %mul3A_544 : i32
    %dma_start3A_547 = arith.constant 4608 : i32
    %dma_start3A_548 = tpu.memref_slice %arg10[%dma_start3A_547] : memref<6144xf32, #tpu.memory_space<vmem>> -> memref<384xf32, #tpu.memory_space<vmem>>
    %dma_start3A_549 = tpu.memref_slice %arg19[%add3A_546] : memref<98304xf32, #tpu.memory_space<vmem_shared>> -> memref<384xf32, #tpu.memory_space<vmem_shared>>
    %dma_start3A_550 = arith.constant 4608 : i32
    %dma_start3A_551 = tpu.memref_slice %arg10[%dma_start3A_550] : memref<6144xf32, #tpu.memory_space<vmem>> -> memref<384xf32, #tpu.memory_space<vmem>>
    %dma_start3A_552 = tpu.memref_slice %arg19[%add3A_546] : memref<98304xf32, #tpu.memory_space<vmem_shared>> -> memref<384xf32, #tpu.memory_space<vmem_shared>>
    tpu.enqueue_dma source(%dma_start3A_552 : memref<384xf32, #tpu.memory_space<vmem_shared>>) target(%dma_start3A_551 : memref<384xf32, #tpu.memory_space<vmem>>) target_semaphore(%arg22 : memref<!tpu.dma_semaphore, #tpu.memory_space<semaphore_mem>>)
    %mul3A_553 = arith.constant 384 : i32
    %mul3A_554 = arith.muli %arg1, %mul3A_553 : i32
    %add3A_555 = arith.constant 79872 : i32
    %add3A_556 = arith.addi %add3A_555, %mul3A_554 : i32
    %dma_start3A_557 = arith.constant 4992 : i32
    %dma_start3A_558 = tpu.memref_slice %arg10[%dma_start3A_557] : memref<6144xf32, #tpu.memory_space<vmem>> -> memref<384xf32, #tpu.memory_space<vmem>>
    %dma_start3A_559 = tpu.memref_slice %arg19[%add3A_556] : memref<98304xf32, #tpu.memory_space<vmem_shared>> -> memref<384xf32, #tpu.memory_space<vmem_shared>>
    %dma_start3A_560 = arith.constant 4992 : i32
    %dma_start3A_561 = tpu.memref_slice %arg10[%dma_start3A_560] : memref<6144xf32, #tpu.memory_space<vmem>> -> memref<384xf32, #tpu.memory_space<vmem>>
    %dma_start3A_562 = tpu.memref_slice %arg19[%add3A_556] : memref<98304xf32, #tpu.memory_space<vmem_shared>> -> memref<384xf32, #tpu.memory_space<vmem_shared>>
    tpu.enqueue_dma source(%dma_start3A_562 : memref<384xf32, #tpu.memory_space<vmem_shared>>) target(%dma_start3A_561 : memref<384xf32, #tpu.memory_space<vmem>>) target_semaphore(%arg22 : memref<!tpu.dma_semaphore, #tpu.memory_space<semaphore_mem>>)
    %mul3A_563 = arith.constant 384 : i32
    %mul3A_564 = arith.muli %arg1, %mul3A_563 : i32
    %add3A_565 = arith.constant 86016 : i32
    %add3A_566 = arith.addi %add3A_565, %mul3A_564 : i32
    %dma_start3A_567 = arith.constant 5376 : i32
    %dma_start3A_568 = tpu.memref_slice %arg10[%dma_start3A_567] : memref<6144xf32, #tpu.memory_space<vmem>> -> memref<384xf32, #tpu.memory_space<vmem>>
    %dma_start3A_569 = tpu.memref_slice %arg19[%add3A_566] : memref<98304xf32, #tpu.memory_space<vmem_shared>> -> memref<384xf32, #tpu.memory_space<vmem_shared>>
    %dma_start3A_570 = arith.constant 5376 : i32
    %dma_start3A_571 = tpu.memref_slice %arg10[%dma_start3A_570] : memref<6144xf32, #tpu.memory_space<vmem>> -> memref<384xf32, #tpu.memory_space<vmem>>
    %dma_start3A_572 = tpu.memref_slice %arg19[%add3A_566] : memref<98304xf32, #tpu.memory_space<vmem_shared>> -> memref<384xf32, #tpu.memory_space<vmem_shared>>
    tpu.enqueue_dma source(%dma_start3A_572 : memref<384xf32, #tpu.memory_space<vmem_shared>>) target(%dma_start3A_571 : memref<384xf32, #tpu.memory_space<vmem>>) target_semaphore(%arg22 : memref<!tpu.dma_semaphore, #tpu.memory_space<semaphore_mem>>)
    %mul3A_573 = arith.constant 384 : i32
    %mul3A_574 = arith.muli %arg1, %mul3A_573 : i32
    %add3A_575 = arith.constant 92160 : i32
    %add3A_576 = arith.addi %add3A_575, %mul3A_574 : i32
    %dma_start3A_577 = arith.constant 5760 : i32
    %dma_start3A_578 = tpu.memref_slice %arg10[%dma_start3A_577] : memref<6144xf32, #tpu.memory_space<vmem>> -> memref<384xf32, #tpu.memory_space<vmem>>
    %dma_start3A_579 = tpu.memref_slice %arg19[%add3A_576] : memref<98304xf32, #tpu.memory_space<vmem_shared>> -> memref<384xf32, #tpu.memory_space<vmem_shared>>
    %dma_start3A_580 = arith.constant 5760 : i32
    %dma_start3A_581 = tpu.memref_slice %arg10[%dma_start3A_580] : memref<6144xf32, #tpu.memory_space<vmem>> -> memref<384xf32, #tpu.memory_space<vmem>>
    %dma_start3A_582 = tpu.memref_slice %arg19[%add3A_576] : memref<98304xf32, #tpu.memory_space<vmem_shared>> -> memref<384xf32, #tpu.memory_space<vmem_shared>>
    tpu.enqueue_dma source(%dma_start3A_582 : memref<384xf32, #tpu.memory_space<vmem_shared>>) target(%dma_start3A_581 : memref<384xf32, #tpu.memory_space<vmem>>) target_semaphore(%arg22 : memref<!tpu.dma_semaphore, #tpu.memory_space<semaphore_mem>>)
    %mul3A_583 = arith.constant 384 : i32
    %mul3A_584 = arith.muli %arg1, %mul3A_583 : i32
    %add3A_585 = arith.constant 0 : i32
    %add3A_586 = arith.addi %add3A_585, %mul3A_584 : i32
    %dma_wait3A_587 = arith.constant 0 : i32
    %dma_wait3A_588 = tpu.memref_slice %arg10[%dma_wait3A_587] : memref<6144xf32, #tpu.memory_space<vmem>> -> memref<384xf32, #tpu.memory_space<vmem>>
    %dma_wait3A_589 = tpu.memref_slice %arg19[%add3A_586] : memref<98304xf32, #tpu.memory_space<vmem_shared>> -> memref<384xf32, #tpu.memory_space<vmem_shared>>
    %dma_wait3A_590 = arith.constant 0 : i32
    %dma_wait3A_591 = tpu.memref_slice %arg10[%dma_wait3A_590] : memref<6144xf32, #tpu.memory_space<vmem>> -> memref<384xf32, #tpu.memory_space<vmem>>
    %dma_wait3A_592 = tpu.memref_slice %arg19[%add3A_586] : memref<98304xf32, #tpu.memory_space<vmem_shared>> -> memref<384xf32, #tpu.memory_space<vmem_shared>>
    tpu.wait_dma2 semaphore(%arg22 : memref<!tpu.dma_semaphore, #tpu.memory_space<semaphore_mem>>) src(%dma_wait3A_592 : memref<384xf32, #tpu.memory_space<vmem_shared>>) dst(%dma_wait3A_591 : memref<384xf32, #tpu.memory_space<vmem>>)
    %mul3A_593 = arith.constant 384 : i32
    %mul3A_594 = arith.muli %arg1, %mul3A_593 : i32
    %add3A_595 = arith.constant 6144 : i32
    %add3A_596 = arith.addi %add3A_595, %mul3A_594 : i32
    %dma_wait3A_597 = arith.constant 384 : i32
    %dma_wait3A_598 = tpu.memref_slice %arg10[%dma_wait3A_597] : memref<6144xf32, #tpu.memory_space<vmem>> -> memref<384xf32, #tpu.memory_space<vmem>>
    %dma_wait3A_599 = tpu.memref_slice %arg19[%add3A_596] : memref<98304xf32, #tpu.memory_space<vmem_shared>> -> memref<384xf32, #tpu.memory_space<vmem_shared>>
    %dma_wait3A_600 = arith.constant 384 : i32
    %dma_wait3A_601 = tpu.memref_slice %arg10[%dma_wait3A_600] : memref<6144xf32, #tpu.memory_space<vmem>> -> memref<384xf32, #tpu.memory_space<vmem>>
    %dma_wait3A_602 = tpu.memref_slice %arg19[%add3A_596] : memref<98304xf32, #tpu.memory_space<vmem_shared>> -> memref<384xf32, #tpu.memory_space<vmem_shared>>
    tpu.wait_dma2 semaphore(%arg22 : memref<!tpu.dma_semaphore, #tpu.memory_space<semaphore_mem>>) src(%dma_wait3A_602 : memref<384xf32, #tpu.memory_space<vmem_shared>>) dst(%dma_wait3A_601 : memref<384xf32, #tpu.memory_space<vmem>>)
    %mul3A_603 = arith.constant 384 : i32
    %mul3A_604 = arith.muli %arg1, %mul3A_603 : i32
    %add3A_605 = arith.constant 12288 : i32
    %add3A_606 = arith.addi %add3A_605, %mul3A_604 : i32
    %dma_wait3A_607 = arith.constant 768 : i32
    %dma_wait3A_608 = tpu.memref_slice %arg10[%dma_wait3A_607] : memref<6144xf32, #tpu.memory_space<vmem>> -> memref<384xf32, #tpu.memory_space<vmem>>
    %dma_wait3A_609 = tpu.memref_slice %arg19[%add3A_606] : memref<98304xf32, #tpu.memory_space<vmem_shared>> -> memref<384xf32, #tpu.memory_space<vmem_shared>>
    %dma_wait3A_610 = arith.constant 768 : i32
    %dma_wait3A_611 = tpu.memref_slice %arg10[%dma_wait3A_610] : memref<6144xf32, #tpu.memory_space<vmem>> -> memref<384xf32, #tpu.memory_space<vmem>>
    %dma_wait3A_612 = tpu.memref_slice %arg19[%add3A_606] : memref<98304xf32, #tpu.memory_space<vmem_shared>> -> memref<384xf32, #tpu.memory_space<vmem_shared>>
    tpu.wait_dma2 semaphore(%arg22 : memref<!tpu.dma_semaphore, #tpu.memory_space<semaphore_mem>>) src(%dma_wait3A_612 : memref<384xf32, #tpu.memory_space<vmem_shared>>) dst(%dma_wait3A_611 : memref<384xf32, #tpu.memory_space<vmem>>)
    %mul3A_613 = arith.constant 384 : i32
    %mul3A_614 = arith.muli %arg1, %mul3A_613 : i32
    %add3A_615 = arith.constant 18432 : i32
    %add3A_616 = arith.addi %add3A_615, %mul3A_614 : i32
    %dma_wait3A_617 = arith.constant 1152 : i32
    %dma_wait3A_618 = tpu.memref_slice %arg10[%dma_wait3A_617] : memref<6144xf32, #tpu.memory_space<vmem>> -> memref<384xf32, #tpu.memory_space<vmem>>
    %dma_wait3A_619 = tpu.memref_slice %arg19[%add3A_616] : memref<98304xf32, #tpu.memory_space<vmem_shared>> -> memref<384xf32, #tpu.memory_space<vmem_shared>>
    %dma_wait3A_620 = arith.constant 1152 : i32
    %dma_wait3A_621 = tpu.memref_slice %arg10[%dma_wait3A_620] : memref<6144xf32, #tpu.memory_space<vmem>> -> memref<384xf32, #tpu.memory_space<vmem>>
    %dma_wait3A_622 = tpu.memref_slice %arg19[%add3A_616] : memref<98304xf32, #tpu.memory_space<vmem_shared>> -> memref<384xf32, #tpu.memory_space<vmem_shared>>
    tpu.wait_dma2 semaphore(%arg22 : memref<!tpu.dma_semaphore, #tpu.memory_space<semaphore_mem>>) src(%dma_wait3A_622 : memref<384xf32, #tpu.memory_space<vmem_shared>>) dst(%dma_wait3A_621 : memref<384xf32, #tpu.memory_space<vmem>>)
    %mul3A_623 = arith.constant 384 : i32
    %mul3A_624 = arith.muli %arg1, %mul3A_623 : i32
    %add3A_625 = arith.constant 24576 : i32
    %add3A_626 = arith.addi %add3A_625, %mul3A_624 : i32
    %dma_wait3A_627 = arith.constant 1536 : i32
    %dma_wait3A_628 = tpu.memref_slice %arg10[%dma_wait3A_627] : memref<6144xf32, #tpu.memory_space<vmem>> -> memref<384xf32, #tpu.memory_space<vmem>>
    %dma_wait3A_629 = tpu.memref_slice %arg19[%add3A_626] : memref<98304xf32, #tpu.memory_space<vmem_shared>> -> memref<384xf32, #tpu.memory_space<vmem_shared>>
    %dma_wait3A_630 = arith.constant 1536 : i32
    %dma_wait3A_631 = tpu.memref_slice %arg10[%dma_wait3A_630] : memref<6144xf32, #tpu.memory_space<vmem>> -> memref<384xf32, #tpu.memory_space<vmem>>
    %dma_wait3A_632 = tpu.memref_slice %arg19[%add3A_626] : memref<98304xf32, #tpu.memory_space<vmem_shared>> -> memref<384xf32, #tpu.memory_space<vmem_shared>>
    tpu.wait_dma2 semaphore(%arg22 : memref<!tpu.dma_semaphore, #tpu.memory_space<semaphore_mem>>) src(%dma_wait3A_632 : memref<384xf32, #tpu.memory_space<vmem_shared>>) dst(%dma_wait3A_631 : memref<384xf32, #tpu.memory_space<vmem>>)
    %mul3A_633 = arith.constant 384 : i32
    %mul3A_634 = arith.muli %arg1, %mul3A_633 : i32
    %add3A_635 = arith.constant 30720 : i32
    %add3A_636 = arith.addi %add3A_635, %mul3A_634 : i32
    %dma_wait3A_637 = arith.constant 1920 : i32
    %dma_wait3A_638 = tpu.memref_slice %arg10[%dma_wait3A_637] : memref<6144xf32, #tpu.memory_space<vmem>> -> memref<384xf32, #tpu.memory_space<vmem>>
    %dma_wait3A_639 = tpu.memref_slice %arg19[%add3A_636] : memref<98304xf32, #tpu.memory_space<vmem_shared>> -> memref<384xf32, #tpu.memory_space<vmem_shared>>
    %dma_wait3A_640 = arith.constant 1920 : i32
    %dma_wait3A_641 = tpu.memref_slice %arg10[%dma_wait3A_640] : memref<6144xf32, #tpu.memory_space<vmem>> -> memref<384xf32, #tpu.memory_space<vmem>>
    %dma_wait3A_642 = tpu.memref_slice %arg19[%add3A_636] : memref<98304xf32, #tpu.memory_space<vmem_shared>> -> memref<384xf32, #tpu.memory_space<vmem_shared>>
    tpu.wait_dma2 semaphore(%arg22 : memref<!tpu.dma_semaphore, #tpu.memory_space<semaphore_mem>>) src(%dma_wait3A_642 : memref<384xf32, #tpu.memory_space<vmem_shared>>) dst(%dma_wait3A_641 : memref<384xf32, #tpu.memory_space<vmem>>)
    %mul3A_643 = arith.constant 384 : i32
    %mul3A_644 = arith.muli %arg1, %mul3A_643 : i32
    %add3A_645 = arith.constant 36864 : i32
    %add3A_646 = arith.addi %add3A_645, %mul3A_644 : i32
    %dma_wait3A_647 = arith.constant 2304 : i32
    %dma_wait3A_648 = tpu.memref_slice %arg10[%dma_wait3A_647] : memref<6144xf32, #tpu.memory_space<vmem>> -> memref<384xf32, #tpu.memory_space<vmem>>
    %dma_wait3A_649 = tpu.memref_slice %arg19[%add3A_646] : memref<98304xf32, #tpu.memory_space<vmem_shared>> -> memref<384xf32, #tpu.memory_space<vmem_shared>>
    %dma_wait3A_650 = arith.constant 2304 : i32
    %dma_wait3A_651 = tpu.memref_slice %arg10[%dma_wait3A_650] : memref<6144xf32, #tpu.memory_space<vmem>> -> memref<384xf32, #tpu.memory_space<vmem>>
    %dma_wait3A_652 = tpu.memref_slice %arg19[%add3A_646] : memref<98304xf32, #tpu.memory_space<vmem_shared>> -> memref<384xf32, #tpu.memory_space<vmem_shared>>
    tpu.wait_dma2 semaphore(%arg22 : memref<!tpu.dma_semaphore, #tpu.memory_space<semaphore_mem>>) src(%dma_wait3A_652 : memref<384xf32, #tpu.memory_space<vmem_shared>>) dst(%dma_wait3A_651 : memref<384xf32, #tpu.memory_space<vmem>>)
    %mul3A_653 = arith.constant 384 : i32
    %mul3A_654 = arith.muli %arg1, %mul3A_653 : i32
    %add3A_655 = arith.constant 43008 : i32
    %add3A_656 = arith.addi %add3A_655, %mul3A_654 : i32
    %dma_wait3A_657 = arith.constant 2688 : i32
    %dma_wait3A_658 = tpu.memref_slice %arg10[%dma_wait3A_657] : memref<6144xf32, #tpu.memory_space<vmem>> -> memref<384xf32, #tpu.memory_space<vmem>>
    %dma_wait3A_659 = tpu.memref_slice %arg19[%add3A_656] : memref<98304xf32, #tpu.memory_space<vmem_shared>> -> memref<384xf32, #tpu.memory_space<vmem_shared>>
    %dma_wait3A_660 = arith.constant 2688 : i32
    %dma_wait3A_661 = tpu.memref_slice %arg10[%dma_wait3A_660] : memref<6144xf32, #tpu.memory_space<vmem>> -> memref<384xf32, #tpu.memory_space<vmem>>
    %dma_wait3A_662 = tpu.memref_slice %arg19[%add3A_656] : memref<98304xf32, #tpu.memory_space<vmem_shared>> -> memref<384xf32, #tpu.memory_space<vmem_shared>>
    tpu.wait_dma2 semaphore(%arg22 : memref<!tpu.dma_semaphore, #tpu.memory_space<semaphore_mem>>) src(%dma_wait3A_662 : memref<384xf32, #tpu.memory_space<vmem_shared>>) dst(%dma_wait3A_661 : memref<384xf32, #tpu.memory_space<vmem>>)
    %mul3A_663 = arith.constant 384 : i32
    %mul3A_664 = arith.muli %arg1, %mul3A_663 : i32
    %add3A_665 = arith.constant 49152 : i32
    %add3A_666 = arith.addi %add3A_665, %mul3A_664 : i32
    %dma_wait3A_667 = arith.constant 3072 : i32
    %dma_wait3A_668 = tpu.memref_slice %arg10[%dma_wait3A_667] : memref<6144xf32, #tpu.memory_space<vmem>> -> memref<384xf32, #tpu.memory_space<vmem>>
    %dma_wait3A_669 = tpu.memref_slice %arg19[%add3A_666] : memref<98304xf32, #tpu.memory_space<vmem_shared>> -> memref<384xf32, #tpu.memory_space<vmem_shared>>
    %dma_wait3A_670 = arith.constant 3072 : i32
    %dma_wait3A_671 = tpu.memref_slice %arg10[%dma_wait3A_670] : memref<6144xf32, #tpu.memory_space<vmem>> -> memref<384xf32, #tpu.memory_space<vmem>>
    %dma_wait3A_672 = tpu.memref_slice %arg19[%add3A_666] : memref<98304xf32, #tpu.memory_space<vmem_shared>> -> memref<384xf32, #tpu.memory_space<vmem_shared>>
    tpu.wait_dma2 semaphore(%arg22 : memref<!tpu.dma_semaphore, #tpu.memory_space<semaphore_mem>>) src(%dma_wait3A_672 : memref<384xf32, #tpu.memory_space<vmem_shared>>) dst(%dma_wait3A_671 : memref<384xf32, #tpu.memory_space<vmem>>)
    %mul3A_673 = arith.constant 384 : i32
    %mul3A_674 = arith.muli %arg1, %mul3A_673 : i32
    %add3A_675 = arith.constant 55296 : i32
    %add3A_676 = arith.addi %add3A_675, %mul3A_674 : i32
    %dma_wait3A_677 = arith.constant 3456 : i32
    %dma_wait3A_678 = tpu.memref_slice %arg10[%dma_wait3A_677] : memref<6144xf32, #tpu.memory_space<vmem>> -> memref<384xf32, #tpu.memory_space<vmem>>
    %dma_wait3A_679 = tpu.memref_slice %arg19[%add3A_676] : memref<98304xf32, #tpu.memory_space<vmem_shared>> -> memref<384xf32, #tpu.memory_space<vmem_shared>>
    %dma_wait3A_680 = arith.constant 3456 : i32
    %dma_wait3A_681 = tpu.memref_slice %arg10[%dma_wait3A_680] : memref<6144xf32, #tpu.memory_space<vmem>> -> memref<384xf32, #tpu.memory_space<vmem>>
    %dma_wait3A_682 = tpu.memref_slice %arg19[%add3A_676] : memref<98304xf32, #tpu.memory_space<vmem_shared>> -> memref<384xf32, #tpu.memory_space<vmem_shared>>
    tpu.wait_dma2 semaphore(%arg22 : memref<!tpu.dma_semaphore, #tpu.memory_space<semaphore_mem>>) src(%dma_wait3A_682 : memref<384xf32, #tpu.memory_space<vmem_shared>>) dst(%dma_wait3A_681 : memref<384xf32, #tpu.memory_space<vmem>>)
    %mul3A_683 = arith.constant 384 : i32
    %mul3A_684 = arith.muli %arg1, %mul3A_683 : i32
    %add3A_685 = arith.constant 61440 : i32
    %add3A_686 = arith.addi %add3A_685, %mul3A_684 : i32
    %dma_wait3A_687 = arith.constant 3840 : i32
    %dma_wait3A_688 = tpu.memref_slice %arg10[%dma_wait3A_687] : memref<6144xf32, #tpu.memory_space<vmem>> -> memref<384xf32, #tpu.memory_space<vmem>>
    %dma_wait3A_689 = tpu.memref_slice %arg19[%add3A_686] : memref<98304xf32, #tpu.memory_space<vmem_shared>> -> memref<384xf32, #tpu.memory_space<vmem_shared>>
    %dma_wait3A_690 = arith.constant 3840 : i32
    %dma_wait3A_691 = tpu.memref_slice %arg10[%dma_wait3A_690] : memref<6144xf32, #tpu.memory_space<vmem>> -> memref<384xf32, #tpu.memory_space<vmem>>
    %dma_wait3A_692 = tpu.memref_slice %arg19[%add3A_686] : memref<98304xf32, #tpu.memory_space<vmem_shared>> -> memref<384xf32, #tpu.memory_space<vmem_shared>>
    tpu.wait_dma2 semaphore(%arg22 : memref<!tpu.dma_semaphore, #tpu.memory_space<semaphore_mem>>) src(%dma_wait3A_692 : memref<384xf32, #tpu.memory_space<vmem_shared>>) dst(%dma_wait3A_691 : memref<384xf32, #tpu.memory_space<vmem>>)
    %mul3A_693 = arith.constant 384 : i32
    %mul3A_694 = arith.muli %arg1, %mul3A_693 : i32
    %add3A_695 = arith.constant 67584 : i32
    %add3A_696 = arith.addi %add3A_695, %mul3A_694 : i32
    %dma_wait3A_697 = arith.constant 4224 : i32
    %dma_wait3A_698 = tpu.memref_slice %arg10[%dma_wait3A_697] : memref<6144xf32, #tpu.memory_space<vmem>> -> memref<384xf32, #tpu.memory_space<vmem>>
    %dma_wait3A_699 = tpu.memref_slice %arg19[%add3A_696] : memref<98304xf32, #tpu.memory_space<vmem_shared>> -> memref<384xf32, #tpu.memory_space<vmem_shared>>
    %dma_wait3A_700 = arith.constant 4224 : i32
    %dma_wait3A_701 = tpu.memref_slice %arg10[%dma_wait3A_700] : memref<6144xf32, #tpu.memory_space<vmem>> -> memref<384xf32, #tpu.memory_space<vmem>>
    %dma_wait3A_702 = tpu.memref_slice %arg19[%add3A_696] : memref<98304xf32, #tpu.memory_space<vmem_shared>> -> memref<384xf32, #tpu.memory_space<vmem_shared>>
    tpu.wait_dma2 semaphore(%arg22 : memref<!tpu.dma_semaphore, #tpu.memory_space<semaphore_mem>>) src(%dma_wait3A_702 : memref<384xf32, #tpu.memory_space<vmem_shared>>) dst(%dma_wait3A_701 : memref<384xf32, #tpu.memory_space<vmem>>)
    %mul3A_703 = arith.constant 384 : i32
    %mul3A_704 = arith.muli %arg1, %mul3A_703 : i32
    %add3A_705 = arith.constant 73728 : i32
    %add3A_706 = arith.addi %add3A_705, %mul3A_704 : i32
    %dma_wait3A_707 = arith.constant 4608 : i32
    %dma_wait3A_708 = tpu.memref_slice %arg10[%dma_wait3A_707] : memref<6144xf32, #tpu.memory_space<vmem>> -> memref<384xf32, #tpu.memory_space<vmem>>
    %dma_wait3A_709 = tpu.memref_slice %arg19[%add3A_706] : memref<98304xf32, #tpu.memory_space<vmem_shared>> -> memref<384xf32, #tpu.memory_space<vmem_shared>>
    %dma_wait3A_710 = arith.constant 4608 : i32
    %dma_wait3A_711 = tpu.memref_slice %arg10[%dma_wait3A_710] : memref<6144xf32, #tpu.memory_space<vmem>> -> memref<384xf32, #tpu.memory_space<vmem>>
    %dma_wait3A_712 = tpu.memref_slice %arg19[%add3A_706] : memref<98304xf32, #tpu.memory_space<vmem_shared>> -> memref<384xf32, #tpu.memory_space<vmem_shared>>
    tpu.wait_dma2 semaphore(%arg22 : memref<!tpu.dma_semaphore, #tpu.memory_space<semaphore_mem>>) src(%dma_wait3A_712 : memref<384xf32, #tpu.memory_space<vmem_shared>>) dst(%dma_wait3A_711 : memref<384xf32, #tpu.memory_space<vmem>>)
    %mul3A_713 = arith.constant 384 : i32
    %mul3A_714 = arith.muli %arg1, %mul3A_713 : i32
    %add3A_715 = arith.constant 79872 : i32
    %add3A_716 = arith.addi %add3A_715, %mul3A_714 : i32
    %dma_wait3A_717 = arith.constant 4992 : i32
    %dma_wait3A_718 = tpu.memref_slice %arg10[%dma_wait3A_717] : memref<6144xf32, #tpu.memory_space<vmem>> -> memref<384xf32, #tpu.memory_space<vmem>>
    %dma_wait3A_719 = tpu.memref_slice %arg19[%add3A_716] : memref<98304xf32, #tpu.memory_space<vmem_shared>> -> memref<384xf32, #tpu.memory_space<vmem_shared>>
    %dma_wait3A_720 = arith.constant 4992 : i32
    %dma_wait3A_721 = tpu.memref_slice %arg10[%dma_wait3A_720] : memref<6144xf32, #tpu.memory_space<vmem>> -> memref<384xf32, #tpu.memory_space<vmem>>
    %dma_wait3A_722 = tpu.memref_slice %arg19[%add3A_716] : memref<98304xf32, #tpu.memory_space<vmem_shared>> -> memref<384xf32, #tpu.memory_space<vmem_shared>>
    tpu.wait_dma2 semaphore(%arg22 : memref<!tpu.dma_semaphore, #tpu.memory_space<semaphore_mem>>) src(%dma_wait3A_722 : memref<384xf32, #tpu.memory_space<vmem_shared>>) dst(%dma_wait3A_721 : memref<384xf32, #tpu.memory_space<vmem>>)
    %mul3A_723 = arith.constant 384 : i32
    %mul3A_724 = arith.muli %arg1, %mul3A_723 : i32
    %add3A_725 = arith.constant 86016 : i32
    %add3A_726 = arith.addi %add3A_725, %mul3A_724 : i32
    %dma_wait3A_727 = arith.constant 5376 : i32
    %dma_wait3A_728 = tpu.memref_slice %arg10[%dma_wait3A_727] : memref<6144xf32, #tpu.memory_space<vmem>> -> memref<384xf32, #tpu.memory_space<vmem>>
    %dma_wait3A_729 = tpu.memref_slice %arg19[%add3A_726] : memref<98304xf32, #tpu.memory_space<vmem_shared>> -> memref<384xf32, #tpu.memory_space<vmem_shared>>
    %dma_wait3A_730 = arith.constant 5376 : i32
    %dma_wait3A_731 = tpu.memref_slice %arg10[%dma_wait3A_730] : memref<6144xf32, #tpu.memory_space<vmem>> -> memref<384xf32, #tpu.memory_space<vmem>>
    %dma_wait3A_732 = tpu.memref_slice %arg19[%add3A_726] : memref<98304xf32, #tpu.memory_space<vmem_shared>> -> memref<384xf32, #tpu.memory_space<vmem_shared>>
    tpu.wait_dma2 semaphore(%arg22 : memref<!tpu.dma_semaphore, #tpu.memory_space<semaphore_mem>>) src(%dma_wait3A_732 : memref<384xf32, #tpu.memory_space<vmem_shared>>) dst(%dma_wait3A_731 : memref<384xf32, #tpu.memory_space<vmem>>)
    %mul3A_733 = arith.constant 384 : i32
    %mul3A_734 = arith.muli %arg1, %mul3A_733 : i32
    %add3A_735 = arith.constant 92160 : i32
    %add3A_736 = arith.addi %add3A_735, %mul3A_734 : i32
    %dma_wait3A_737 = arith.constant 5760 : i32
    %dma_wait3A_738 = tpu.memref_slice %arg10[%dma_wait3A_737] : memref<6144xf32, #tpu.memory_space<vmem>> -> memref<384xf32, #tpu.memory_space<vmem>>
    %dma_wait3A_739 = tpu.memref_slice %arg19[%add3A_736] : memref<98304xf32, #tpu.memory_space<vmem_shared>> -> memref<384xf32, #tpu.memory_space<vmem_shared>>
    %dma_wait3A_740 = arith.constant 5760 : i32
    %dma_wait3A_741 = tpu.memref_slice %arg10[%dma_wait3A_740] : memref<6144xf32, #tpu.memory_space<vmem>> -> memref<384xf32, #tpu.memory_space<vmem>>
    %dma_wait3A_742 = tpu.memref_slice %arg19[%add3A_736] : memref<98304xf32, #tpu.memory_space<vmem_shared>> -> memref<384xf32, #tpu.memory_space<vmem_shared>>
    tpu.wait_dma2 semaphore(%arg22 : memref<!tpu.dma_semaphore, #tpu.memory_space<semaphore_mem>>) src(%dma_wait3A_742 : memref<384xf32, #tpu.memory_space<vmem_shared>>) dst(%dma_wait3A_741 : memref<384xf32, #tpu.memory_space<vmem>>)
    %get3A_743 = arith.constant 0 : index
    %get3A_744 = tpu.vector_load %arg18[%get3A_743] {strides = array<i32>} : memref<16xf32, #tpu.memory_space<vmem>>, vector<16xf32>,
    %parallel_loop3A_745 = arith.constant 0 : i32
    %parallel_loop3A_746 = arith.constant 24 : i32
    %parallel_loop3A_747 = arith.constant 1 : i32
    scf.for %parallel_loop3A_748 = %parallel_loop3A_745 to %parallel_loop3A_746 step %parallel_loop3A_747  : i32 {
      %parallel_loop3A_749 = arith.constant 16 : i32
      %parallel_loop3A_750 = arith.muli %parallel_loop3A_748, %parallel_loop3A_749 : i32
      %parallel_loop3A_751 = arith.index_cast %parallel_loop3A_750 : i32 to index
      %parallel_loop3A_752 = tpu.vector_load %arg10[%parallel_loop3A_751] {strides = array<i32>} : memref<6144xf32, #tpu.memory_space<vmem>>, vector<16xf32>,
      %parallel_loop3A_753 = arith.constant 16 : i32
      %parallel_loop3A_754 = arith.muli %parallel_loop3A_748, %parallel_loop3A_753 : i32
      %parallel_loop3A_755 = arith.constant 384 : i32
      %parallel_loop3A_756 = arith.addi %parallel_loop3A_755, %parallel_loop3A_754 : i32
      %parallel_loop3A_757 = arith.index_cast %parallel_loop3A_756 : i32 to index
      %parallel_loop3A_758 = tpu.vector_load %arg10[%parallel_loop3A_757] {strides = array<i32>} : memref<6144xf32, #tpu.memory_space<vmem>>, vector<16xf32>,
      %parallel_loop3A_759 = arith.addf %parallel_loop3A_752, %parallel_loop3A_758 : vector<16xf32>
      %parallel_loop3A_760 = arith.constant 16 : i32
      %parallel_loop3A_761 = arith.muli %parallel_loop3A_748, %parallel_loop3A_760 : i32
      %parallel_loop3A_762 = arith.constant 768 : i32
      %parallel_loop3A_763 = arith.addi %parallel_loop3A_762, %parallel_loop3A_761 : i32
      %parallel_loop3A_764 = arith.index_cast %parallel_loop3A_763 : i32 to index
      %parallel_loop3A_765 = tpu.vector_load %arg10[%parallel_loop3A_764] {strides = array<i32>} : memref<6144xf32, #tpu.memory_space<vmem>>, vector<16xf32>,
      %parallel_loop3A_766 = arith.addf %parallel_loop3A_759, %parallel_loop3A_765 : vector<16xf32>
      %parallel_loop3A_767 = arith.constant 16 : i32
      %parallel_loop3A_768 = arith.muli %parallel_loop3A_748, %parallel_loop3A_767 : i32
      %parallel_loop3A_769 = arith.constant 1152 : i32
      %parallel_loop3A_770 = arith.addi %parallel_loop3A_769, %parallel_loop3A_768 : i32
      %parallel_loop3A_771 = arith.index_cast %parallel_loop3A_770 : i32 to index
      %parallel_loop3A_772 = tpu.vector_load %arg10[%parallel_loop3A_771] {strides = array<i32>} : memref<6144xf32, #tpu.memory_space<vmem>>, vector<16xf32>,
      %parallel_loop3A_773 = arith.addf %parallel_loop3A_766, %parallel_loop3A_772 : vector<16xf32>
      %parallel_loop3A_774 = arith.constant 16 : i32
      %parallel_loop3A_775 = arith.muli %parallel_loop3A_748, %parallel_loop3A_774 : i32
      %parallel_loop3A_776 = arith.constant 1536 : i32
      %parallel_loop3A_777 = arith.addi %parallel_loop3A_776, %parallel_loop3A_775 : i32
      %parallel_loop3A_778 = arith.index_cast %parallel_loop3A_777 : i32 to index
      %parallel_loop3A_779 = tpu.vector_load %arg10[%parallel_loop3A_778] {strides = array<i32>} : memref<6144xf32, #tpu.memory_space<vmem>>, vector<16xf32>,
      %parallel_loop3A_780 = arith.addf %parallel_loop3A_773, %parallel_loop3A_779 : vector<16xf32>
      %parallel_loop3A_781 = arith.constant 16 : i32
      %parallel_loop3A_782 = arith.muli %parallel_loop3A_748, %parallel_loop3A_781 : i32
      %parallel_loop3A_783 = arith.constant 1920 : i32
      %parallel_loop3A_784 = arith.addi %parallel_loop3A_783, %parallel_loop3A_782 : i32
      %parallel_loop3A_785 = arith.index_cast %parallel_loop3A_784 : i32 to index
      %parallel_loop3A_786 = tpu.vector_load %arg10[%parallel_loop3A_785] {strides = array<i32>} : memref<6144xf32, #tpu.memory_space<vmem>>, vector<16xf32>,
      %parallel_loop3A_787 = arith.addf %parallel_loop3A_780, %parallel_loop3A_786 : vector<16xf32>
      %parallel_loop3A_788 = arith.constant 16 : i32
      %parallel_loop3A_789 = arith.muli %parallel_loop3A_748, %parallel_loop3A_788 : i32
      %parallel_loop3A_790 = arith.constant 2304 : i32
      %parallel_loop3A_791 = arith.addi %parallel_loop3A_790, %parallel_loop3A_789 : i32
      %parallel_loop3A_792 = arith.index_cast %parallel_loop3A_791 : i32 to index
      %parallel_loop3A_793 = tpu.vector_load %arg10[%parallel_loop3A_792] {strides = array<i32>} : memref<6144xf32, #tpu.memory_space<vmem>>, vector<16xf32>,
      %parallel_loop3A_794 = arith.addf %parallel_loop3A_787, %parallel_loop3A_793 : vector<16xf32>
      %parallel_loop3A_795 = arith.constant 16 : i32
      %parallel_loop3A_796 = arith.muli %parallel_loop3A_748, %parallel_loop3A_795 : i32
      %parallel_loop3A_797 = arith.constant 2688 : i32
      %parallel_loop3A_798 = arith.addi %parallel_loop3A_797, %parallel_loop3A_796 : i32
      %parallel_loop3A_799 = arith.index_cast %parallel_loop3A_798 : i32 to index
      %parallel_loop3A_800 = tpu.vector_load %arg10[%parallel_loop3A_799] {strides = array<i32>} : memref<6144xf32, #tpu.memory_space<vmem>>, vector<16xf32>,
      %parallel_loop3A_801 = arith.addf %parallel_loop3A_794, %parallel_loop3A_800 : vector<16xf32>
      %parallel_loop3A_802 = arith.constant 16 : i32
      %parallel_loop3A_803 = arith.muli %parallel_loop3A_748, %parallel_loop3A_802 : i32
      %parallel_loop3A_804 = arith.constant 3072 : i32
      %parallel_loop3A_805 = arith.addi %parallel_loop3A_804, %parallel_loop3A_803 : i32
      %parallel_loop3A_806 = arith.index_cast %parallel_loop3A_805 : i32 to index
      %parallel_loop3A_807 = tpu.vector_load %arg10[%parallel_loop3A_806] {strides = array<i32>} : memref<6144xf32, #tpu.memory_space<vmem>>, vector<16xf32>,
      %parallel_loop3A_808 = arith.addf %parallel_loop3A_801, %parallel_loop3A_807 : vector<16xf32>
      %parallel_loop3A_809 = arith.constant 16 : i32
      %parallel_loop3A_810 = arith.muli %parallel_loop3A_748, %parallel_loop3A_809 : i32
      %parallel_loop3A_811 = arith.constant 3456 : i32
      %parallel_loop3A_812 = arith.addi %parallel_loop3A_811, %parallel_loop3A_810 : i32
      %parallel_loop3A_813 = arith.index_cast %parallel_loop3A_812 : i32 to index
      %parallel_loop3A_814 = tpu.vector_load %arg10[%parallel_loop3A_813] {strides = array<i32>} : memref<6144xf32, #tpu.memory_space<vmem>>, vector<16xf32>,
      %parallel_loop3A_815 = arith.addf %parallel_loop3A_808, %parallel_loop3A_814 : vector<16xf32>
      %parallel_loop3A_816 = arith.constant 16 : i32
      %parallel_loop3A_817 = arith.muli %parallel_loop3A_748, %parallel_loop3A_816 : i32
      %parallel_loop3A_818 = arith.constant 3840 : i32
      %parallel_loop3A_819 = arith.addi %parallel_loop3A_818, %parallel_loop3A_817 : i32
      %parallel_loop3A_820 = arith.index_cast %parallel_loop3A_819 : i32 to index
      %parallel_loop3A_821 = tpu.vector_load %arg10[%parallel_loop3A_820] {strides = array<i32>} : memref<6144xf32, #tpu.memory_space<vmem>>, vector<16xf32>,
      %parallel_loop3A_822 = arith.addf %parallel_loop3A_815, %parallel_loop3A_821 : vector<16xf32>
      %parallel_loop3A_823 = arith.constant 16 : i32
      %parallel_loop3A_824 = arith.muli %parallel_loop3A_748, %parallel_loop3A_823 : i32
      %parallel_loop3A_825 = arith.constant 4224 : i32
      %parallel_loop3A_826 = arith.addi %parallel_loop3A_825, %parallel_loop3A_824 : i32
      %parallel_loop3A_827 = arith.index_cast %parallel_loop3A_826 : i32 to index
      %parallel_loop3A_828 = tpu.vector_load %arg10[%parallel_loop3A_827] {strides = array<i32>} : memref<6144xf32, #tpu.memory_space<vmem>>, vector<16xf32>,
      %parallel_loop3A_829 = arith.addf %parallel_loop3A_822, %parallel_loop3A_828 : vector<16xf32>
      %parallel_loop3A_830 = arith.constant 16 : i32
      %parallel_loop3A_831 = arith.muli %parallel_loop3A_748, %parallel_loop3A_830 : i32
      %parallel_loop3A_832 = arith.constant 4608 : i32
      %parallel_loop3A_833 = arith.addi %parallel_loop3A_832, %parallel_loop3A_831 : i32
      %parallel_loop3A_834 = arith.index_cast %parallel_loop3A_833 : i32 to index
      %parallel_loop3A_835 = tpu.vector_load %arg10[%parallel_loop3A_834] {strides = array<i32>} : memref<6144xf32, #tpu.memory_space<vmem>>, vector<16xf32>,
      %parallel_loop3A_836 = arith.addf %parallel_loop3A_829, %parallel_loop3A_835 : vector<16xf32>
      %parallel_loop3A_837 = arith.constant 16 : i32
      %parallel_loop3A_838 = arith.muli %parallel_loop3A_748, %parallel_loop3A_837 : i32
      %parallel_loop3A_839 = arith.constant 4992 : i32
      %parallel_loop3A_840 = arith.addi %parallel_loop3A_839, %parallel_loop3A_838 : i32
      %parallel_loop3A_841 = arith.index_cast %parallel_loop3A_840 : i32 to index
      %parallel_loop3A_842 = tpu.vector_load %arg10[%parallel_loop3A_841] {strides = array<i32>} : memref<6144xf32, #tpu.memory_space<vmem>>, vector<16xf32>,
      %parallel_loop3A_843 = arith.addf %parallel_loop3A_836, %parallel_loop3A_842 : vector<16xf32>
      %parallel_loop3A_844 = arith.constant 16 : i32
      %parallel_loop3A_845 = arith.muli %parallel_loop3A_748, %parallel_loop3A_844 : i32
      %parallel_loop3A_846 = arith.constant 5376 : i32
      %parallel_loop3A_847 = arith.addi %parallel_loop3A_846, %parallel_loop3A_845 : i32
      %parallel_loop3A_848 = arith.index_cast %parallel_loop3A_847 : i32 to index
      %parallel_loop3A_849 = tpu.vector_load %arg10[%parallel_loop3A_848] {strides = array<i32>} : memref<6144xf32, #tpu.memory_space<vmem>>, vector<16xf32>,
      %parallel_loop3A_850 = arith.addf %parallel_loop3A_843, %parallel_loop3A_849 : vector<16xf32>
      %parallel_loop3A_851 = arith.constant 16 : i32
      %parallel_loop3A_852 = arith.muli %parallel_loop3A_748, %parallel_loop3A_851 : i32
      %parallel_loop3A_853 = arith.constant 5760 : i32
      %parallel_loop3A_854 = arith.addi %parallel_loop3A_853, %parallel_loop3A_852 : i32
      %parallel_loop3A_855 = arith.index_cast %parallel_loop3A_854 : i32 to index
      %parallel_loop3A_856 = tpu.vector_load %arg10[%parallel_loop3A_855] {strides = array<i32>} : memref<6144xf32, #tpu.memory_space<vmem>>, vector<16xf32>,
      %parallel_loop3A_857 = arith.addf %parallel_loop3A_850, %parallel_loop3A_856 : vector<16xf32>
      %parallel_loop3A_858 = arith.constant 16 : i32
      %parallel_loop3A_859 = arith.muli %parallel_loop3A_748, %parallel_loop3A_858 : i32
      %parallel_loop3A_860 = arith.index_cast %parallel_loop3A_859 : i32 to index
      %parallel_loop3A_861 = tpu.vector_load %arg16[%parallel_loop3A_860] {strides = array<i32>} : memref<384xf32, #tpu.memory_space<vmem>>, vector<16xf32>,
      %parallel_loop3A_862 = arith.mulf %parallel_loop3A_861, %parallel_loop3A_857 : vector<16xf32>
      %parallel_loop3A_863 = arith.constant 16 : i32
      %parallel_loop3A_864 = arith.muli %parallel_loop3A_748, %parallel_loop3A_863 : i32
      %parallel_loop3A_865 = arith.index_cast %parallel_loop3A_864 : i32 to index
      %parallel_loop3A_866 = tpu.vector_load %arg15[%parallel_loop3A_865] {strides = array<i32>} : memref<384xf32, #tpu.memory_space<vmem>>, vector<16xf32>,
      %parallel_loop3A_867 = arith.mulf %parallel_loop3A_861, %parallel_loop3A_866 : vector<16xf32>
      %parallel_loop3A_868 = arith.addf %parallel_loop3A_862, %parallel_loop3A_867 : vector<16xf32>
      %parallel_loop3A_869 = arith.addf %parallel_loop3A_868, %get3A_744 : vector<16xf32>
      %parallel_loop3A_870 = arith.constant 0.000000e+00 : f32
      %parallel_loop3A_871 = vector.broadcast %parallel_loop3A_870 : f32 to vector<16xf32>
      %parallel_loop3A_872 = arith.maximumf %parallel_loop3A_869, %parallel_loop3A_871 : vector<16xf32>
      %parallel_loop3A_873 = arith.constant 16 : i32
      %parallel_loop3A_874 = arith.muli %parallel_loop3A_748, %parallel_loop3A_873 : i32
      %parallel_loop3A_875 = arith.index_cast %parallel_loop3A_874 : i32 to index
      %parallel_loop3A_876 = tpu.vector_load %arg17[%parallel_loop3A_875] {strides = array<i32>} : memref<384xf32, #tpu.memory_space<vmem>>, vector<16xf32>,
      tpu.vector_store %arg17[%parallel_loop3A_875], %parallel_loop3A_872 {strides = array<i32>} : memref<384xf32, #tpu.memory_space<vmem>>, vector<16xf32>,
    } {sc.loop_unroll_factor = 1 : i64, sc.parallel_access}
    "tpu.region"() ({
      %run_scoped3A = tpu.sem_alloc : memref<!tpu.dma_semaphore, #tpu.memory_space<semaphore_mem>>
      %dma_start3A_748 = tpu.memref_slice %arg6[%add3A] : memref<12288xf32, #tpu.memory_space<hbm>> -> memref<384xf32, #tpu.memory_space<hbm>>
      %dma_start3A_749 = tpu.memref_slice %arg6[%add3A] : memref<12288xf32, #tpu.memory_space<hbm>> -> memref<384xf32, #tpu.memory_space<hbm>>
      tpu.enqueue_dma source(%arg17 : memref<384xf32, #tpu.memory_space<vmem>>) target(%dma_start3A_749 : memref<384xf32, #tpu.memory_space<hbm>>) target_semaphore(%run_scoped3A : memref<!tpu.dma_semaphore, #tpu.memory_space<semaphore_mem>>)
      %dma_wait3A_750 = tpu.memref_slice %arg6[%add3A] : memref<12288xf32, #tpu.memory_space<hbm>> -> memref<384xf32, #tpu.memory_space<hbm>>
      %dma_wait3A_751 = tpu.memref_slice %arg6[%add3A] : memref<12288xf32, #tpu.memory_space<hbm>> -> memref<384xf32, #tpu.memory_space<hbm>>
      tpu.wait_dma2 semaphore(%run_scoped3A : memref<!tpu.dma_semaphore, #tpu.memory_space<semaphore_mem>>) src(%arg17 : memref<384xf32, #tpu.memory_space<vmem>>) dst(%dma_wait3A_751 : memref<384xf32, #tpu.memory_space<hbm>>)
      tpu.yield
    }) : () -> ()
    return
  }
}

</mosaic_0001>

<sc_bundles>
// kernel: kernel.3.cloned.1.call-start
scs
__scs_entry_jumppad:
0x0: {  	(pc) =	sbr.rel $0x88, $3  }
0x1: {  	(tag) =	ssettag $0x0;
	lr =	simm.s32 $0x1  }
0x2: {  	[smem:$0x3F9D] =	sst lr;
	_ =	strace $0xD0000000  }
0x3: {  	_ = 	snop  }
0x4: {  	_ = 	snop  }
0x5: {  	_ = 	snop  }
0x6: {  	_ = 	snop  }
0x7: {  	_ = 	snop  }
__scs_overlays_trampoline_lowered:
0x8: {  	[smem:$0x3FAC] =	sst s0  }
0x9: {  	[smem:$0x3FAD] =	sst s1  }
0xa: {  	[smem:$0x3FAE] =	sst s2  }
0xb: {  	[smem:$0x3FAF] =	sst s3  }
0xc: {  	[smem:$0x3FB0] =	sst s4  }
0xd: {  	[smem:$0x3FB1] =	sst s5  }
0xe: {  	[smem:$0x3FB2] =	sst s6  }
0xf: {  	[smem:$0x3FB3] =	sst s7  }
0x10: {  	[smem:$0x3FB4] =	sst s8  }
0x11: {  	[smem:$0x3FB5] =	sst s9;
	s0 =	simm.s32 @!p0 $0x0  }
0x12: {  	s1 =	sld [smem:$0x3F9B];
	s0 =	simm.s32 @p0 $0x1  }
0x13: {  	[smem:$0x3FB6] =	sst s0;
	s0 =	simm.s32 @!p1 $0x0  }
0x14: {  	s2 =	sld [smem:$0x3F9A];
	s0 =	simm.s32 @p1 $0x1  }
0x15: {  	[smem:$0x3FB7] =	sst s0;
	s0 =	simm.s32 @!p2 $0x0  }
0x16: {  	s3 =	sld [smem:$0x3FDB];
	s0 =	simm.s32 @p2 $0x1  }
0x17: {  	s4 =	simm.s32 $0x1BF5;
	[smem:$0x3FB9] =	sst s0  }
0x18: {  	s0 =	sld [smem:$0x3F9C];
	_ =	swait.ge [sflag:s4], $0x0  }
0x19: {  	s7 =	sld [smem:$0x3F9D]  }
0x1a: {  	s8 =	sadd.s32 $0xFFFFE003, lr  }
0x1b: {  	s9 =	sadd.s32 $0xFFFFFEF7, lr;
	s5 =	simm.s32 $0xFFFFFFFF;
	p2 =	slt.u32 s8, $0xFFFFF086  }
0x1c: {  	p1 =	slt.u32 s9, $0xF7A;
	s5 =	simm.s32 @!p2 $0x0  }
0x1d: {  	s5 =	simm.s32 @p1 $0x1;
	p0 =	seq.s32 s7, s2  }
0x1e: {  	s7 =	smul.u32 @!p0 $0xF7A, s2;
	p2 =	seq.s32 @!p0 s5, $0x0  }
0x1f: {  	s9 =	smul.u32 $0xF7A, s1;
	s8 =	simm.s32 @!p0 $0x1BF5;
	p2 =	por !p2, p0  }
0x20: {  	[sflag:s8] =	ssyncset.s32 @!p0 $0xFFFFF086;
	s6 =	sadd.s32 @!p0 s3, s7;
	s7 =	simm.s32 @!p0 $0x108  }
0x21: {  	s3 =	sadd.s32 s3, s9;
	s6 =	sadd.s32 @!p0 $0x88, s6;
	s7 =	simm.s32 @p2 $0x1082  }
0x22: {  	[simem:s7], [sflag:s8] =	dma.local @!p0 [hbm:s6], $0xF7A  }
0x23: {  	s9 =	sor.u32 $0xD0000000, s2;
	s6 =	simm.s32 $0x108;
	_ =	swait.ge @!p0 [sflag:s8], $0x0  }
0x24: {  	s3 =	sadd.s32 $0x88, s3;
	s6 =	simm.s32 @!p1 $0x1082;
	[sflag:s4] =	ssyncset.s32 $0xFFFFF086  }
0x25: {  	[simem:s6], [sflag:s4] =	dma.local [hbm:s3], $0xF7A  }
0x26: {  	[smem:$0x3F9D] =	sst s1;
	(tag) =	ssettag s2;
	_ =	strace s9  }
0x27: {  	s1 =	sld [smem:$0x3FAD]  }
0x28: {  	s2 =	sld [smem:$0x3FAE]  }
0x29: {  	s4 =	sld [smem:$0x3FB0]  }
0x2a: {  	p0 =	seq.s32 s5, $0x0;
	s5 =	sld [smem:$0x3FB1]  }
0x2b: {  	s6 =	sld [smem:$0x3FB2]  }
0x2c: {  	s7 =	sld [smem:$0x3FB3]  }
0x2d: {  	s3 =	simm.s32 $0x108;
	s8 =	sld [smem:$0x3FB4]  }
0x2e: {  	s3 =	simm.s32 @!p0 $0x1082;
	s9 =	sld [smem:$0x3FB5]  }
0x2f: {  	lr =	sadd.s32 s0, s3;
	s0 =	sld [smem:$0x3FAC]  }
0x30: {  	s3 =	sld [smem:$0x3FAF]  }
0x31: {  	[smem:$0x3FB8] =	sst s10  }
0x32: {  	s10 =	sld [smem:$0x3FB6];
	_ =	sdelay $0x3  }
0x33: {  	p0 =	seq.s32 s10, $0x1;
	s10 =	sld [smem:$0x3FB8];
	_ =	sdelay $0x3  }
0x34: {  	[smem:$0x3FB8] =	sst s10  }
0x35: {  	s10 =	sld [smem:$0x3FB7];
	_ =	sdelay $0x3  }
0x36: {  	p1 =	seq.s32 s10, $0x1;
	s10 =	sld [smem:$0x3FB8];
	_ =	sdelay $0x3  }
0x37: {  	[smem:$0x3FB8] =	sst s10  }
0x38: {  	s10 =	sld [smem:$0x3FB9]  }
0x39: {  	_ = 	snop;
	(pc) =	sbr.ind lr, $3  }
0x3a: {  	_ = 	snop  }
0x3b: {  	_ = 	snop  }
0x3c: {  	p2 =	seq.s32 s10, $0x1;
	s10 =	sld [smem:$0x3FB8]  }
0x3d: {  	_ =	shalt  }
0x3e: {  	_ =	shalt  }
0x3f: {  	_ =	shalt  }
0x40: {  	_ =	shalt  }
0x41: {  	_ =	shalt  }
0x42: {  	_ =	shalt  }
0x43: {  	_ =	shalt  }
0x44: {  	_ =	shalt  }
0x45: {  	_ =	shalt  }
0x46: {  	_ =	shalt  }
0x47: {  	_ =	shalt  }
0x48: {  	_ =	shalt  }
0x49: {  	_ =	shalt  }
0x4a: {  	_ =	shalt  }
0x4b: {  	_ =	shalt  }
0x4c: {  	_ =	shalt  }
0x4d: {  	_ =	shalt  }
0x4e: {  	_ =	shalt  }
0x4f: {  	_ =	shalt  }
0x50: {  	_ =	shalt  }
0x51: {  	_ =	shalt  }
0x52: {  	_ =	shalt  }
0x53: {  	_ =	shalt  }
0x54: {  	_ =	shalt  }
0x55: {  	_ =	shalt  }
0x56: {  	_ =	shalt  }
0x57: {  	_ =	shalt  }
0x58: {  	_ =	shalt  }
0x59: {  	_ =	shalt  }
0x5a: {  	_ =	shalt  }
0x5b: {  	_ =	shalt  }
0x5c: {  	_ =	shalt  }
0x5d: {  	_ =	shalt  }
0x5e: {  	_ =	shalt  }
0x5f: {  	_ =	shalt  }
0x60: {  	_ =	shalt  }
0x61: {  	_ =	shalt  }
0x62: {  	_ =	shalt  }
0x63: {  	_ =	shalt  }
0x64: {  	_ =	shalt  }
0x65: {  	_ =	shalt  }
0x66: {  	_ =	shalt  }
0x67: {  	_ =	shalt  }
0x68: {  	_ =	shalt  }
0x69: {  	_ =	shalt  }
0x6a: {  	_ =	shalt  }
0x6b: {  	_ =	shalt  }
0x6c: {  	_ =	shalt  }
0x6d: {  	_ =	shalt  }
0x6e: {  	_ =	shalt  }
0x6f: {  	_ =	shalt  }
0x70: {  	_ =	shalt  }
0x71: {  	_ =	shalt  }
0x72: {  	_ =	shalt  }
0x73: {  	_ =	shalt  }
0x74: {  	_ =	shalt  }
0x75: {  	_ =	shalt  }
0x76: {  	_ =	shalt  }
0x77: {  	_ =	shalt  }
0x78: {  	_ =	shalt  }
0x79: {  	_ =	shalt  }
0x7a: {  	_ =	shalt  }
0x7b: {  	_ =	shalt  }
0x7c: {  	_ =	shalt  }
0x7d: {  	_ =	shalt  }
0x7e: {  	_ =	shalt  }
0x7f: {  	_ =	shalt  }
0x80: {  	_ =	shalt  }
0x81: {  	_ =	shalt  }
0x82: {  	_ =	shalt  }
0x83: {  	_ =	shalt  }
0x84: {  	_ =	shalt  }
0x85: {  	_ =	shalt  }
0x86: {  	_ =	shalt  }
0x87: {  	_ =	shalt  }
.Lfunc_end0:
.L_simem_size_0:
called_computation_lowered:
.L_overlay_start_0:
0x88: {  	s2 =	sld [smem:$0x3FD9]  }
0x89: {  	s3 =	sld [smem:$0x3FFE];
	_ =	sdelay $0x1  }
0x8a: {  	s1 =	srdreg.scid  }
0x8b: {  	s0 =	sand.u32 $0x1, s1  }
0x8c: {  	s17 =	sshll.u32 s0, $0xA;
	s2 =	sadd.s32 s3, s2  }
0x8d: {  	s2 =	sadd.s32 s2, s17  }
0x8e: {  	[smem:$0x3FC4] =	sst s2  }
0x8f: {  	_ = 	snop  }
0x90: {  	s2 =	sld [smem:$0x3FC9]  }
0x91: {  	s18 =	sld [smem:$0x3FC8]  }
0x92: {  	s4 =	sld [smem:$0x3FC7];
	(tm) =	ssettm $0x1  }
0x93: {  	s5 =	sld [smem:$0x3FFB];
	_ =	sdelay $0x3  }
0x94: {  	_ =	strace s5  }
0x95: {  	s5 =	sld [smem:$0x3FFC];
	_ =	sdelay $0x3  }
0x96: {  	_ =	strace s5  }
0x97: {  	s5 =	sld [smem:$0x3FFD];
	_ =	sdelay $0x3  }
0x98: {  	_ =	strace s5  }
0x99: {  	_ =	strace $0x8FFFFFFF  }
0x9a: {  	s19 =	sld [smem:$0x3FDB];
	_ =	sdelay $0x1  }
0x9b: {  	s6 =	simm.s32 $_scs_section_size  }
0x9c: {  	s7 =	simm.s32 $_size__tile_overlayer_lowered;
	s8 =	simm.s32 $_tile_overlayer_lowered  }
0x9d: {  	s22 =	simm.s32 $0x1BFF;
	s21 =	sshll.u32 s8, $0x1;
	s5 =	sadd.s32 s6, s19  }
0x9e: {  	s9 =	simm.s32 $0x0;
	s20 =	sshll.u32 s7, $0x1;
	s7 =	sadd.s32 s21, s5  }
0x9f: {  	[timem:s9], [sflag:s22] =	dma.local [hbm:s7], s20  }
0xa0: {  	_ =	swait.ge [sflag:s22], s20  }
0xa1: {  	s6 =	ssub.s32 $0x0, s20;
	[sflag:s22] =	ssyncset.done $0x0  }
0xa2: {  	[sflag:s22] =	ssyncadd.s32 s6;
	_ =	sdelay $0x1  }
0xa3: {  	s23 =	simm.s32 $0x1B8B  }
0xa4: {  	_ =	swait.ge [sflag:s23], $0x1  }
0xa5: {  	[sflag:s23] =	ssyncset.done $0x0  }
0xa6: {  	s25 =	simm.s32 $0x1B8E;
	s24 =	sld [smem:$0x3FFE];
	[sflag:s23] =	ssyncadd.s32 $0xFFFFFFFF  }
0xa7: {  	s26 =	simm.s32 $execute0_lowered;
	[smem:$0x3FD2] =	sst s25  }
0xa8: {  	s7 =	sshll.u32 s26, $0x1;
	_ =	strace $0x80000046;
	[dreg:$0x1] =	wrdreg $0xFFFFFFFF  }
0xa9: {  	s28 =	simm.s32 $_size_execute0_lowered;
	s5 =	sadd.s32 s5, s7;
	[dreg:$0x0] =	wrdreg $0x0  }
0xaa: {  	s7 =	sshll.u32 s28, $0x1;
	[dreg:$0x2] =	wrdreg s5  }
0xab: {  	[dreg:$0x3] =	wrdreg s7  }
0xac: {  	[dreg:$0x4] =	wrdreg $0xC0  }
0xad: {  	_ =	task [dreg:s9], $0x5FFFF  }
0xae: {  	[dreg:$0x1] =	wrdreg $0xFFFFFFFF  }
0xaf: {  	[dreg:$0x0] =	wrdreg $0x60  }
0xb0: {  	[dreg:$0x2] =	wrdreg s2  }
0xb1: {  	[dreg:$0x3] =	wrdreg s4  }
0xb2: {  	[dreg:$0x4] =	wrdreg s18  }
0xb3: {  	[dreg:$0x5] =	wrdreg s24  }
0xb4: {  	[dreg:$0x6] =	wrdreg $0x1C4000  }
0xb5: {  	[dreg:$0x7] =	wrdreg $0x9  }
0xb6: {  	_ =	task.clear_ibuf [dreg:s9], $0x8FFFF;
	_ =	strace $0x90000046  }
0xb7: {  	s29 =	simm.s32 $0x9;
	_ =	strace $0x80000048  }
0xb8: {  	_ =	swait.ge [sflag:s29], $0x1  }
0xb9: {  	[sflag:s29] =	ssyncadd.s32 $0xFFFFFFFF  }
0xba: {  	_ =	strace $0x90000048  }
0xbb: {  	_ =	sfence  }
0xbc: {  	s30 =	sld [smem:$0x0];
	_ =	sdelay $0x2  }
0xbd: {  	s31 =	sshll.u32 s1, $0xD;
	s1 =	sshrl.u32 s1, $0x2  }
0xbe: {  	s3 =	sand.u32 $0x4000, s31;
	s1 =	sadd.s32 s1, s30  }
0xbf: {  	s0 =	sor.u32 s3, s0;
	s1 =	sshll.u32 s1, $0x11  }
0xc0: {  	s0 =	sor.u32 s1, s0  }
0xc1: {  	s0 =	sadd.s32 $0x8F2B, s0  }
0xc2: {  	[sflag:s0] =	ssyncadd.remote.s32 $0x1  }
0xc3: {  	_ =	sfence.sel $0xFFFF  }
0xc4: {  	[dreg:$0x0] =	wrdreg $0xFFFFFFFF;
	(pc) =	sbr.abs _section_cstart, $3  }
0xc5: {  	[dreg:$0x1] =	wrdreg $0xFFFFFFFF  }
0xc6: {  	_ =	task.clear_ibuf [dreg:s9], $0x2FFFF;
	_ =	strace $0x9FFFFFFF  }
0xc7: {  	(tm) =	ssettm $0x7FFFFFFF  }
tec
execute0_lowered:
.L_overlay_start_1:
0x0: {  	(tag) =	ssettag $0x1  }
0x1: {  	s0 =	rddreg [dreg:$0x0]  }
0x2: {  	s1 =	rddreg [dreg:$0x2]  }
0x3: {  	s4 =	rddreg [dreg:$0x3]  }
0x4: {  	s5 =	rddreg [dreg:$0x4];
	s9 =	stileid.u32  }
0x5: {  	s7 =	srdreg.scid;
	s2 =	simm.s32 $0x0;
	s6 =	smul.u32 $0x180, s9  }
0x6: {  	s8 =	sand.u32 $0x1, s7;
	[smem:$0x7FF] =	sst s2;
	s14 =	smul.u32 $0x4E20, s9  }
0x7: {  	s10 =	sadd.s32 $0x800, s4;
	s18 =	sadd.s32 $0xA00, s4;
	s16 =	smul.u32 $0x6000, s9  }
0x8: {  	p0 =	sne.s32 s9, $0x0;
	_ =	strace $0x80000047;
	[dreg:$0x6] =	wrdreg s10  }
0x9: {  	s3 =	smul.u32 $0x1800, s8;
	s11 =	ssub.s32 $0x2, s8;
	[dreg:$0x7] =	wrdreg s18  }
0xa: {  	s13 =	sshrl.u32 s11, $0x1;
	s21 =	sand.u32 $0x60, s14;
	s24 =	sshrl.u32 s16, $0x2  }
0xb: {  	s19 =	sadd.s32 s6, s3;
	s20 =	ssub.s32 s11, s13;
	s25 =	sadd.s32 s24, s5  }
0xc: {  	s6 =	sadd.s32 s6, s5;
	s13 =	sshrl.u32 s7, $0x2;
	[dreg:$0xa] =	wrdreg s25  }
0xd: {  	s23 =	sshrl.u32 s14, $0x2;
	s26 =	sadd.s32 $0x1800, s6;
	[dreg:$0x13] =	wrdreg s13  }
0xe: {  	s16 =	sand.u32 $0x3, s9;
	s28 =	sadd.s32 $0x3000, s6;
	[dreg:$0xb] =	wrdreg s26  }
0xf: {  	s12 =	sshrl.u32 s19, $0x3;
	s29 =	sadd.s32 $0x4800, s6;
	[dreg:$0xc] =	wrdreg s28  }
0x10: {  	s22 =	sshll.u32 s19, $0x4;
	s30 =	sadd.s32 $0x6000, s6;
	[dreg:$0xd] =	wrdreg s29  }
0x11: {  	s17 =	sadd.s32 $0xFFFFDA6F, s19;
	s31 =	sadd.s32 $0x7800, s6;
	[dreg:$0xe] =	wrdreg s30  }
0x12: {  	p1 =	sgt.u32 s19, $0x2590;
	s19 =	sadd.s32 $0xD800, s6;
	[dreg:$0xf] =	wrdreg s31  }
0x13: {  	s5 =	sand.u32 $0x2, s7;
	s24 =	sadd.s32 $0xF000, s6;
	[dreg:$0x18] =	wrdreg s19  }
0x14: {  	s21 =	sadd.s32 $0x30, s21;
	s25 =	sadd.s32 $0x10800, s6;
	[dreg:$0x19] =	wrdreg s24  }
0x15: {  	s7 =	simm.s32 $0x5;
	s0 =	sadd.s32 s0, s22;
	[dreg:$0x1a] =	wrdreg s25  }
0x16: {  	s15 =	sadd.s32 s12, s4;
	s12 =	sadd.s32 s18, s12;
	[dreg:$0x8] =	wrdreg s0  }
0x17: {  	v0 =	vmov s3;
	s3 =	simm.s32 $0x0;
	s18 =	sadd.s32 $0xC000, s6;
	[dreg:$0x12] =	wrdreg s12  }
0x18: {  	p2 =	sgt.u32 @p1 s17, $0x17E;
	s26 =	sadd.s32 $0x12000, s6;
	[dreg:$0x17] =	wrdreg s18  }
0x19: {  	s17 =	sshll.u32 s16, $0x6;
	s28 =	sadd.s32 $0x13800, s6;
	[dreg:$0x1b] =	wrdreg s26  }
0x1a: {  	s29 =	sadd.s32 $0x15000, s6;
	s30 =	sadd.s32 $0x16800, s6;
	[dreg:$0x1c] =	wrdreg s28  }
0x1b: {  	s19 =	simm.s32 $0x3;
	s24 =	simm.s32 $0x18D00;
	[dreg:$0x1d] =	wrdreg s29  }
0x1c: {  	s0 =	sand.u32 $0x1FFE0, s23;
	s14 =	sadd.s32 $0x1000, s15;
	[dreg:$0x1e] =	wrdreg s30  }
0x1d: {  	s15 =	smax.u32 s20, $0x1;
	s20 =	sadd.s32 $0x60, s17;
	[dreg:$0x14] =	wrdreg s14  }
0x1e: {  	s22 =	sor.u32 $0x9C00, s17;
	s0 =	sadd.s32 s1, s0;
	[dreg:$0x15] =	wrdreg s15  }
0x1f: {  	s23 =	sshll.u32 s16, $0x5;
	s1 =	sadd.s32 $0x9000, s6;
	[dreg:$0x9] =	wrdreg s0  }
0x20: {  	s31 =	sor.u32 $0x80, s23;
	[dreg:$0x10] =	wrdreg s1;
	s0 =	ssub.s32 s5, s8  }
0x21: {  	s8 =	sadd.s32 $0xA800, s6;
	[dreg:$0x1f] =	wrdreg s31;
	s0 =	sadd.s32 $0x5, s0  }
0x22: {  	v3 =	vlaneseq.u32;
	p2 =	por p2, !p1;
	[dreg:$0x11] =	wrdreg s8;
	s0 =	sshll.u32 @!p0 s0, $0xE  }
0x23: {  	v1 =	vimm.f32 $0.0e+00;
	v2 =	vimm.f32 $1.000000000e+00;
	v3 =	vmul.u32 $0x10, v3;
	s17 =	simm.s32 $0x9D00;
	s18 =	simm.s32 $0xB500;
	[dreg:$0x16] =	wrdreg s0  }
.LBB2_1:
0x24: {  	s4 =	simm.s32 @!p2 $0x0;
	s5 =	simm.s32 @!p2 $0xCD00;
	s0 =	rddreg [dreg:$0x8]  }
0x25: {  	[tilespmem:s5], [sflag:$0x1] =	stream.linear.gather @!p2 [hbm4b:s0+s4], $0x800, $0x38;
	[tilespmem:$0x1DC00] =	vst v63  }
0x26: {  	s4 =	simm.s32 @!p1 $0x0;
	s5 =	simm.s32 @!p1 $0xCD00  }
0x27: {  	[tilespmem:s5], [sflag:$0x1] =	stream.linear.gather @!p1 [hbm4b:s0+s4], $0xC000, $0x38;
	[tilespmem:$0x1DC00] =	vst v63  }
0x28: {  	s28 =	rddreg [dreg:$0x9]  }
0x29: {  	[tilespmem:s2], [sflag:$0x2] =	stream.linear.gather [hbm4b:s28+s2], $0x9D00, $0x38;
	[tilespmem:$0x1DC00] =	vst v63  }
0x2a: {  	s29 =	rddreg [dreg:$0x1];
	s1 =	simm.s32 $0x1BD00  }
0x2b: {  	[tilespmem:s1], [sflag:$0x5] =	stream.linear.gather [hbm4b:s29+s2], $0x80, $0x38;
	[tilespmem:$0x1DC00] =	vst v63  }
0x2c: {  	_ =	swait.ge [sflag:s7], $0x80  }
0x2d: {  	[sflag:s7] =	ssyncset.done $0x0  }
0x2e: {  	s31 =	simm.s32 $0x1C380;
	s30 =	rddreg [dreg:$0x6];
	[sflag:s7] =	ssyncadd.s32 $0xFFFFFF80  }
0x2f: {  	[tilespmem:s31], [sflag:$0x5] =	stream.linear.gather [hbm4b:s30+s2], $0x80, $0x38;
	[tilespmem:$0x1DC00] =	vst v63  }
0x30: {  	_ =	swait.ge [sflag:s7], $0x80  }
0x31: {  	[sflag:s7] =	ssyncset.done $0x0  }
0x32: {  	s4 =	simm.s32 $0x9D40;
	[sflag:s7] =	ssyncadd.s32 $0xFFFFFF80  }
0x33: {  	[tilespmem:s4+$0xFFFFFFC0] =	vst v1  }
0x34: {  	[tilespmem:s4+$0x30] =	vst v1  }
0x35: {  	[tilespmem:s4+$0x20] =	vst v1  }
0x36: {  	[tilespmem:s4+$0x10] =	vst v1  }
0x37: {  	[tilespmem:s4+$0x0] =	vst v1  }
0x38: {  	[tilespmem:s4+$0xFFFFFFF0] =	vst v1  }
0x39: {  	s5 =	simm.s32 $0x0;
	[tilespmem:s4+$0xFFFFFFE0] =	vst v1  }
.LBB2_2:
0x3a: {  	s5 =	sadd.s32 $0x8, s5;
	[tilespmem:s4+$0xFFFFFFD0] =	vst v1;
	s4 =	sadd.s32 $0x80, s4  }
0x3b: {  	[tilespmem:s4+$0xFFFFFFC0] =	vst v1;
	p3 =	slt.u32 s5, $0x178  }
0x3c: {  	[tilespmem:s4+$0x30] =	vst v1  }
.Ltmp0:
0x3d: {  	[tilespmem:s4+$0x20] =	vst v1;
	(pc) =	sbr.rel @p3 .LBB2_2-.Ltmp0, $4  }
0x3e: {  	[tilespmem:s4+$0x10] =	vst v1  }
0x3f: {  	[tilespmem:s4+$0x0] =	vst v1  }
0x40: {  	[tilespmem:s4+$0xFFFFFFF0] =	vst v1  }
0x41: {  	[tilespmem:s4+$0xFFFFFFE0] =	vst v1  }
0x42: {  	s0 =	simm.s32 $0x2;
	s30 =	sadd.s32 $0xFFFFFFF0, s21  }
0x43: {  	[tilespmem:s4+$0xFFFFFFD0] =	vst v1;
	s5 =	sadd.s32 $0xFFFFFFE0, s20;
	s8 =	sadd.s32 $0xFFFFFFA0, s20;
	s9 =	sadd.s32 $0xFFFFFFE0, s21  }
0x44: {  	s31 =	sadd.s32 $0xFFFFFFD0, s21;
	s10 =	sadd.s32 $0xFFFFFFC0, s20;
	_ =	swait.ge [sflag:s0], $0x9D00  }
0x45: {  	s4 =	sand.u32 $0x60, s30;
	s5 =	sand.u32 $0x1FF00, s5;
	[sflag:s0] =	ssyncset.done $0x0  }
0x46: {  	s11 =	sand.u32 $0x1FF00, s20;
	s5 =	sor.u32 s4, s5;
	[sflag:s0] =	ssyncadd.s32 $0xFFFF6300  }
0x47: {  	s15 =	sadd.s32 $0x80, s20;
	s8 =	sand.u32 $0x1FF00, s8;
	s4 =	sand.u32 $0x60, s31;
	v4 =	vld [tilespmem:s5+$0x80]  }
0x48: {  	s9 =	sand.u32 $0x70, s9;
	s10 =	sand.u32 $0x1FF00, s10;
	s8 =	sor.u32 s4, s8  }
0x49: {  	s25 =	sadd.s32 $0x40, s21;
	s13 =	sor.u32 s9, s10;
	s0 =	sand.u32 $0x70, s21;
	v5 =	vld [tilespmem:s8+$0x80]  }
0x4a: {  	s1 =	sadd.s32 $0xFFFFFFF0, s25;
	s12 =	sadd.s32 $0xFFFFFFE0, s15;
	s10 =	sor.u32 s0, s11;
	v6 =	vld [tilespmem:s13+$0x80]  }
0x4b: {  	s26 =	sadd.s32 $0xFFFFFFA0, s15;
	s14 =	sand.u32 $0x60, s1;
	s16 =	sand.u32 $0x1FF00, s12;
	v8 =	vld [tilespmem:s10+$0x80]  }
0x4c: {  	s30 =	sadd.s32 $0xFFFFFFD0, s25;
	s1 =	sand.u32 $0x70, s25;
	s9 =	sor.u32 s14, s16;
	v7 =	vsub.s32 v4, v0  }
0x4d: {  	s4 =	sand.u32 $0x1FF00, s26;
	s26 =	sand.u32 $0x1FF00, s15;
	v10 =	vld [tilespmem:s9+$0x80];
	s11 =	sand.u32 $0x60, s30;
	v4 =	vand.u32 $0x7F, v4;
	v9 =	vand.u32 $0xFFFFFF80, v7  }
0x4e: {  	s12 =	sor.u32 s11, s4;
	s11 =	sor.u32 s1, s26;
	vm1 =	vlt.u32 v7, $0x1800;
	v7 =	vsub.s32 v5, v0;
	v5 =	vand.u32 $0x7F, v5  }
0x4f: {  	s14 =	sadd.s32 $0xFFFFFFE0, s25;
	s16 =	sadd.s32 $0xFFFFFFC0, s15;
	v13 =	vld [tilespmem:s11+$0x80];
	v4 =	vor.u32 v4, v9;
	vm0 =	vlt.u32 v7, $0x1800;
	v7 =	vand.u32 $0xFFFFFF80, v7  }
0x50: {  	s31 =	sand.u32 $0x70, s14;
	s0 =	sand.u32 $0x1FF00, s16;
	v12 =	vsub.s32 v8, v0;
	v9 =	vld [tilespmem:s12+$0x80];
	v5 =	vor.u32 v5, v7;
	v7 =	vsub.s32 v6, v0  }
0x51: {  	s14 =	sor.u32 s31, s0;
	v6 =	vand.u32 $0x7F, v6;
	v11 =	vand.u32 $0xFFFFFF80, v7;
	vm2 =	vlt.u32 v7, $0x1800  }
0x52: {  	s16 =	sadd.s32 $0x80, s15;
	s4 =	sadd.s32 $0x40, s25;
	v7 =	vand.u32 $0x7F, v8;
	v8 =	vld [tilespmem:s14+$0x80];
	v6 =	vor.u32 v6, v11;
	v11 =	vsub.s32 v10, v0  }
0x53: {  	s30 =	sadd.s32 $0xFFFFFFE0, s16;
	s28 =	sadd.s32 $0xFFFFFFA0, s16;
	s25 =	sadd.s32 $0xFFFFFFF0, s4;
	v10 =	vand.u32 $0x7F, v10;
	vm3 =	vlt.u32 v11, $0x1800;
	v11 =	vand.u32 $0xFFFFFF80, v11  }
0x54: {  	s26 =	sand.u32 $0x1FF00, s30;
	s31 =	sadd.s32 $0xFFFFFFD0, s4;
	s25 =	sand.u32 $0x60, s25;
	[tilespmem:v4+s17+$0x0] =	vst.idx.add.f32.msk vm1, v2;
	v4 =	vand.u32 $0xFFFFFF80, v12;
	v11 =	vor.u32 v10, v11;
	v10 =	vsub.s32 v13, v0  }
0x55: {  	s28 =	sand.u32 $0x1FF00, s28;
	s0 =	sand.u32 $0x60, s31;
	s25 =	sor.u32 s25, s26;
	vm4 =	vlt.u32 v12, $0x1800;
	v4 =	vor.u32 v7, v4;
	[tilespmem:v5+s17+$0x0] =	vst.idx.add.f32.msk vm0, v2;
	v7 =	vsub.s32 v9, v0  }
0x56: {  	s29 =	sadd.s32 $0xFFFFFFE0, s4;
	s30 =	sadd.s32 $0xFFFFFFC0, s16;
	v9 =	vand.u32 $0x7F, v9;
	v5 =	vld [tilespmem:s25+$0x80];
	vm0 =	vmmov vm4;
	s25 =	sor.u32 s0, s28;
	vm1 =	vlt.u32 v7, $0x1800  }
0x57: {  	s15 =	simm.s32 $0x8;
	s1 =	sand.u32 $0x70, s29;
	s29 =	sand.u32 $0x1FF00, s30;
	v7 =	vand.u32 $0xFFFFFF80, v7;
	v63 =	vsub.s32 v8, v0;
	v14 =	vand.u32 $0x7F, v8;
	v8 =	vld [tilespmem:s25+$0x80]  }
0x58: {  	s31 =	sand.u32 $0x1FF00, s16;
	s29 =	sor.u32 s1, s29;
	s28 =	sand.u32 $0x70, s4;
	v7 =	vor.u32 v9, v7;
	[tilespmem:v6+s17+$0x0] =	vst.idx.add.f32.msk vm2, v2;
	v6 =	vand.u32 $0xFFFFFF80, v63;
	v9 =	vand.u32 $0x7F, v13  }
0x59: {  	s26 =	sadd.s32 $0x40, s4;
	s28 =	sor.u32 s28, s31;
	s25 =	sadd.s32 $0x80, s16;
	vm2 =	vlt.u32 v63, $0x1800;
	v6 =	vor.u32 v14, v6;
	[tilespmem:v11+s17+$0x0] =	vst.idx.add.f32.msk vm3, v2;
	v11 =	vand.u32 $0xFFFFFF80, v10  }
.LBB2_4:
0x5a: {  	s30 =	sadd.s32 $0xFFFFFFF0, s26  }
0x5b: {  	s31 =	sadd.s32 $0xFFFFFFE0, s25;
	s15 =	sadd.s32 $0x4, s15;
	v12 =	vld [tilespmem:s29+$0x80];
	v13 =	vsub.s32 v5, v0;
	vm4 =	vlt.u32 v10, $0x1800;
	v9 =	vor.u32 v9, v11;
	s0 =	sadd.s32 $0xFFFFFFC0, s25  }
0x5c: {  	v5 =	vand.u32 $0x7F, v5;
	s29 =	sand.u32 $0x60, s30;
	s30 =	sand.u32 $0x1FF00, s31;
	p3 =	slt.u32 s15, $0x4DC;
	vm3 =	vlt.u32 v13, $0x1800;
	v10 =	vand.u32 $0xFFFFFF80, v13;
	v11 =	vld [tilespmem:s28+$0x80]  }
0x5d: {  	s28 =	sadd.s32 $0xFFFFFFA0, s25;
	s31 =	sadd.s32 $0xFFFFFFE0, s26;
	s29 =	sor.u32 s29, s30;
	v13 =	vor.u32 v5, v10;
	[tilespmem:v7+s17+$0x0] =	vst.idx.add.f32.msk vm1, v2  }
.Ltmp1:
0x5e: {  	s30 =	sadd.s32 $0xFFFFFFD0, s26;
	s28 =	sand.u32 $0x1FF00, s28;
	v5 =	vld [tilespmem:s29+$0x80];
	v7 =	vsub.s32 v8, v0;
	v8 =	vand.u32 $0x7F, v8;
	(pc) =	sbr.rel @p3 .LBB2_4-.Ltmp1, $4  }
0x5f: {  	s0 =	sand.u32 $0x1FF00, s0;
	s29 =	sand.u32 $0x60, s30;
	s30 =	sand.u32 $0x70, s31;
	vm1 =	vlt.u32 v7, $0x1800;
	v7 =	vand.u32 $0xFFFFFF80, v7;
	[tilespmem:v4+s17+$0x0] =	vst.idx.add.f32.msk vm0, v2;
	v4 =	vmovc v9;
	vm0 =	vmmov vm4  }
0x60: {  	s1 =	sand.u32 $0x1FF00, s25;
	s31 =	sand.u32 $0x70, s26;
	s28 =	sor.u32 s29, s28;
	v7 =	vor.u32 v8, v7;
	v14 =	vsub.s32 v12, v0;
	v12 =	vand.u32 $0x7F, v12;
	[tilespmem:v6+s17+$0x0] =	vst.idx.add.f32.msk vm2, v2  }
0x61: {  	s29 =	sor.u32 s30, s0;
	v8 =	vld [tilespmem:s28+$0x80];
	s28 =	sor.u32 s31, s1;
	v6 =	vand.u32 $0xFFFFFF80, v14;
	v10 =	vsub.s32 v11, v0;
	v9 =	vand.u32 $0x7F, v11  }
0x62: {  	s25 =	sadd.s32 $0x80, s25;
	s26 =	sadd.s32 $0x40, s26;
	vm2 =	vlt.u32 v14, $0x1800;
	v6 =	vor.u32 v12, v6;
	[tilespmem:v13+s17+$0x0] =	vst.idx.add.f32.msk vm3, v2;
	v11 =	vand.u32 $0xFFFFFF80, v10  }
0x63: {  	v12 =	vld [tilespmem:s29+$0x80]  }
0x64: {  	v13 =	vsub.s32 v5, v0;
	v55 =	vld [tilespmem:s28+$0x80]  }
0x65: {  	vm3 =	vlt.u32 v10, $0x1800;
	v9 =	vor.u32 v9, v11;
	v5 =	vand.u32 $0x7F, v5  }
0x66: {  	v56 =	vand.u32 $0xFFFFFF80, v13;
	vm4 =	vlt.u32 v13, $0x1800;
	v57 =	vsub.s32 v8, v0  }
0x67: {  	vm3 =	vmmov vm3;
	v58 =	vand.u32 $0x7F, v8;
	v11 =	vand.u32 $0xFFFFFF80, v57  }
0x68: {  	v5 =	vor.u32 v5, v56;
	vm5 =	vlt.u32 v57, $0x1800;
	v8 =	vor.u32 v58, v11  }
0x69: {  	v59 =	vsub.s32 v12, v0;
	v12 =	vand.u32 $0x7F, v12;
	v14 =	vsub.s32 v55, v0  }
0x6a: {  	[tilespmem:v7+s17+$0x0] =	vst.idx.add.f32.msk vm1, v2;
	v61 =	vand.u32 $0x7F, v55;
	v60 =	vand.u32 $0xFFFFFF80, v59;
	vm14 =	vlt.u32 v59, $0x1800  }
0x6b: {  	[tilespmem:v4+s17+$0x0] =	vst.idx.add.f32.msk vm0, v2;
	vm6 =	vlt.u32 v14, $0x1800;
	v62 =	vand.u32 $0xFFFFFF80, v14;
	v4 =	vor.u32 v12, v60  }
0x6c: {  	[tilespmem:v6+s17+$0x0] =	vst.idx.add.f32.msk vm2, v2;
	v63 =	vor.u32 v61, v62  }
0x6d: {  	[tilespmem:v5+s17+$0x0] =	vst.idx.add.f32.msk vm4, v2  }
0x6e: {  	[tilespmem:v9+s17+$0x0] =	vst.idx.add.f32.msk vm3, v2  }
0x6f: {  	[tilespmem:v8+s17+$0x0] =	vst.idx.add.f32.msk vm5, v2  }
0x70: {  	[tilespmem:v4+s17+$0x0] =	vst.idx.add.f32.msk vm14, v2  }
0x71: {  	[tilespmem:v63+s17+$0x0] =	vst.idx.add.f32.msk vm6, v2  }
0x72: {  	s15 =	simm.s32 $0x0;
	s25 =	smov.u32 s22;
	vm15 =	vmmov vm6;
	s26 =	rddreg [dreg:$0x1f]  }
.LBB2_6:
0x73: {  	s0 =	sand.u32 $0x3FFFFF00, s25  }
0x74: {  	s0 =	sadd.s32 s0, s26  }
0x75: {  	v4 =	vld [tilespmem:s0+$0x0];
	_ =	sdelay $0x4  }
0x76: {  	v5 =	vsub.s32 v4, v0  }
0x77: {  	v4 =	vand.u32 $0x7F, v4;
	vm0 =	vlt.u32 v5, $0x1800;
	v5 =	vand.u32 $0xFFFFFF80, v5  }
0x78: {  	p3 =	sne.s32 s15, $0x20;
	v4 =	vor.u32 v4, v5  }
.Ltmp2:
0x79: {  	_ = 	snop;
	(pc) =	sbr.rel @p3 .LBB2_6-.Ltmp2, $2  }
0x7a: {  	_ =	sdelay $0x2  }
0x7b: {  	s25 =	sadd.s32 $0x20, s25;
	s15 =	sadd.s32 $0x20, s15;
	s26 =	sadd.s32 $0x10, s26;
	[tilespmem:v4+s17+$0x0] =	vst.idx.add.f32.msk vm0, v2  }
0x7c: {  	s0 =	rddreg [dreg:$0xa]  }
0x7d: {  	[spmem:s0] =	stream.linear.scatter [tilespmem:s17], [sflag:$0x3], $0x1800, $0x38;
	[tilespmem:$0x1DC00] =	vst v63  }
0x7e: {  	s0 =	simm.s32 @!p2 $0x1  }
0x7f: {  	_ =	swait.ge @!p2 [sflag:s0], $0x800  }
0x80: {  	[sflag:s0] =	ssyncset.done @!p2 $0x0  }
0x81: {  	[sflag:s0] =	ssyncadd.s32 @!p2 $0xFFFFF800;
	s0 =	simm.s32 @!p1 $0x1  }
0x82: {  	_ =	swait.ge @!p1 [sflag:s0], $0xC000  }
0x83: {  	[sflag:s0] =	ssyncset.done @!p1 $0x0  }
0x84: {  	[sflag:s0] =	ssyncadd.s32 @!p1 $0xFFFF4000  }
0x85: {  	v4 =	vld [tilespmem:$0x1BD00]  }
0x86: {  	v9 =	vld [tilespmem:$0x1BD10]  }
0x87: {  	v10 =	vld [tilespmem:$0x1BD20]  }
0x88: {  	v11 =	vld [tilespmem:$0x1BD30]  }
0x89: {  	v8 =	vld [tilespmem:$0x1BD40]  }
0x8a: {  	v6 =	vld [tilespmem:$0x1BD50]  }
0x8b: {  	v7 =	vld [tilespmem:$0x1BD60]  }
0x8c: {  	s30 =	simm.s32 $0xCD80;
	v5 =	vld [tilespmem:$0x1BD70]  }
0x8d: {  	v12 =	vld [tilespmem:s30+$0x0]  }
0x8e: {  	v13 =	vld [tilespmem:s30+$0x10]  }
0x8f: {  	v14 =	vld [tilespmem:s30+$0x20]  }
0x90: {  	v15 =	vld [tilespmem:s30+$0x30]  }
0x91: {  	v16 =	vld [tilespmem:s30+$0x40]  }
0x92: {  	v17 =	vld [tilespmem:s30+$0x50]  }
0x93: {  	v18 =	vld [tilespmem:s30+$0x60]  }
0x94: {  	v21 =	vld [tilespmem:s30+$0xFFFFFFA0]  }
0x95: {  	v19 =	vld [tilespmem:s30+$0x70]  }
0x96: {  	v23 =	vld [tilespmem:s30+$0xFFFFFF80]  }
0x97: {  	v20 =	vld [tilespmem:s30+$0xFFFFFF90];
	v12 =	vmul.f32 v12, v4;
	v13 =	vmul.f32 v13, v9  }
0x98: {  	v22 =	vld [tilespmem:s30+$0xFFFFFFB0];
	v14 =	vmul.f32 v14, v10;
	v15 =	vmul.f32 v15, v11  }
0x99: {  	v16 =	vmul.f32 v16, v8;
	v21 =	vmul.f32 v21, v10  }
0x9a: {  	v12 =	vadd.f32 v14, v12;
	v13 =	vadd.f32 v15, v13;
	v14 =	vmul.f32 v17, v6;
	v15 =	vld [tilespmem:s30+$0xFFFFFFC0]  }
0x9b: {  	v23 =	vmul.f32 v23, v4;
	v17 =	vmul.f32 v18, v7;
	v18 =	vld [tilespmem:s30+$0xFFFFFFD0]  }
0x9c: {  	v12 =	vadd.f32 v16, v12;
	v13 =	vadd.f32 v14, v13;
	v14 =	vmul.f32 v19, v5;
	v16 =	vld [tilespmem:s30+$0xFFFFFFE0]  }
0x9d: {  	s31 =	simm.s32 $0xCE80;
	v20 =	vmul.f32 v20, v9;
	v22 =	vmul.f32 v22, v11;
	v19 =	vld [tilespmem:s30+$0xFFFFFFF0]  }
0x9e: {  	v24 =	vld [tilespmem:s31+$0x30];
	v12 =	vadd.f32 v17, v12;
	v13 =	vadd.f32 v14, v13  }
0x9f: {  	v21 =	vadd.f32 v21, v23;
	v20 =	vadd.f32 v22, v20;
	v14 =	vld [tilespmem:s31+$0x0]  }
0xa0: {  	v17 =	vld [tilespmem:s31+$0x10];
	v15 =	vmul.f32 v15, v8;
	v18 =	vmul.f32 v18, v6;
	v12 =	vadd.f32 v13, v12  }
0xa1: {  	v13 =	vld [tilespmem:s31+$0x20];
	v16 =	vmul.f32 v16, v7  }
0xa2: {  	v23 =	vld [tilespmem:s31+$0x50];
	v15 =	vadd.f32 v15, v21;
	v19 =	vmul.f32 v19, v5;
	v18 =	vadd.f32 v18, v20;
	(xrf2) =	vadd.scan.msk.f32 $0xffff, v12  }
0xa3: {  	v12 =	vld [tilespmem:s31+$0x40]  }
0xa4: {  	v22 =	vld [tilespmem:s31+$0x60];
	v15 =	vadd.f32 v16, v15;
	v18 =	vadd.f32 v19, v18  }
0xa5: {  	v21 =	vld [tilespmem:s31+$0x70];
	v16 =	vmul.f32 v17, v9;
	v17 =	vmul.f32 v24, v11  }
0xa6: {  	v63 =	vld [tilespmem:s31+$0xFFFFFFA0];
	v14 =	vmul.f32 v14, v4;
	v13 =	vmul.f32 v13, v10;
	v15 =	vadd.f32 v18, v15  }
0xa7: {  	v20 =	vld [tilespmem:s31+$0xFFFFFF90];
	v16 =	vadd.f32 v17, v16  }
0xa8: {  	v25 =	vld [tilespmem:s31+$0xFFFFFFB0];
	v17 =	vmul.f32 v23, v6;
	v14 =	vadd.f32 v13, v14;
	v19 =	vmul.f32 v12, v8;
	(xrf2) =	vadd.scan.msk.f32 $0xffff, v15  }
0xa9: {  	v22 =	vmul.f32 v22, v7;
	v13 =	vld [tilespmem:s31+$0xFFFFFF80]  }
0xaa: {  	v21 =	vmul.f32 v21, v5;
	v12 =	vld [tilespmem:s31+$0xFFFFFFC0];
	v16 =	vadd.f32 v17, v16;
	v19 =	vadd.f32 v19, v14  }
0xab: {  	v14 =	vld [tilespmem:s31+$0xFFFFFFD0]  }
0xac: {  	s15 =	simm.s32 $0xB510;
	v18 =	vmul.f32 v20, v9;
	v15 =	vld [tilespmem:s31+$0xFFFFFFE0];
	v20 =	vadd.f32 v21, v16;
	v19 =	vadd.f32 v22, v19;
	v23, _, _ =	vpop (xrf2)  }
0xad: {  	s25 =	simm.s32 $0x2;
	s26 =	simm.s32 $0xCF80;
	v17 =	vmul.f32 v63, v10;
	v21 =	vmul.f32 v25, v11;
	v16 =	vld [tilespmem:s31+$0xFFFFFFF0];
	[tilespmem:s15+$0x0] =	vst v23  }
.LBB2_8:
0xae: {  	v22 =	vld [tilespmem:s26+$0x0];
	v13 =	vmul.f32 v13, v4;
	v19 =	vadd.f32 v20, v19  }
0xaf: {  	v20 =	vld [tilespmem:s26+$0x10];
	v18 =	vadd.f32 v21, v18;
	v12 =	vmul.f32 v12, v8  }
0xb0: {  	v21 =	vld [tilespmem:s26+$0x20];
	v13 =	vadd.f32 v17, v13;
	v14 =	vmul.f32 v14, v6;
	(xrf2) =	vadd.scan.msk.f32 $0xffff, v19  }
0xb1: {  	s25 =	sadd.s32 $0x2, s25;
	v17 =	vld [tilespmem:s26+$0x30];
	v15 =	vmul.f32 v15, v7  }
0xb2: {  	p3 =	slt.u32 s25, $0x17E;
	v19 =	vld [tilespmem:s26+$0x40];
	v12 =	vadd.f32 v12, v13;
	v13 =	vadd.f32 v14, v18;
	v14 =	vmul.f32 v16, v5;
	v16, _, _ =	vpop (xrf2)  }
0xb3: {  	v18 =	vld [tilespmem:s26+$0x50];
	[tilespmem:s15+$0xFFFFFFF0] =	vst v16  }
0xb4: {  	v16 =	vld [tilespmem:s26+$0x60];
	v12 =	vadd.f32 v15, v12;
	v13 =	vadd.f32 v14, v13  }
0xb5: {  	v14 =	vmul.f32 v22, v4;
	v15 =	vmul.f32 v20, v9;
	v20 =	vld [tilespmem:s26+$0x70]  }
0xb6: {  	v21 =	vmul.f32 v21, v10;
	v22 =	vld [tilespmem:s26+$0xFFFFFF90];
	v17 =	vmul.f32 v17, v11;
	v12 =	vadd.f32 v13, v12  }
0xb7: {  	v23 =	vld [tilespmem:s26+$0xFFFFFFA0];
	v19 =	vmul.f32 v19, v8  }
0xb8: {  	v14 =	vadd.f32 v21, v14;
	v24 =	vld [tilespmem:s26+$0xFFFFFFB0];
	v25 =	vadd.f32 v17, v15;
	v17 =	vmul.f32 v18, v6;
	(xrf2) =	vadd.scan.msk.f32 $0xffff, v12  }
.Ltmp3:
0xb9: {  	v13 =	vld [tilespmem:s26+$0xFFFFFF80];
	v16 =	vmul.f32 v16, v7;
	(pc) =	sbr.rel @p3 .LBB2_8-.Ltmp3, $4  }
0xba: {  	s15 =	sadd.s32 $0x20, s15;
	v19 =	vadd.f32 v19, v14;
	v12 =	vld [tilespmem:s26+$0xFFFFFFC0];
	v21 =	vadd.f32 v17, v25;
	v20 =	vmul.f32 v20, v5;
	v15, _, _ =	vpop (xrf2)  }
0xbb: {  	v18 =	vmul.f32 v22, v9;
	v14 =	vld [tilespmem:s26+$0xFFFFFFD0];
	[tilespmem:s15+$0x0] =	vst v15  }
0xbc: {  	v19 =	vadd.f32 v16, v19;
	v17 =	vmul.f32 v23, v10;
	v15 =	vld [tilespmem:s26+$0xFFFFFFE0];
	v20 =	vadd.f32 v20, v21  }
0xbd: {  	v21 =	vmul.f32 v24, v11;
	v16 =	vld [tilespmem:s26+$0xFFFFFFF0];
	s26 =	sadd.s32 $0x100, s26  }
0xbe: {  	v4 =	vmul.f32 v13, v4  }
0xbf: {  	v9 =	vadd.f32 v21, v18  }
0xc0: {  	v8 =	vmul.f32 v12, v8;
	v4 =	vadd.f32 v17, v4;
	v6 =	vmul.f32 v14, v6  }
0xc1: {  	v7 =	vmul.f32 v15, v7  }
0xc2: {  	v4 =	vadd.f32 v8, v4;
	v6 =	vadd.f32 v6, v9;
	v5 =	vmul.f32 v16, v5;
	_ =	sdelay $0x1  }
0xc3: {  	v4 =	vadd.f32 v7, v4;
	v5 =	vadd.f32 v5, v6  }
0xc4: {  	v6 =	vadd.f32 v20, v19  }
0xc5: {  	v4 =	vadd.f32 v5, v4  }
0xc6: {  	(xrf2) =	vadd.scan.msk.f32 $0xffff, v6  }
0xc7: {  	(xrf2) =	vadd.scan.msk.f32 $0xffff, v4;
	_ =	sdelay $0x5  }
0xc8: {  	p5 =	por $0x1, $0x1  }
.Ltmp4:
0xc9: {  	s26 =	simm.s32 $0x0;
	(pc) =	sbr.rel @!p5 .LBB2_10-.Ltmp4, $4  }
0xca: {  	v5 =	vmov s26;
	v4, _, _ =	vpop (xrf2)  }
0xcb: {  	s0 =	sadd.s32 $0x20, s15;
	v5 =	vshll.u32 v5, $0x4;
	[tilespmem:s15+$0xFFFFFFF0] =	vst v4;
	v4, _, _ =	vpop (xrf2)  }
0xcc: {  	s25 =	simm.s32 $0x10;
	v5 =	vor.u32 v3, v5;
	[tilespmem:s0+$0x0] =	vst v4;
	v4, _, _ =	vpop (xrf2)  }
0xcd: {  	p3 =	por $0x0, $0x0;
	p4 =	por $0x0, $0x0;
	s15 =	simm.s32 $0x1BD80;
	[tilespmem:s0+$0xFFFFFFF0] =	vst v4;
	v4 =	vor.u32 $0xF, v5  }
0xce: {  	p5 =	por $0x1, $0x1  }
.Ltmp5:
0xcf: {  	_ = 	snop;
	(pc) =	sbr.rel @!p5 .LBB2_12-.Ltmp5, $4  }
0xd0: {  	v5 =	vmov s25  }
0xd1: {  	v5 =	vshll.u32 v5, $0x4  }
0xd2: {  	v6 =	vor.u32 v3, v5  }
0xd3: {  	s28 =	simm.s32 $0x20;
	p3 =	por $0x1, $0x1;
	v5 =	vld.idx.msk [tilespmem:v4+s18+$0x0], $0xffff;
	v4 =	vor.u32 $0xF, v6  }
0xd4: {  	p5 =	por $0x1, $0x1  }
.Ltmp6:
0xd5: {  	_ = 	snop;
	(pc) =	sbr.rel @!p5 .LBB2_14-.Ltmp6, $4  }
0xd6: {  	v6 =	vmov s28  }
0xd7: {  	v6 =	vshll.u32 v6, $0x4  }
0xd8: {  	v7 =	vor.u32 v3, v6  }
0xd9: {  	s29 =	simm.s32 $0x30;
	p4 =	por $0x1, $0x1;
	s28 =	simm.s32 $0x1BD80;
	v6 =	vld.idx.msk [tilespmem:v4+s18+$0x0], $0xffff;
	v4 =	vor.u32 $0xF, v7;
	[tilespmem:s15+$0x0] =	vst v5  }
.LBB2_15:
0xda: {  	p5 =	sne.s32 s29, $0x170  }
.Ltmp7:
0xdb: {  	_ = 	snop;
	(pc) =	sbr.rel @p5 .LBB2_15-.Ltmp7, $4  }
0xdc: {  	v5 =	vmov s29  }
0xdd: {  	s28 =	sadd.s32 $0x10, s28;
	v5 =	vshll.u32 v5, $0x4  }
0xde: {  	v5 =	vor.u32 v3, v5;
	[tilespmem:s28+$0x0] =	vst v6  }
0xdf: {  	s29 =	sadd.s32 $0x10, s29;
	v6 =	vld.idx.msk [tilespmem:v4+s18+$0x0], $0xffff;
	v4 =	vor.u32 $0xF, v5  }
0xe0: {  	_ =	sdelay $0x3  }
0xe1: {  	v5 =	vmov v6  }
.LBB2_17:
0xe2: {  	_ =	sdelay $0x3  }
0xe3: {  	v4 =	vld.idx.msk [tilespmem:v4+s18+$0x0], $0xffff  }
0xe4: {  	s0 =	sadd.s32 @p4 $0x10, s28;
	s1 =	simm.s32 $0x1BD80  }
0xe5: {  	s1 =	smov.u32 @p4 s0  }
0xe6: {  	s28 =	simm.s32 $0x1BD80;
	s0 =	sadd.s32 @p3 $0x10, s1  }
0xe7: {  	[tilespmem:s1+$0x0] =	vst @p3 v5;
	s28 =	smov.u32 @p3 s0  }
0xe8: {  	[tilespmem:s28+$0x0] =	vst v4  }
0xe9: {  	_ =	swait.ge [sflag:s19], $0x1800  }
0xea: {  	[sflag:s19] =	ssyncset.done $0x0  }
0xeb: {  	[sflag:s19] =	ssyncadd.s32 $0xFFFFE800  }
0xec: {  	s28 =	simm.s32 $0xB500;
	[bflag:$0x0] =	sbarrier.arrive $0xFFFF  }
0xed: {  	[tilespmem:s28], [sflag:$0x3] =	stream.linear.gather [spmem:s6], $0x180, $0x38;
	[tilespmem:$0x1DC00] =	vst v63  }
0xee: {  	s1 =	simm.s32 $0xB680;
	s0 =	rddreg [dreg:$0xb]  }
0xef: {  	[tilespmem:s1], [sflag:$0x3] =	stream.linear.gather [spmem:s0], $0x180, $0x38;
	[tilespmem:$0x1DC00] =	vst v63  }
0xf0: {  	s0 =	rddreg [dreg:$0xc];
	s1 =	simm.s32 $0xB800  }
0xf1: {  	[tilespmem:s1], [sflag:$0x3] =	stream.linear.gather [spmem:s0], $0x180, $0x38;
	[tilespmem:$0x1DC00] =	vst v63  }
0xf2: {  	s0 =	rddreg [dreg:$0xd];
	s1 =	simm.s32 $0xB980  }
0xf3: {  	[tilespmem:s1], [sflag:$0x3] =	stream.linear.gather [spmem:s0], $0x180, $0x38;
	[tilespmem:$0x1DC00] =	vst v63  }
0xf4: {  	s0 =	rddreg [dreg:$0xe];
	s1 =	simm.s32 $0xBB00  }
0xf5: {  	[tilespmem:s1], [sflag:$0x3] =	stream.linear.gather [spmem:s0], $0x180, $0x38;
	[tilespmem:$0x1DC00] =	vst v63  }
0xf6: {  	s0 =	rddreg [dreg:$0xf];
	s1 =	simm.s32 $0xBC80  }
0xf7: {  	[tilespmem:s1], [sflag:$0x3] =	stream.linear.gather [spmem:s0], $0x180, $0x38;
	[tilespmem:$0x1DC00] =	vst v63  }
0xf8: {  	s0 =	rddreg [dreg:$0x10];
	s1 =	simm.s32 $0xBE00  }
0xf9: {  	[tilespmem:s1], [sflag:$0x3] =	stream.linear.gather [spmem:s0], $0x180, $0x38;
	[tilespmem:$0x1DC00] =	vst v63  }
0xfa: {  	s0 =	rddreg [dreg:$0x11];
	s1 =	simm.s32 $0xBF80  }
0xfb: {  	[tilespmem:s1], [sflag:$0x3] =	stream.linear.gather [spmem:s0], $0x180, $0x38;
	[tilespmem:$0x1DC00] =	vst v63  }
0xfc: {  	s0 =	rddreg [dreg:$0x17];
	s1 =	simm.s32 $0xC100  }
0xfd: {  	[tilespmem:s1], [sflag:$0x3] =	stream.linear.gather [spmem:s0], $0x180, $0x38;
	[tilespmem:$0x1DC00] =	vst v63  }
0xfe: {  	s0 =	rddreg [dreg:$0x18];
	s1 =	simm.s32 $0xC280  }
0xff: {  	[tilespmem:s1], [sflag:$0x3] =	stream.linear.gather [spmem:s0], $0x180, $0x38;
	[tilespmem:$0x1DC00] =	vst v63  }
0x100: {  	s0 =	rddreg [dreg:$0x19];
	s1 =	simm.s32 $0xC400  }
0x101: {  	[tilespmem:s1], [sflag:$0x3] =	stream.linear.gather [spmem:s0], $0x180, $0x38;
	[tilespmem:$0x1DC00] =	vst v63  }
0x102: {  	s0 =	rddreg [dreg:$0x1a];
	s1 =	simm.s32 $0xC580  }
0x103: {  	[tilespmem:s1], [sflag:$0x3] =	stream.linear.gather [spmem:s0], $0x180, $0x38;
	[tilespmem:$0x1DC00] =	vst v63  }
0x104: {  	s0 =	rddreg [dreg:$0x1b];
	s1 =	simm.s32 $0xC700  }
0x105: {  	[tilespmem:s1], [sflag:$0x3] =	stream.linear.gather [spmem:s0], $0x180, $0x38;
	[tilespmem:$0x1DC00] =	vst v63  }
0x106: {  	s0 =	rddreg [dreg:$0x1c];
	s1 =	simm.s32 $0xC880  }
0x107: {  	[tilespmem:s1], [sflag:$0x3] =	stream.linear.gather [spmem:s0], $0x180, $0x38;
	[tilespmem:$0x1DC00] =	vst v63  }
0x108: {  	s0 =	rddreg [dreg:$0x1d];
	s1 =	simm.s32 $0xCA00  }
0x109: {  	[tilespmem:s1], [sflag:$0x3] =	stream.linear.gather [spmem:s0], $0x180, $0x38;
	[tilespmem:$0x1DC00] =	vst v63  }
0x10a: {  	s0 =	rddreg [dreg:$0x1e];
	s1 =	simm.s32 $0xCB80  }
0x10b: {  	[tilespmem:s1], [sflag:$0x3] =	stream.linear.gather [spmem:s0], $0x180, $0x38;
	[tilespmem:$0x1DC00] =	vst v63  }
0x10c: {  	_ =	swait.ge [sflag:s19], $0x180  }
0x10d: {  	[sflag:s19] =	ssyncset.done $0x0  }
0x10e: {  	[sflag:s19] =	ssyncadd.s32 $0xFFFFFE80  }
0x10f: {  	_ =	swait.ge [sflag:s19], $0x180  }
0x110: {  	[sflag:s19] =	ssyncset.done $0x0  }
0x111: {  	[sflag:s19] =	ssyncadd.s32 $0xFFFFFE80  }
0x112: {  	_ =	swait.ge [sflag:s19], $0x180  }
0x113: {  	[sflag:s19] =	ssyncset.done $0x0  }
0x114: {  	[sflag:s19] =	ssyncadd.s32 $0xFFFFFE80  }
0x115: {  	_ =	swait.ge [sflag:s19], $0x180  }
0x116: {  	[sflag:s19] =	ssyncset.done $0x0  }
0x117: {  	[sflag:s19] =	ssyncadd.s32 $0xFFFFFE80  }
0x118: {  	_ =	swait.ge [sflag:s19], $0x180  }
0x119: {  	[sflag:s19] =	ssyncset.done $0x0  }
0x11a: {  	[sflag:s19] =	ssyncadd.s32 $0xFFFFFE80  }
0x11b: {  	_ =	swait.ge [sflag:s19], $0x180  }
0x11c: {  	[sflag:s19] =	ssyncset.done $0x0  }
0x11d: {  	[sflag:s19] =	ssyncadd.s32 $0xFFFFFE80  }
0x11e: {  	_ =	swait.ge [sflag:s19], $0x180  }
0x11f: {  	[sflag:s19] =	ssyncset.done $0x0  }
0x120: {  	[sflag:s19] =	ssyncadd.s32 $0xFFFFFE80  }
0x121: {  	_ =	swait.ge [sflag:s19], $0x180  }
0x122: {  	[sflag:s19] =	ssyncset.done $0x0  }
0x123: {  	[sflag:s19] =	ssyncadd.s32 $0xFFFFFE80  }
0x124: {  	_ =	swait.ge [sflag:s19], $0x180  }
0x125: {  	[sflag:s19] =	ssyncset.done $0x0  }
0x126: {  	[sflag:s19] =	ssyncadd.s32 $0xFFFFFE80  }
0x127: {  	_ =	swait.ge [sflag:s19], $0x180  }
0x128: {  	[sflag:s19] =	ssyncset.done $0x0  }
0x129: {  	[sflag:s19] =	ssyncadd.s32 $0xFFFFFE80  }
0x12a: {  	_ =	swait.ge [sflag:s19], $0x180  }
0x12b: {  	[sflag:s19] =	ssyncset.done $0x0  }
0x12c: {  	[sflag:s19] =	ssyncadd.s32 $0xFFFFFE80  }
0x12d: {  	_ =	swait.ge [sflag:s19], $0x180  }
0x12e: {  	[sflag:s19] =	ssyncset.done $0x0  }
0x12f: {  	[sflag:s19] =	ssyncadd.s32 $0xFFFFFE80  }
0x130: {  	_ =	swait.ge [sflag:s19], $0x180  }
0x131: {  	[sflag:s19] =	ssyncset.done $0x0  }
0x132: {  	[sflag:s19] =	ssyncadd.s32 $0xFFFFFE80  }
0x133: {  	_ =	swait.ge [sflag:s19], $0x180  }
0x134: {  	[sflag:s19] =	ssyncset.done $0x0  }
0x135: {  	[sflag:s19] =	ssyncadd.s32 $0xFFFFFE80  }
0x136: {  	_ =	swait.ge [sflag:s19], $0x180  }
0x137: {  	[sflag:s19] =	ssyncset.done $0x0  }
0x138: {  	[sflag:s19] =	ssyncadd.s32 $0xFFFFFE80  }
0x139: {  	_ =	swait.ge [sflag:s19], $0x180  }
0x13a: {  	[sflag:s19] =	ssyncset.done $0x0  }
0x13b: {  	[sflag:s19] =	ssyncadd.s32 $0xFFFFFE80  }
0x13c: {  	s0 =	sand.u32 $0x1F0, s26;
	v4 =	vld [tilespmem:s28+$0x0]  }
0x13d: {  	v5 =	vld [tilespmem:s0+$0xB680];
	_ =	sdelay $0x1  }
0x13e: {  	v6 =	vld [tilespmem:s0+$0xB800];
	_ =	sdelay $0x1  }
0x13f: {  	v7 =	vld [tilespmem:s0+$0xB980]  }
0x140: {  	v4 =	vadd.f32 v5, v4  }
0x141: {  	v5 =	vld [tilespmem:s0+$0xBB00]  }
0x142: {  	v4 =	vadd.f32 v6, v4  }
0x143: {  	v6 =	vld [tilespmem:s0+$0xBC80]  }
0x144: {  	v4 =	vadd.f32 v7, v4  }
0x145: {  	v7 =	vld [tilespmem:s0+$0xBE00]  }
0x146: {  	v4 =	vadd.f32 v5, v4  }
0x147: {  	s26 =	simm.s32 $0xB510;
	v5 =	vld [tilespmem:s0+$0xBF80]  }
0x148: {  	v8 =	vld [tilespmem:s26+$0x0];
	v4 =	vadd.f32 v6, v4  }
0x149: {  	s25 =	sand.u32 $0x1F0, s25;
	v6 =	vld [tilespmem:s0+$0xC100]  }
0x14a: {  	v9 =	vld [tilespmem:s25+$0xB680];
	v4 =	vadd.f32 v7, v4  }
0x14b: {  	v7 =	vld [tilespmem:s0+$0xC280]  }
0x14c: {  	v10 =	vld [tilespmem:s25+$0xB800];
	v4 =	vadd.f32 v5, v4  }
0x14d: {  	v5 =	vld [tilespmem:s0+$0xC400]  }
0x14e: {  	v11 =	vld [tilespmem:s25+$0xB980];
	v4 =	vadd.f32 v6, v4  }
0x14f: {  	v6 =	vld [tilespmem:s0+$0xC580]  }
0x150: {  	v4 =	vadd.f32 v7, v4;
	v7 =	vadd.f32 v9, v8;
	v8 =	vld [tilespmem:s0+$0xC700]  }
0x151: {  	v9 =	vld [tilespmem:s25+$0xBB00]  }
0x152: {  	v4 =	vadd.f32 v5, v4;
	v5 =	vadd.f32 v10, v7;
	v7 =	vld [tilespmem:s0+$0xC880]  }
0x153: {  	v10 =	vld [tilespmem:s25+$0xBC80]  }
0x154: {  	v4 =	vadd.f32 v6, v4;
	v5 =	vadd.f32 v11, v5;
	v6 =	vld [tilespmem:s0+$0xCA00]  }
0x155: {  	v11 =	vld [tilespmem:s25+$0xBE00]  }
0x156: {  	v4 =	vadd.f32 v8, v4;
	v5 =	vadd.f32 v9, v5;
	v8 =	vld [tilespmem:s0+$0xCB80]  }
0x157: {  	v9 =	vld [tilespmem:s25+$0xBF80]  }
0x158: {  	v4 =	vadd.f32 v7, v4;
	v5 =	vadd.f32 v10, v5  }
0x159: {  	s26 =	simm.s32 $0xB520;
	v7 =	vld [tilespmem:s25+$0xC100]  }
0x15a: {  	s0 =	simm.s32 $0x20;
	v10 =	vld [tilespmem:s26+$0x0];
	v4 =	vadd.f32 v6, v4;
	v5 =	vadd.f32 v11, v5  }
0x15b: {  	s26 =	sand.u32 $0x1F0, s0;
	v6 =	vld [tilespmem:s25+$0xC280]  }
0x15c: {  	v4 =	vadd.f32 v8, v4;
	v8 =	vld [tilespmem:s26+$0xB680];
	v5 =	vadd.f32 v9, v5  }
0x15d: {  	v9 =	vld [tilespmem:s25+$0xC400]  }
0x15e: {  	v11 =	vld [tilespmem:s26+$0xB800];
	v4 =	vadd.f32 $1.000000000e+00, v4;
	v5 =	vadd.f32 v7, v5  }
0x15f: {  	v7 =	vld [tilespmem:s25+$0xC580]  }
0x160: {  	v13 =	vld [tilespmem:s26+$0xB980];
	v12 =	vshra.s32 v4, $0x1;
	v4 =	vmul.f32 $5.000000000e-01, v4;
	v5 =	vadd.f32 v6, v5  }
0x161: {  	v6 =	vsub.s32 $0x5F3759DF, v12;
	v8 =	vadd.f32 v8, v10;
	v10 =	vld [tilespmem:s25+$0xC700]  }
0x162: {  	v14 =	vld [tilespmem:s26+$0xBB00];
	v12 =	vmul.f32 v6, v4;
	v5 =	vadd.f32 v9, v5  }
0x163: {  	v9 =	vld [tilespmem:s25+$0xC880];
	v8 =	vadd.f32 v11, v8  }
0x164: {  	v11 =	vmul.f32 v6, v12;
	v12 =	vld [tilespmem:s26+$0xBC80];
	v5 =	vadd.f32 v7, v5  }
0x165: {  	v7 =	vadd.f32 v13, v8;
	v8 =	vld [tilespmem:s25+$0xCA00]  }
0x166: {  	v13 =	vld [tilespmem:s26+$0xBE00];
	v11 =	vsub.f32 $1.500000000e+00, v11;
	v5 =	vadd.f32 v10, v5  }
0x167: {  	v10 =	vld [tilespmem:s25+$0xCB80];
	v7 =	vadd.f32 v14, v7  }
0x168: {  	v6 =	vmul.f32 v6, v11;
	v11 =	vld [tilespmem:s26+$0xBF80];
	v5 =	vadd.f32 v9, v5  }
0x169: {  	v7 =	vadd.f32 v12, v7;
	v12 =	vld [tilespmem:s26+$0xC100]  }
0x16a: {  	s0 =	simm.s32 $0x30;
	s25 =	simm.s32 $0xB530;
	v9 =	vmul.f32 v6, v4;
	v5 =	vadd.f32 v8, v5;
	v8 =	vld [tilespmem:s26+$0xC280]  }
0x16b: {  	v7 =	vadd.f32 v13, v7;
	v13 =	vld [tilespmem:s25+$0x0];
	s25 =	sand.u32 $0x1F0, s0  }
0x16c: {  	v9 =	vmul.f32 v9, v6;
	v5 =	vadd.f32 v10, v5;
	v10 =	vld [tilespmem:s25+$0xB680]  }
0x16d: {  	v14 =	vld [tilespmem:s25+$0xB800];
	v7 =	vadd.f32 v11, v7  }
0x16e: {  	v11 =	vld [tilespmem:s26+$0xC400];
	v9 =	vsub.f32 $1.500000000e+00, v9;
	v5 =	vadd.f32 $1.000000000e+00, v5  }
0x16f: {  	v15 =	vld [tilespmem:s25+$0xB980];
	v7 =	vadd.f32 v12, v7  }
0x170: {  	v6 =	vmul.f32 v9, v6;
	v9 =	vld [tilespmem:s26+$0xC580];
	v12 =	vshra.s32 v5, $0x1;
	v5 =	vmul.f32 $5.000000000e-01, v5  }
0x171: {  	v7 =	vadd.f32 v8, v7;
	v8 =	vsub.s32 $0x5F3759DF, v12;
	v10 =	vadd.f32 v10, v13  }
0x172: {  	v12 =	vld [tilespmem:s26+$0xC700];
	v4 =	vmul.f32 v6, v4;
	v13 =	vmul.f32 v8, v5  }
0x173: {  	v16 =	vld [tilespmem:s25+$0xBB00];
	v7 =	vadd.f32 v11, v7;
	v10 =	vadd.f32 v14, v10  }
0x174: {  	v11 =	vld [tilespmem:s26+$0xC880];
	v4 =	vmul.f32 v4, v6;
	v13 =	vmul.f32 v8, v13  }
0x175: {  	v14 =	vld [tilespmem:s25+$0xBC80];
	v7 =	vadd.f32 v9, v7;
	v9 =	vadd.f32 v15, v10  }
0x176: {  	v10 =	vld [tilespmem:s26+$0xCA00];
	v4 =	vsub.f32 $1.500000000e+00, v4;
	v13 =	vsub.f32 $1.500000000e+00, v13  }
0x177: {  	v15 =	vld [tilespmem:s25+$0xBE00];
	v7 =	vadd.f32 v12, v7  }
0x178: {  	v6 =	vmul.f32 v4, v6;
	v4 =	vadd.f32 v16, v9;
	v9 =	vld [tilespmem:s26+$0xCB80];
	v8 =	vmul.f32 v8, v13  }
0x179: {  	s1 =	simm.s32 $0x1C080;
	v12 =	vld [tilespmem:s25+$0xBF80];
	v7 =	vadd.f32 v11, v7  }
0x17a: {  	[tilespmem:s1+$0x0] =	vst v6;
	v4 =	vadd.f32 v14, v4;
	v11 =	vmul.f32 v8, v5;
	v14 =	vld [tilespmem:s25+$0xC100]  }
0x17b: {  	v13 =	vld [tilespmem:s15+$0x0];
	v7 =	vadd.f32 v10, v7  }
0x17c: {  	s26 =	simm.s32 $0xB540;
	s15 =	simm.s32 $0x40;
	v10 =	vld [tilespmem:s25+$0xC280];
	v4 =	vadd.f32 v15, v4;
	v11 =	vmul.f32 v11, v8  }
0x17d: {  	v15 =	vld [tilespmem:s26+$0x0];
	s28 =	sand.u32 $0x1F0, s15;
	v7 =	vadd.f32 v9, v7  }
0x17e: {  	v9 =	vld [tilespmem:s28+$0xB680];
	v4 =	vadd.f32 v12, v4;
	v11 =	vsub.f32 $1.500000000e+00, v11  }
0x17f: {  	v12 =	vld [tilespmem:s25+$0xC400];
	v7 =	vadd.f32 $1.000000000e+00, v7  }
0x180: {  	v62 =	vld [tilespmem:s28+$0xB800];
	v14 =	vadd.f32 v14, v4;
	v8 =	vmul.f32 v11, v8  }
0x181: {  	v11 =	vld [tilespmem:s25+$0xC580];
	v17 =	vshra.s32 v7, $0x1;
	v4 =	vmul.f32 $5.000000000e-01, v7  }
0x182: {  	v7 =	vld [tilespmem:s28+$0xB980];
	v10 =	vadd.f32 v10, v14;
	v5 =	vmul.f32 v8, v5;
	v14 =	vsub.s32 $0x5F3759DF, v17  }
0x183: {  	v9 =	vadd.f32 v9, v15;
	v15 =	vld [tilespmem:s25+$0xC700];
	v17 =	vmul.f32 v14, v4  }
0x184: {  	v10 =	vadd.f32 v12, v10;
	v12 =	vld [tilespmem:s28+$0xBB00];
	v5 =	vmul.f32 v5, v8  }
0x185: {  	v63 =	vld [tilespmem:s25+$0xC880];
	v9 =	vadd.f32 v62, v9;
	v17 =	vmul.f32 v14, v17  }
0x186: {  	v10 =	vadd.f32 v11, v10;
	v11 =	vld [tilespmem:s28+$0xBC80];
	v5 =	vsub.f32 $1.500000000e+00, v5  }
0x187: {  	v7 =	vadd.f32 v7, v9;
	v9 =	vld [tilespmem:s25+$0xCA00];
	v17 =	vsub.f32 $1.500000000e+00, v17  }
0x188: {  	v18 =	vld [tilespmem:s28+$0xBE00];
	v15 =	vadd.f32 v15, v10;
	v5 =	vmul.f32 v5, v8  }
0x189: {  	v19 =	vld [tilespmem:s25+$0xCB80];
	s25 =	simm.s32 $0x1C090;
	v8 =	vadd.f32 v12, v7;
	v7 =	vmul.f32 v14, v17  }
0x18a: {  	s26 =	simm.s32 $0x1BD90;
	v10 =	vld [tilespmem:s28+$0xBF80];
	v12 =	vadd.f32 v63, v15;
	[tilespmem:s25+$0x0] =	vst v5  }
0x18b: {  	v13 =	vmul.f32 v6, v13;
	v6 =	vld [tilespmem:s26+$0x0];
	v8 =	vadd.f32 v11, v8;
	v15 =	vmul.f32 v7, v4  }
0x18c: {  	s30 =	simm.s32 $0xB550;
	s15 =	simm.s32 $0x1BF00;
	v11 =	vld [tilespmem:s28+$0xC100];
	v12 =	vadd.f32 v9, v12  }
0x18d: {  	s1 =	simm.s32 $0x50;
	[tilespmem:s15+$0x0] =	vst v13;
	v13 =	vld [tilespmem:s30+$0x0];
	v14 =	vadd.f32 v18, v8;
	v8 =	vmul.f32 v15, v7  }
0x18e: {  	s31 =	simm.s32 $0x60;
	s29 =	sand.u32 $0x1F0, s1;
	v9 =	vld [tilespmem:s28+$0xC280];
	v12 =	vadd.f32 v19, v12  }
.LBB2_18:
0x18f: {  	p3 =	sne.s32 s31, $0x170;
	v15 =	vld [tilespmem:s29+$0xB680];
	v10 =	vadd.f32 v10, v14;
	v8 =	vsub.f32 $1.500000000e+00, v8  }
0x190: {  	v14 =	vld [tilespmem:s28+$0xC400];
	v12 =	vadd.f32 $1.000000000e+00, v12;
	v5 =	vmul.f32 v5, v6  }
0x191: {  	s15 =	sadd.s32 $0x10, s15;
	v6 =	vld [tilespmem:s29+$0xB800];
	v10 =	vadd.f32 v11, v10;
	v7 =	vmul.f32 v8, v7  }
0x192: {  	v8 =	vld [tilespmem:s28+$0xC580];
	v11 =	vshra.s32 v12, $0x1;
	v12 =	vmul.f32 $5.000000000e-01, v12;
	[tilespmem:s15+$0x0] =	vst v5  }
0x193: {  	v5 =	vld [tilespmem:s29+$0xB980];
	v9 =	vadd.f32 v9, v10;
	v10 =	vsub.s32 $0x5F3759DF, v11;
	v11 =	vmul.f32 v7, v4  }
0x194: {  	v13 =	vadd.f32 v15, v13;
	v15 =	vld [tilespmem:s28+$0xC700];
	v16 =	vmul.f32 v10, v12;
	v4 =	vmov v12  }
0x195: {  	v12 =	vld [tilespmem:s29+$0xBB00];
	v9 =	vadd.f32 v14, v9;
	v11 =	vmul.f32 v11, v7  }
0x196: {  	v6 =	vadd.f32 v6, v13;
	v13 =	vld [tilespmem:s28+$0xC880];
	v14 =	vmul.f32 v10, v16  }
0x197: {  	v16 =	vld [tilespmem:s29+$0xBC80];
	v8 =	vadd.f32 v8, v9;
	v9 =	vsub.f32 $1.500000000e+00, v11  }
0x198: {  	v6 =	vadd.f32 v5, v6;
	v17 =	vld [tilespmem:s28+$0xCA00];
	v11 =	vsub.f32 $1.500000000e+00, v14  }
0x199: {  	v14 =	vld [tilespmem:s29+$0xBE00];
	v8 =	vadd.f32 v15, v8;
	v5 =	vmul.f32 v9, v7  }
0x19a: {  	s25 =	sadd.s32 $0x10, s25;
	v6 =	vadd.f32 v12, v6;
	v12 =	vld [tilespmem:s28+$0xCB80];
	v7 =	vmul.f32 v10, v11;
	s28 =	smov.u32 s29  }
.Ltmp8:
0x19b: {  	s26 =	sadd.s32 $0x10, s26;
	v10 =	vld [tilespmem:s28+$0xBF80];
	v8 =	vadd.f32 v13, v8;
	[tilespmem:s25+$0x0] =	vst v5;
	(pc) =	sbr.rel @p3 .LBB2_18-.Ltmp8, $4  }
0x19c: {  	v9 =	vadd.f32 v16, v6;
	v13 =	vmul.f32 v7, v4;
	v6 =	vld [tilespmem:s26+$0x0]  }
0x19d: {  	v11 =	vld [tilespmem:s28+$0xC100];
	v15 =	vadd.f32 v17, v8  }
0x19e: {  	s30 =	sadd.s32 $0x10, s30;
	v14 =	vadd.f32 v14, v9;
	v9 =	vld [tilespmem:s28+$0xC280];
	v8 =	vmul.f32 v13, v7  }
0x19f: {  	s29 =	sand.u32 $0x1F0, s31;
	s31 =	sadd.s32 $0x10, s31;
	v13 =	vld [tilespmem:s30+$0x0];
	v12 =	vadd.f32 v12, v15  }
0x1a0: {  	v15 =	vld [tilespmem:s29+$0xB680];
	_ =	sdelay $0x1  }
0x1a1: {  	v16 =	vld [tilespmem:s29+$0xB800];
	_ =	sdelay $0x1  }
0x1a2: {  	v17 =	vld [tilespmem:s29+$0xB980]  }
0x1a3: {  	v13 =	vadd.f32 v15, v13  }
0x1a4: {  	v28 =	vld [tilespmem:s29+$0xBB00]  }
0x1a5: {  	v13 =	vadd.f32 v16, v13  }
0x1a6: {  	v29 =	vld [tilespmem:s29+$0xBC80]  }
0x1a7: {  	v13 =	vadd.f32 v17, v13  }
0x1a8: {  	v30 =	vld [tilespmem:s29+$0xBE00]  }
0x1a9: {  	v13 =	vadd.f32 v28, v13  }
0x1aa: {  	v31 =	vld [tilespmem:s29+$0xBF80]  }
0x1ab: {  	v13 =	vadd.f32 v29, v13  }
0x1ac: {  	v32 =	vld [tilespmem:s29+$0xC100]  }
0x1ad: {  	v10 =	vadd.f32 v10, v14;
	v33 =	vld [tilespmem:s29+$0xC280];
	v13 =	vadd.f32 v30, v13  }
0x1ae: {  	v34 =	vld [tilespmem:s28+$0xC400]  }
0x1af: {  	v35 =	vld [tilespmem:s29+$0xC400];
	v10 =	vadd.f32 v11, v10;
	v13 =	vadd.f32 v31, v13  }
0x1b0: {  	v36 =	vld [tilespmem:s28+$0xC580]  }
0x1b1: {  	v37 =	vld [tilespmem:s29+$0xC580];
	v9 =	vadd.f32 v9, v10;
	v13 =	vadd.f32 v32, v13  }
0x1b2: {  	v38 =	vld [tilespmem:s28+$0xC700]  }
0x1b3: {  	v39 =	vld [tilespmem:s29+$0xC700];
	v9 =	vadd.f32 v34, v9;
	v13 =	vadd.f32 v33, v13  }
0x1b4: {  	v40 =	vld [tilespmem:s28+$0xC880]  }
0x1b5: {  	v41 =	vld [tilespmem:s29+$0xC880];
	v9 =	vadd.f32 v36, v9;
	v11 =	vadd.f32 v35, v13  }
0x1b6: {  	v42 =	vld [tilespmem:s28+$0xCA00]  }
0x1b7: {  	v43 =	vld [tilespmem:s29+$0xCA00];
	v9 =	vadd.f32 v38, v9;
	v10 =	vadd.f32 v37, v11  }
0x1b8: {  	v44 =	vld [tilespmem:s28+$0xCB80]  }
0x1b9: {  	v9 =	vadd.f32 v40, v9;
	v10 =	vadd.f32 v39, v10  }
0x1ba: {  	v45 =	vld [tilespmem:s29+$0xCB80]  }
0x1bb: {  	v9 =	vadd.f32 v42, v9;
	v10 =	vadd.f32 v41, v10;
	_ =	sdelay $0x1  }
0x1bc: {  	v9 =	vadd.f32 v44, v9;
	v10 =	vadd.f32 v43, v10  }
0x1bd: {  	v46 =	vadd.f32 $1.000000000e+00, v12  }
0x1be: {  	v9 =	vadd.f32 $1.000000000e+00, v9;
	v10 =	vadd.f32 v45, v10  }
0x1bf: {  	v12 =	vshra.s32 v46, $0x1  }
0x1c0: {  	v48 =	vshra.s32 v9, $0x1;
	v11 =	vmul.f32 $5.000000000e-01, v46;
	v10 =	vadd.f32 $1.000000000e+00, v10  }
0x1c1: {  	v12 =	vsub.s32 $0x5F3759DF, v12;
	v9 =	vmul.f32 $5.000000000e-01, v9;
	v14 =	vsub.s32 $0x5F3759DF, v48  }
0x1c2: {  	v47 =	vmul.f32 v12, v11;
	v49 =	vshra.s32 v10, $0x1;
	v10 =	vmul.f32 $5.000000000e-01, v10  }
0x1c3: {  	v50 =	vmul.f32 v14, v9;
	v15 =	vsub.s32 $0x5F3759DF, v49  }
0x1c4: {  	v13 =	vmul.f32 v12, v47;
	v51 =	vmul.f32 v15, v10  }
0x1c5: {  	v16 =	vmul.f32 v14, v50  }
0x1c6: {  	v13 =	vsub.f32 $1.500000000e+00, v13;
	v17 =	vmul.f32 v15, v51  }
0x1c7: {  	v16 =	vsub.f32 $1.500000000e+00, v16  }
0x1c8: {  	v12 =	vmul.f32 v12, v13;
	v52 =	vsub.f32 $1.500000000e+00, v17  }
0x1c9: {  	v14 =	vmul.f32 v14, v16  }
0x1ca: {  	v53 =	vmul.f32 v12, v11;
	v13 =	vmul.f32 v15, v52  }
0x1cb: {  	v54 =	vmul.f32 v14, v9  }
0x1cc: {  	v16 =	vmul.f32 v53, v12;
	v55 =	vmul.f32 v13, v10  }
0x1cd: {  	v8 =	vsub.f32 $1.500000000e+00, v8;
	v15 =	vmul.f32 v54, v14  }
0x1ce: {  	v16 =	vsub.f32 $1.500000000e+00, v16;
	v17 =	vmul.f32 v55, v13  }
0x1cf: {  	v7 =	vmul.f32 v8, v7;
	v56 =	vsub.f32 $1.500000000e+00, v15  }
0x1d0: {  	v12 =	vmul.f32 v16, v12;
	v57 =	vsub.f32 $1.500000000e+00, v17  }
0x1d1: {  	v4 =	vmul.f32 v7, v4;
	v8 =	vmul.f32 v56, v14  }
0x1d2: {  	v11 =	vmul.f32 v12, v11;
	v13 =	vmul.f32 v57, v13  }
0x1d3: {  	v4 =	vmul.f32 v4, v7;
	v9 =	vmul.f32 v8, v9  }
0x1d4: {  	v11 =	vmul.f32 v11, v12;
	v10 =	vmul.f32 v13, v10  }
0x1d5: {  	v4 =	vsub.f32 $1.500000000e+00, v4;
	v9 =	vmul.f32 v9, v8  }
0x1d6: {  	v11 =	vsub.f32 $1.500000000e+00, v11;
	v10 =	vmul.f32 v10, v13  }
0x1d7: {  	v4 =	vmul.f32 v4, v7;
	v58 =	vsub.f32 $1.500000000e+00, v9  }
0x1d8: {  	s0 =	sadd.s32 $0x10, s25;
	v59 =	vmul.f32 v11, v12;
	v10 =	vsub.f32 $1.500000000e+00, v10  }
0x1d9: {  	s1 =	sadd.s32 $0x10, s26;
	[tilespmem:s0+$0x0] =	vst v4;
	s0 =	sadd.s32 $0x10, s0;
	v7 =	vmul.f32 v58, v8  }
0x1da: {  	v60 =	vld [tilespmem:s1+$0x0];
	s1 =	sadd.s32 $0x10, s1;
	[tilespmem:s0+$0x0] =	vst v59;
	s0 =	sadd.s32 $0x10, s0;
	v10 =	vmul.f32 v10, v13  }
0x1db: {  	v61 =	vld [tilespmem:s1+$0x0];
	s1 =	sadd.s32 $0x10, s1;
	[tilespmem:s0+$0x0] =	vst v7;
	s0 =	sadd.s32 $0x10, s0  }
0x1dc: {  	s28 =	sadd.s32 $0x10, s1;
	v62 =	vld [tilespmem:s1+$0x0];
	[tilespmem:s0+$0x0] =	vst v10  }
0x1dd: {  	v63 =	vld [tilespmem:s28+$0x0]  }
0x1de: {  	v5 =	vmul.f32 v5, v6  }
0x1df: {  	s29 =	sadd.s32 $0x10, s15;
	v4 =	vmul.f32 v4, v60  }
0x1e0: {  	[tilespmem:s29+$0x0] =	vst v5;
	v5 =	vmul.f32 v59, v61;
	s0 =	sadd.s32 $0x10, s29  }
0x1e1: {  	[tilespmem:s0+$0x0] =	vst v4;
	s0 =	sadd.s32 $0x10, s0;
	v4 =	vmul.f32 v7, v62  }
0x1e2: {  	[tilespmem:s0+$0x0] =	vst v5;
	s0 =	sadd.s32 $0x10, s0;
	v5 =	vmul.f32 v10, v63  }
0x1e3: {  	[tilespmem:s0+$0x0] =	vst v4;
	s0 =	sadd.s32 $0x10, s0  }
0x1e4: {  	[tilespmem:s0+$0x0] =	vst v5  }
0x1e5: {  	s30 =	simm.s32 $0x1BF00;
	s0 =	rddreg [dreg:$0x12]  }
0x1e6: {  	[hbm4b:s0+s2] =	stream.linear.scatter [tilespmem:s30], [sflag:$0x5], $0x180, $0x38;
	[tilespmem:$0x1DC00] =	vst v63  }
0x1e7: {  	_ =	swait.ge [sflag:s7], $0x180  }
0x1e8: {  	[sflag:s7] =	ssyncset.done $0x0  }
0x1e9: {  	[sflag:s7] =	ssyncadd.s32 $0xFFFFFE80  }
0x1ea: {  	s0 =	simm.s32 @!p0 $0x100000;
	[bflag:$0x0] =	sbarrier.arrive $0xFFFF  }
0x1eb: {  	[smem:s0], [sflag:$0x0] =	smem.add.s32 @!p0 $0x0;
	s0 =	simm.s32 @!p0 $0x0  }
0x1ec: {  	_ =	swait.done @!p0 [sflag:s0]  }
0x1ed: {  	s1 =	ssyncread @!p0 [sflag:$0x0];
	_ =	sdelay $0x1  }
0x1ee: {  	s15 =	rddreg [dreg:$0x13]  }
0x1ef: {  	s1 =	sadd.s32 @!p0 s15, s1  }
0x1f0: {  	s15 =	rddreg [dreg:$0x16];
	s1 =	sshll.u32 @!p0 s1, $0x11  }
0x1f1: {  	[sflag:s0] =	ssyncset.s32 @!p0 $0x0;
	s1 =	sor.u32 @!p0 s1, s15  }
0x1f2: {  	[sflag:s0] =	ssyncset.done @!p0 $0x0;
	s0 =	sor.u32 @!p0 $0x1C04, s1  }
0x1f3: {  	[sflag:s0] =	ssyncadd.remote.s32 @!p0 $0x1;
	s0 =	simm.s32 @!p0 $0x4  }
0x1f4: {  	_ =	swait.ge @!p0 [sflag:s0], $0x1  }
0x1f5: {  	[sflag:s0] =	ssyncset.done @!p0 $0x0  }
0x1f6: {  	[sflag:s0] =	ssyncadd.s32 @!p0 $0xFFFFFFFF  }
0x1f7: {  	[bflag:$0x0] =	sbarrier.arrive $0xFFFF  }
0x1f8: {  	s15 =	simm.s32 $0x9D40;
	s31 =	rddreg [dreg:$0x7]  }
0x1f9: {  	[tilespmem:s24], [sflag:$0x1] =	stream.linear.gather [hbm4b:s31+s2], $0x3000, $0x38;
	[tilespmem:$0x1DC00] =	vst v63  }
0x1fa: {  	[tilespmem:s15+$0xFFFFFFC0] =	vst v1  }
0x1fb: {  	[tilespmem:s15+$0x30] =	vst v1  }
0x1fc: {  	[tilespmem:s15+$0x20] =	vst v1  }
0x1fd: {  	[tilespmem:s15+$0x10] =	vst v1  }
0x1fe: {  	[tilespmem:s15+$0x0] =	vst v1  }
0x1ff: {  	[tilespmem:s15+$0xFFFFFFF0] =	vst v1  }
0x200: {  	s25 =	simm.s32 $0x0;
	[tilespmem:s15+$0xFFFFFFE0] =	vst v1  }
.LBB2_20:
0x201: {  	s25 =	sadd.s32 $0x8, s25;
	[tilespmem:s15+$0xFFFFFFD0] =	vst v1;
	s15 =	sadd.s32 $0x80, s15  }
0x202: {  	[tilespmem:s15+$0xFFFFFFC0] =	vst v1;
	p3 =	slt.u32 s25, $0x178  }
0x203: {  	[tilespmem:s15+$0x30] =	vst v1  }
.Ltmp9:
0x204: {  	[tilespmem:s15+$0x20] =	vst v1;
	(pc) =	sbr.rel @p3 .LBB2_20-.Ltmp9, $4  }
0x205: {  	[tilespmem:s15+$0x10] =	vst v1  }
0x206: {  	[tilespmem:s15+$0x0] =	vst v1  }
0x207: {  	[tilespmem:s15+$0xFFFFFFF0] =	vst v1  }
0x208: {  	[tilespmem:s15+$0xFFFFFFE0] =	vst v1  }
0x209: {  	[tilespmem:s15+$0xFFFFFFD0] =	vst v1;
	s0 =	simm.s32 $0x1  }
0x20a: {  	_ =	swait.ge [sflag:s0], $0x3000  }
0x20b: {  	[sflag:s0] =	ssyncset.done $0x0  }
0x20c: {  	[sflag:s0] =	ssyncadd.s32 $0xFFFFD000  }
0x20d: {  	v4 =	vld [tilespmem:s5+$0x0]  }
0x20e: {  	v5 =	vld [tilespmem:s5+$0x80]  }
0x20f: {  	v6 =	vld [tilespmem:s8+$0x0]  }
0x210: {  	v8 =	vld [tilespmem:s10+$0x0]  }
0x211: {  	v7 =	vld [tilespmem:s13+$0x0]  }
0x212: {  	v9 =	vld [tilespmem:s8+$0x80]  }
0x213: {  	v10 =	vld [tilespmem:s13+$0x80]  }
0x214: {  	v13 =	vld [tilespmem:s10+$0x80];
	v11 =	vsub.s32 v5, v0  }
0x215: {  	v5 =	vand.u32 $0x7F, v5;
	vm0 =	vlt.u32 v11, $0x1800;
	v12 =	vld.idx.msk [tilespmem:v4+s24+$0x0], $0xffff;
	v4 =	vand.u32 $0xFFFFFF80, v11  }
0x216: {  	v15 =	vld [tilespmem:s12+$0x0];
	v11 =	vor.u32 v5, v4  }
0x217: {  	v14 =	vld.idx.msk [tilespmem:v6+s24+$0x0], $0xffff  }
0x218: {  	v4 =	vld.idx.msk [tilespmem:v8+s24+$0x0], $0xffff  }
0x219: {  	v8 =	vld [tilespmem:s9+$0x0]  }
0x21a: {  	v5 =	vld.idx.msk [tilespmem:v7+s24+$0x0], $0xffff  }
0x21b: {  	[tilespmem:v11+s17+$0x0] =	vst.idx.add.f32.msk vm0, v12  }
0x21c: {  	v6 =	vsub.s32 v9, v0;
	v7 =	vand.u32 $0x7F, v9;
	v12 =	vld [tilespmem:s9+$0x80]  }
0x21d: {  	v19 =	vld [tilespmem:s14+$0x0];
	v9 =	vand.u32 $0xFFFFFF80, v6;
	vm2 =	vlt.u32 v6, $0x1800;
	v6 =	vsub.s32 v10, v0  }
0x21e: {  	v17 =	vld [tilespmem:s12+$0x80];
	v16 =	vor.u32 v7, v9;
	v7 =	vand.u32 $0x7F, v10;
	v10 =	vand.u32 $0xFFFFFF80, v6  }
0x21f: {  	v9 =	vld [tilespmem:s11+$0x0];
	v11 =	vsub.s32 v13, v0;
	vm0 =	vlt.u32 v6, $0x1800;
	v13 =	vand.u32 $0x7F, v13  }
0x220: {  	v20 =	vld [tilespmem:s14+$0x80];
	v6 =	vor.u32 v7, v10;
	v18 =	vand.u32 $0xFFFFFF80, v11;
	vm3 =	vlt.u32 v11, $0x1800  }
0x221: {  	vm1 =	vmmov vm0;
	vm0 =	vmmov vm3;
	v11 =	vld.idx.msk [tilespmem:v8+s24+$0x0], $0xffff;
	v8 =	vsub.s32 v12, v0  }
0x222: {  	v10 =	vand.u32 $0x7F, v12;
	vm3 =	vlt.u32 v8, $0x1800;
	v8 =	vand.u32 $0xFFFFFF80, v8  }
0x223: {  	v7 =	vor.u32 v13, v18;
	v13 =	vld [tilespmem:s11+$0x80];
	v12 =	vor.u32 v10, v8  }
0x224: {  	[tilespmem:v16+s17+$0x0] =	vst.idx.add.f32.msk vm2, v14  }
0x225: {  	v16 =	vsub.s32 v17, v0;
	v17 =	vand.u32 $0x7F, v17;
	v8 =	vld.idx.msk [tilespmem:v15+s24+$0x0], $0xffff  }
0x226: {  	s5 =	simm.s32 $0x4;
	v14 =	vand.u32 $0x7F, v20;
	v18 =	vand.u32 $0xFFFFFF80, v16;
	v10 =	vld.idx.msk [tilespmem:v19+s24+$0x0], $0xffff;
	v15 =	vsub.s32 v20, v0  }
.LBB2_22:
0x227: {  	s0 =	sadd.s32 $0xFFFFFFF0, s4;
	s1 =	sadd.s32 $0xFFFFFFE0, s16;
	s5 =	sadd.s32 $0x4, s5;
	vm2 =	vlt.u32 v16, $0x1800;
	v16 =	vor.u32 v17, v18;
	v17 =	vand.u32 $0xFFFFFF80, v15;
	v9 =	vld.idx.msk [tilespmem:v9+s24+$0x0], $0xffff  }
0x228: {  	vm4 =	vlt.u32 v15, $0x1800;
	s0 =	sand.u32 $0x60, s0;
	s1 =	sand.u32 $0x1FF00, s1;
	p3 =	slt.u32 s5, $0x4DC;
	[tilespmem:v12+s17+$0x0] =	vst.idx.add.f32.msk vm3, v11;
	v11 =	vsub.s32 v13, v0;
	v12 =	vand.u32 $0x7F, v13  }
0x229: {  	s8 =	sadd.s32 $0xFFFFFFA0, s16;
	s9 =	sadd.s32 $0xFFFFFFE0, s4;
	s0 =	sor.u32 s0, s1;
	vm3 =	vlt.u32 v11, $0x1800;
	v11 =	vand.u32 $0xFFFFFF80, v11;
	[tilespmem:v6+s17+$0x0] =	vst.idx.add.f32.msk vm1, v5;
	v6 =	vor.u32 v14, v17  }
0x22a: {  	s10 =	sadd.s32 $0xFFFFFFC0, s16;
	s8 =	sand.u32 $0x1FF00, s8;
	s1 =	sadd.s32 $0xFFFFFFD0, s4;
	vm1 =	vmmov vm4;
	v13 =	vld [tilespmem:s0+$0x0];
	v11 =	vor.u32 v12, v11  }
0x22b: {  	s9 =	sand.u32 $0x70, s9;
	s10 =	sand.u32 $0x1FF00, s10;
	s1 =	sand.u32 $0x60, s1;
	[tilespmem:v7+s17+$0x0] =	vst.idx.add.f32.msk vm0, v4;
	v7 =	vmov v11;
	vm0 =	vmmov vm3  }
0x22c: {  	s1 =	sor.u32 s1, s8;
	s8 =	sand.u32 $0x1FF00, s16;
	v5 =	vmov v10;
	v12 =	vld [tilespmem:s0+$0x80];
	s0 =	sand.u32 $0x70, s4  }
0x22d: {  	s9 =	sor.u32 s9, s10;
	v4 =	vmov v9;
	v10 =	vld [tilespmem:s1+$0x0];
	s0 =	sor.u32 s0, s8  }
0x22e: {  	v14 =	vld [tilespmem:s9+$0x0]  }
0x22f: {  	v9 =	vld [tilespmem:s0+$0x0]  }
0x230: {  	v15 =	vld [tilespmem:s1+$0x80]  }
0x231: {  	v19 =	vld [tilespmem:s9+$0x80];
	v17 =	vsub.s32 v12, v0  }
.Ltmp10:
0x232: {  	v12 =	vand.u32 $0x7F, v12;
	v11 =	vld.idx.msk [tilespmem:v13+s24+$0x0], $0xffff;
	vm3 =	vlt.u32 v17, $0x1800;
	v13 =	vand.u32 $0xFFFFFF80, v17;
	(pc) =	sbr.rel @p3 .LBB2_22-.Ltmp10, $4  }
0x233: {  	v12 =	vor.u32 v12, v13;
	v13 =	vld [tilespmem:s0+$0x80]  }
0x234: {  	[tilespmem:v16+s17+$0x0] =	vst.idx.add.f32.msk vm2, v8  }
0x235: {  	v8 =	vld.idx.msk [tilespmem:v10+s24+$0x0], $0xffff;
	v16 =	vsub.s32 v15, v0;
	v17 =	vand.u32 $0x7F, v15  }
0x236: {  	s16 =	sadd.s32 $0x80, s16;
	s4 =	sadd.s32 $0x40, s4;
	s8 =	simm.s32 $0x0;
	v18 =	vand.u32 $0xFFFFFF80, v16;
	v10 =	vld.idx.msk [tilespmem:v14+s24+$0x0], $0xffff;
	v15 =	vsub.s32 v19, v0;
	v14 =	vand.u32 $0x7F, v19  }
0x237: {  	_ =	sdelay $0x1  }
0x238: {  	vm2 =	vlt.u32 v16, $0x1800  }
0x239: {  	v58 =	vor.u32 v17, v18;
	v59 =	vand.u32 $0xFFFFFF80, v15;
	vm4 =	vlt.u32 v15, $0x1800  }
0x23a: {  	v60 =	vsub.s32 v13, v0;
	v61 =	vand.u32 $0x7F, v13;
	vm4 =	vmmov vm4  }
0x23b: {  	[tilespmem:v12+s17+$0x0] =	vst.idx.add.f32.msk vm3, v11;
	v62 =	vor.u32 v14, v59;
	vm5 =	vlt.u32 v60, $0x1800;
	v63 =	vand.u32 $0xFFFFFF80, v60  }
0x23c: {  	v9 =	vld.idx.msk [tilespmem:v9+s24+$0x0], $0xffff;
	v12 =	vor.u32 v61, v63  }
0x23d: {  	[tilespmem:v6+s17+$0x0] =	vst.idx.add.f32.msk vm1, v5  }
0x23e: {  	[tilespmem:v7+s17+$0x0] =	vst.idx.add.f32.msk vm0, v4  }
0x23f: {  	[tilespmem:v58+s17+$0x0] =	vst.idx.add.f32.msk vm2, v8  }
0x240: {  	[tilespmem:v62+s17+$0x0] =	vst.idx.add.f32.msk vm4, v10  }
0x241: {  	s4 =	smov.u32 s22;
	vm15 =	vmmov vm5;
	[tilespmem:v12+s17+$0x0] =	vst.idx.add.f32.msk vm5, v9  }
.LBB2_24:
0x242: {  	s0 =	sand.u32 $0x3FFFFF00, s4  }
0x243: {  	s1 =	sshra.s32 s8, $0x2;
	s0 =	sor.u32 s0, s23  }
0x244: {  	s0 =	sadd.s32 s1, s0  }
0x245: {  	v4 =	vld [tilespmem:s0+$0x0]  }
0x246: {  	v5 =	vld [tilespmem:s0+$0x80];
	_ =	sdelay $0x4  }
0x247: {  	v6 =	vsub.s32 v5, v0  }
0x248: {  	v5 =	vand.u32 $0x7F, v5;
	vm0 =	vlt.u32 v6, $0x1800;
	v6 =	vand.u32 $0xFFFFFF80, v6  }
0x249: {  	p3 =	sne.s32 s8, $0x40;
	v5 =	vor.u32 v5, v6;
	v4 =	vld.idx.msk [tilespmem:v4+s24+$0x0], $0xffff  }
.Ltmp11:
0x24a: {  	_ = 	snop;
	(pc) =	sbr.rel @p3 .LBB2_24-.Ltmp11, $2  }
0x24b: {  	_ =	sdelay $0x2  }
0x24c: {  	s4 =	sadd.s32 $0x20, s4;
	s8 =	sadd.s32 $0x40, s8;
	[tilespmem:v5+s17+$0x0] =	vst.idx.add.f32.msk vm0, v4  }
0x24d: {  	s0 =	rddreg [dreg:$0xa]  }
0x24e: {  	[spmem:s0] =	stream.linear.scatter [tilespmem:s17], [sflag:$0x5], $0x1800, $0x38;
	[tilespmem:$0x1DC00] =	vst v63  }
0x24f: {  	_ =	swait.ge [sflag:s7], $0x1800  }
0x250: {  	[sflag:s7] =	ssyncset.done $0x0  }
0x251: {  	[sflag:s7] =	ssyncadd.s32 $0xFFFFE800  }
0x252: {  	s4 =	simm.s32 $0xB500;
	[bflag:$0x0] =	sbarrier.arrive $0xFFFF  }
0x253: {  	[tilespmem:s4], [sflag:$0x3] =	stream.linear.gather [spmem:s6], $0x180, $0x38;
	[tilespmem:$0x1DC00] =	vst v63  }
0x254: {  	s1 =	simm.s32 $0xB680;
	s26 =	rddreg [dreg:$0xb]  }
0x255: {  	[tilespmem:s1], [sflag:$0x3] =	stream.linear.gather [spmem:s26], $0x180, $0x38;
	[tilespmem:$0x1DC00] =	vst v63  }
0x256: {  	s29 =	simm.s32 $0xB800;
	s28 =	rddreg [dreg:$0xc]  }
0x257: {  	[tilespmem:s29], [sflag:$0x3] =	stream.linear.gather [spmem:s28], $0x180, $0x38;
	[tilespmem:$0x1DC00] =	vst v63  }
0x258: {  	s31 =	simm.s32 $0xB980;
	s30 =	rddreg [dreg:$0xd]  }
0x259: {  	[tilespmem:s31], [sflag:$0x3] =	stream.linear.gather [spmem:s30], $0x180, $0x38;
	[tilespmem:$0x1DC00] =	vst v63  }
0x25a: {  	s8 =	simm.s32 $0xBB00;
	s5 =	rddreg [dreg:$0xe]  }
0x25b: {  	[tilespmem:s8], [sflag:$0x3] =	stream.linear.gather [spmem:s5], $0x180, $0x38;
	[tilespmem:$0x1DC00] =	vst v63  }
0x25c: {  	s10 =	simm.s32 $0xBC80;
	s9 =	rddreg [dreg:$0xf]  }
0x25d: {  	[tilespmem:s10], [sflag:$0x3] =	stream.linear.gather [spmem:s9], $0x180, $0x38;
	[tilespmem:$0x1DC00] =	vst v63  }
0x25e: {  	s12 =	simm.s32 $0xBE00;
	s11 =	rddreg [dreg:$0x10]  }
0x25f: {  	[tilespmem:s12], [sflag:$0x3] =	stream.linear.gather [spmem:s11], $0x180, $0x38;
	[tilespmem:$0x1DC00] =	vst v63  }
0x260: {  	s14 =	simm.s32 $0xBF80;
	s13 =	rddreg [dreg:$0x11]  }
0x261: {  	[tilespmem:s14], [sflag:$0x3] =	stream.linear.gather [spmem:s13], $0x180, $0x38;
	[tilespmem:$0x1DC00] =	vst v63  }
0x262: {  	s16 =	simm.s32 $0xC100;
	s15 =	rddreg [dreg:$0x17]  }
0x263: {  	[tilespmem:s16], [sflag:$0x3] =	stream.linear.gather [spmem:s15], $0x180, $0x38;
	[tilespmem:$0x1DC00] =	vst v63  }
0x264: {  	s25 =	rddreg [dreg:$0x18];
	s26 =	simm.s32 $0xC280  }
0x265: {  	[tilespmem:s26], [sflag:$0x3] =	stream.linear.gather [spmem:s25], $0x180, $0x38;
	[tilespmem:$0x1DC00] =	vst v63  }
0x266: {  	s28 =	rddreg [dreg:$0x19];
	s29 =	simm.s32 $0xC400  }
0x267: {  	[tilespmem:s29], [sflag:$0x3] =	stream.linear.gather [spmem:s28], $0x180, $0x38;
	[tilespmem:$0x1DC00] =	vst v63  }
0x268: {  	s30 =	rddreg [dreg:$0x1a];
	s31 =	simm.s32 $0xC580  }
0x269: {  	[tilespmem:s31], [sflag:$0x3] =	stream.linear.gather [spmem:s30], $0x180, $0x38;
	[tilespmem:$0x1DC00] =	vst v63  }
0x26a: {  	s1 =	rddreg [dreg:$0x1b];
	s5 =	simm.s32 $0xC700  }
0x26b: {  	[tilespmem:s5], [sflag:$0x3] =	stream.linear.gather [spmem:s1], $0x180, $0x38;
	[tilespmem:$0x1DC00] =	vst v63  }
0x26c: {  	s8 =	rddreg [dreg:$0x1c];
	s9 =	simm.s32 $0xC880  }
0x26d: {  	[tilespmem:s9], [sflag:$0x3] =	stream.linear.gather [spmem:s8], $0x180, $0x38;
	[tilespmem:$0x1DC00] =	vst v63  }
0x26e: {  	s10 =	rddreg [dreg:$0x1d];
	s11 =	simm.s32 $0xCA00  }
0x26f: {  	[tilespmem:s11], [sflag:$0x3] =	stream.linear.gather [spmem:s10], $0x180, $0x38;
	[tilespmem:$0x1DC00] =	vst v63  }
0x270: {  	s12 =	rddreg [dreg:$0x1e];
	s13 =	simm.s32 $0xCB80  }
0x271: {  	[tilespmem:s13], [sflag:$0x3] =	stream.linear.gather [spmem:s12], $0x180, $0x38;
	[tilespmem:$0x1DC00] =	vst v63  }
0x272: {  	_ =	swait.ge [sflag:s19], $0x180  }
0x273: {  	[sflag:s19] =	ssyncset.done $0x0  }
0x274: {  	[sflag:s19] =	ssyncadd.s32 $0xFFFFFE80  }
0x275: {  	_ =	swait.ge [sflag:s19], $0x180  }
0x276: {  	[sflag:s19] =	ssyncset.done $0x0  }
0x277: {  	[sflag:s19] =	ssyncadd.s32 $0xFFFFFE80  }
0x278: {  	_ =	swait.ge [sflag:s19], $0x180  }
0x279: {  	[sflag:s19] =	ssyncset.done $0x0  }
0x27a: {  	[sflag:s19] =	ssyncadd.s32 $0xFFFFFE80  }
0x27b: {  	_ =	swait.ge [sflag:s19], $0x180  }
0x27c: {  	[sflag:s19] =	ssyncset.done $0x0  }
0x27d: {  	[sflag:s19] =	ssyncadd.s32 $0xFFFFFE80  }
0x27e: {  	_ =	swait.ge [sflag:s19], $0x180  }
0x27f: {  	[sflag:s19] =	ssyncset.done $0x0  }
0x280: {  	[sflag:s19] =	ssyncadd.s32 $0xFFFFFE80  }
0x281: {  	_ =	swait.ge [sflag:s19], $0x180  }
0x282: {  	[sflag:s19] =	ssyncset.done $0x0  }
0x283: {  	[sflag:s19] =	ssyncadd.s32 $0xFFFFFE80  }
0x284: {  	_ =	swait.ge [sflag:s19], $0x180  }
0x285: {  	[sflag:s19] =	ssyncset.done $0x0  }
0x286: {  	[sflag:s19] =	ssyncadd.s32 $0xFFFFFE80  }
0x287: {  	_ =	swait.ge [sflag:s19], $0x180  }
0x288: {  	[sflag:s19] =	ssyncset.done $0x0  }
0x289: {  	[sflag:s19] =	ssyncadd.s32 $0xFFFFFE80  }
0x28a: {  	_ =	swait.ge [sflag:s19], $0x180  }
0x28b: {  	[sflag:s19] =	ssyncset.done $0x0  }
0x28c: {  	[sflag:s19] =	ssyncadd.s32 $0xFFFFFE80  }
0x28d: {  	_ =	swait.ge [sflag:s19], $0x180  }
0x28e: {  	[sflag:s19] =	ssyncset.done $0x0  }
0x28f: {  	[sflag:s19] =	ssyncadd.s32 $0xFFFFFE80  }
0x290: {  	_ =	swait.ge [sflag:s19], $0x180  }
0x291: {  	[sflag:s19] =	ssyncset.done $0x0  }
0x292: {  	[sflag:s19] =	ssyncadd.s32 $0xFFFFFE80  }
0x293: {  	_ =	swait.ge [sflag:s19], $0x180  }
0x294: {  	[sflag:s19] =	ssyncset.done $0x0  }
0x295: {  	[sflag:s19] =	ssyncadd.s32 $0xFFFFFE80  }
0x296: {  	_ =	swait.ge [sflag:s19], $0x180  }
0x297: {  	[sflag:s19] =	ssyncset.done $0x0  }
0x298: {  	[sflag:s19] =	ssyncadd.s32 $0xFFFFFE80  }
0x299: {  	_ =	swait.ge [sflag:s19], $0x180  }
0x29a: {  	[sflag:s19] =	ssyncset.done $0x0  }
0x29b: {  	[sflag:s19] =	ssyncadd.s32 $0xFFFFFE80  }
0x29c: {  	_ =	swait.ge [sflag:s19], $0x180  }
0x29d: {  	[sflag:s19] =	ssyncset.done $0x0  }
0x29e: {  	[sflag:s19] =	ssyncadd.s32 $0xFFFFFE80  }
0x29f: {  	_ =	swait.ge [sflag:s19], $0x180  }
0x2a0: {  	[sflag:s19] =	ssyncset.done $0x0  }
0x2a1: {  	[sflag:s19] =	ssyncadd.s32 $0xFFFFFE80  }
0x2a2: {  	s14 =	simm.s32 $0x0;
	v4 =	vld [tilespmem:$0x1C380]  }
0x2a3: {  	s0 =	sand.u32 $0x1F0, s14;
	v5 =	vld [tilespmem:s4+$0x0]  }
0x2a4: {  	v6 =	vld [tilespmem:s0+$0xB680]  }
0x2a5: {  	v7 =	vld [tilespmem:s0+$0xB800]  }
0x2a6: {  	v8 =	vld [tilespmem:s0+$0xB980]  }
0x2a7: {  	v9 =	vld [tilespmem:s0+$0xBB00]  }
0x2a8: {  	v10 =	vld [tilespmem:s0+$0xBC80]  }
0x2a9: {  	v11 =	vld [tilespmem:s0+$0xBE00]  }
0x2aa: {  	s15 =	simm.s32 $0x1C080;
	v12 =	vld [tilespmem:s0+$0xBF80]  }
0x2ab: {  	v13 =	vld [tilespmem:s15+$0x0]  }
0x2ac: {  	v14 =	vld [tilespmem:s0+$0xC100]  }
0x2ad: {  	s25 =	simm.s32 $0xB510;
	v15 =	vld [tilespmem:s0+$0xC400]  }
0x2ae: {  	s16 =	simm.s32 $0x10;
	v16 =	vld [tilespmem:s25+$0x0];
	v5 =	vadd.f32 v6, v5  }
0x2af: {  	s1 =	sand.u32 $0x1F0, s16;
	v17 =	vld [tilespmem:s0+$0xC580]  }
0x2b0: {  	v5 =	vadd.f32 v7, v5;
	v7 =	vld [tilespmem:s1+$0xB680]  }
0x2b1: {  	v18 =	vld [tilespmem:s0+$0xC700]  }
0x2b2: {  	v5 =	vadd.f32 v8, v5;
	v8 =	vld [tilespmem:s1+$0xB800]  }
0x2b3: {  	v61 =	vld [tilespmem:s0+$0xC880]  }
0x2b4: {  	s28 =	simm.s32 $0x1C090;
	v5 =	vadd.f32 v9, v5;
	v9 =	vld [tilespmem:s1+$0xB980]  }
0x2b5: {  	s29 =	simm.s32 $0x20;
	v19 =	vld [tilespmem:s28+$0x0];
	v7 =	vadd.f32 v7, v16  }
0x2b6: {  	s4 =	sand.u32 $0x1F0, s29;
	v5 =	vadd.f32 v10, v5;
	v10 =	vld [tilespmem:s1+$0xBB00]  }
0x2b7: {  	v62 =	vld [tilespmem:s4+$0xB800];
	v7 =	vadd.f32 v8, v7  }
0x2b8: {  	v5 =	vadd.f32 v11, v5;
	v11 =	vld [tilespmem:s1+$0xBC80]  }
0x2b9: {  	v6 =	vld [tilespmem:s0+$0xC280];
	v7 =	vadd.f32 v9, v7  }
0x2ba: {  	v5 =	vadd.f32 v12, v5;
	v12 =	vld [tilespmem:s1+$0xBE00]  }
0x2bb: {  	v63 =	vld [tilespmem:s4+$0xB980];
	v7 =	vadd.f32 v10, v7  }
0x2bc: {  	v5 =	vadd.f32 v14, v5;
	v14 =	vld [tilespmem:s1+$0xBF80]  }
0x2bd: {  	v8 =	vld [tilespmem:s0+$0xCA00];
	v7 =	vadd.f32 v11, v7  }
0x2be: {  	v5 =	vadd.f32 v6, v5;
	v6 =	vld [tilespmem:s1+$0xC100]  }
0x2bf: {  	v11 =	vld [tilespmem:s1+$0xC400];
	v7 =	vadd.f32 v12, v7  }
0x2c0: {  	v12 =	vld [tilespmem:s1+$0xC280];
	v5 =	vadd.f32 v15, v5  }
0x2c1: {  	s30 =	simm.s32 $0xB520;
	v15 =	vld [tilespmem:s4+$0xB680];
	v7 =	vadd.f32 v14, v7  }
0x2c2: {  	v14 =	vld [tilespmem:s30+$0x0];
	v5 =	vadd.f32 v17, v5  }
0x2c3: {  	v9 =	vld [tilespmem:s0+$0xCB80];
	v6 =	vadd.f32 v6, v7  }
0x2c4: {  	s26 =	simm.s32 $0x1BF00;
	v7 =	vld [tilespmem:s1+$0xC580];
	v5 =	vadd.f32 v18, v5  }
0x2c5: {  	v10 =	vld [tilespmem:s26+$0x0];
	v6 =	vadd.f32 v12, v6  }
0x2c6: {  	v12 =	vld [tilespmem:s1+$0xC700];
	v5 =	vadd.f32 v61, v5  }
0x2c7: {  	v14 =	vadd.f32 v15, v14;
	v6 =	vadd.f32 v11, v6;
	v11 =	vld [tilespmem:s1+$0xC880]  }
0x2c8: {  	v5 =	vadd.f32 v8, v5;
	v8 =	vld [tilespmem:s4+$0xBB00]  }
0x2c9: {  	v14 =	vadd.f32 v62, v14;
	v6 =	vadd.f32 v7, v6;
	v7 =	vld [tilespmem:s1+$0xCA00]  }
0x2ca: {  	v5 =	vadd.f32 v9, v5;
	v9 =	vld [tilespmem:s4+$0xBC80]  }
0x2cb: {  	v14 =	vadd.f32 v63, v14;
	v6 =	vadd.f32 v12, v6;
	v12 =	vld [tilespmem:s1+$0xCB80]  }
0x2cc: {  	v10 =	vmul.f32 v10, v13;
	v5 =	vmul.f32 v5, v13;
	v13 =	vld [tilespmem:s4+$0xBE00]  }
0x2cd: {  	s8 =	simm.s32 $0x1BF10;
	v15 =	vld [tilespmem:s4+$0xBF80];
	v8 =	vadd.f32 v8, v14;
	v6 =	vadd.f32 v11, v6  }
0x2ce: {  	s9 =	simm.s32 $0x1C0A0;
	v14 =	vld [tilespmem:s8+$0x0];
	v10 =	vadd.f32 v10, v5  }
0x2cf: {  	v5 =	vld [tilespmem:s9+$0x0];
	v8 =	vadd.f32 v9, v8;
	v7 =	vadd.f32 v7, v6  }
0x2d0: {  	v9 =	vld [tilespmem:s4+$0xC100];
	v10 =	vadd.f32 v10, v4  }
0x2d1: {  	v6 =	vld [tilespmem:s4+$0xC400];
	v8 =	vadd.f32 v13, v8;
	v7 =	vadd.f32 v12, v7  }
0x2d2: {  	s31 =	simm.s32 $0x30;
	s5 =	simm.s32 $0x1C200;
	s11 =	simm.s32 $0xB530;
	v11 =	vmax.f32 v10, $0.0e+00;
	v10 =	vld [tilespmem:s4+$0xC280]  }
0x2d3: {  	s10 =	sand.u32 $0x1F0, s31;
	s12 =	simm.s32 $0x40;
	[tilespmem:s5+$0x0] =	vst v11;
	v11 =	vld [tilespmem:s11+$0x0];
	v12 =	vadd.f32 v15, v8;
	v7 =	vmul.f32 v7, v19;
	v8 =	vmul.f32 v14, v19  }
.LBB2_26:
0x2d4: {  	p3 =	sne.s32 s12, $0x170;
	v13 =	vld [tilespmem:s10+$0xB680];
	v14 =	vmov v5  }
0x2d5: {  	v5 =	vadd.f32 v9, v12;
	v9 =	vld [tilespmem:s4+$0xC580];
	v7 =	vadd.f32 v8, v7  }
0x2d6: {  	v8 =	vld [tilespmem:s10+$0xB800]  }
0x2d7: {  	v5 =	vadd.f32 v10, v5;
	v10 =	vld [tilespmem:s4+$0xC700];
	v7 =	vadd.f32 v7, v4  }
0x2d8: {  	v12 =	vld [tilespmem:s10+$0xB980]  }
0x2d9: {  	s5 =	sadd.s32 $0x10, s5;
	v11 =	vadd.f32 v13, v11;
	v5 =	vadd.f32 v6, v5;
	v6 =	vld [tilespmem:s4+$0xC880];
	v7 =	vmax.f32 v7, $0.0e+00  }
0x2da: {  	v13 =	vld [tilespmem:s10+$0xBB00];
	[tilespmem:s5+$0x0] =	vst v7  }
0x2db: {  	v7 =	vadd.f32 v8, v11;
	v5 =	vadd.f32 v9, v5;
	v8 =	vld [tilespmem:s4+$0xCA00]  }
0x2dc: {  	v9 =	vld [tilespmem:s10+$0xBC80]  }
0x2dd: {  	v7 =	vadd.f32 v12, v7;
	v5 =	vadd.f32 v10, v5;
	v10 =	vld [tilespmem:s4+$0xCB80];
	s4 =	smov.u32 s10  }
0x2de: {  	s8 =	sadd.s32 $0x10, s8;
	v11 =	vld [tilespmem:s4+$0xBE00]  }
0x2df: {  	v7 =	vadd.f32 v13, v7;
	v6 =	vadd.f32 v6, v5;
	v13 =	vld [tilespmem:s8+$0x0]  }
0x2e0: {  	s9 =	sadd.s32 $0x10, s9;
	v12 =	vld [tilespmem:s4+$0xBF80]  }
.Ltmp12:
0x2e1: {  	v7 =	vadd.f32 v9, v7;
	v5 =	vld [tilespmem:s9+$0x0];
	v8 =	vadd.f32 v8, v6;
	(pc) =	sbr.rel @p3 .LBB2_26-.Ltmp12, $4  }
0x2e2: {  	v9 =	vld [tilespmem:s4+$0xC100]  }
0x2e3: {  	v7 =	vadd.f32 v11, v7;
	v6 =	vld [tilespmem:s4+$0xC400];
	v8 =	vadd.f32 v10, v8  }
0x2e4: {  	s11 =	sadd.s32 $0x10, s11;
	v10 =	vld [tilespmem:s4+$0xC280]  }
0x2e5: {  	s10 =	sand.u32 $0x1F0, s12;
	s12 =	sadd.s32 $0x10, s12;
	v11 =	vld [tilespmem:s11+$0x0];
	v12 =	vadd.f32 v12, v7;
	v7 =	vmul.f32 v8, v14;
	v8 =	vmul.f32 v13, v14  }
0x2e6: {  	v13 =	vld [tilespmem:s10+$0xB680];
	_ =	sdelay $0x1  }
0x2e7: {  	v14 =	vld [tilespmem:s10+$0xB800];
	_ =	sdelay $0x1  }
0x2e8: {  	v15 =	vld [tilespmem:s10+$0xB980]  }
0x2e9: {  	v11 =	vadd.f32 v13, v11  }
0x2ea: {  	v40 =	vld [tilespmem:s10+$0xBB00]  }
0x2eb: {  	v11 =	vadd.f32 v14, v11  }
0x2ec: {  	v41 =	vld [tilespmem:s10+$0xBC80]  }
0x2ed: {  	v11 =	vadd.f32 v15, v11  }
0x2ee: {  	v42 =	vld [tilespmem:s10+$0xBE00]  }
0x2ef: {  	v11 =	vadd.f32 v40, v11  }
0x2f0: {  	v43 =	vld [tilespmem:s10+$0xBF80]  }
0x2f1: {  	v11 =	vadd.f32 v41, v11  }
0x2f2: {  	v44 =	vld [tilespmem:s10+$0xC100]  }
0x2f3: {  	v11 =	vadd.f32 v42, v11  }
0x2f4: {  	v45 =	vld [tilespmem:s10+$0xC280]  }
0x2f5: {  	v46 =	vld [tilespmem:s4+$0xC580];
	v11 =	vadd.f32 v43, v11  }
0x2f6: {  	v47 =	vld [tilespmem:s10+$0xC400];
	v9 =	vadd.f32 v9, v12  }
0x2f7: {  	v48 =	vld [tilespmem:s4+$0xC700];
	v11 =	vadd.f32 v44, v11  }
0x2f8: {  	v49 =	vld [tilespmem:s10+$0xC580];
	v9 =	vadd.f32 v10, v9  }
0x2f9: {  	v50 =	vld [tilespmem:s4+$0xC880];
	v11 =	vadd.f32 v45, v11  }
0x2fa: {  	v51 =	vld [tilespmem:s10+$0xC700];
	v6 =	vadd.f32 v6, v9  }
0x2fb: {  	v52 =	vld [tilespmem:s4+$0xCA00];
	v11 =	vadd.f32 v47, v11  }
0x2fc: {  	v53 =	vld [tilespmem:s10+$0xC880];
	v6 =	vadd.f32 v46, v6  }
0x2fd: {  	v54 =	vld [tilespmem:s4+$0xCB80];
	v10 =	vadd.f32 v49, v11  }
0x2fe: {  	v55 =	vld [tilespmem:s10+$0xCA00];
	v6 =	vadd.f32 v48, v6  }
0x2ff: {  	s0 =	sadd.s32 $0x10, s8;
	v57 =	vld [tilespmem:s10+$0xCB80];
	v9 =	vadd.f32 v51, v10  }
0x300: {  	s1 =	sadd.s32 $0x10, s9;
	v56 =	vld [tilespmem:s0+$0x0];
	v6 =	vadd.f32 v50, v6  }
0x301: {  	v58 =	vld [tilespmem:s1+$0x0];
	s0 =	sadd.s32 $0x10, s0;
	v9 =	vadd.f32 v53, v9  }
0x302: {  	v59 =	vld [tilespmem:s0+$0x0];
	v6 =	vadd.f32 v52, v6  }
0x303: {  	v9 =	vadd.f32 v55, v9  }
0x304: {  	v6 =	vadd.f32 v54, v6  }
0x305: {  	v9 =	vadd.f32 v57, v9  }
0x306: {  	v6 =	vmul.f32 v6, v5;
	v5 =	vmul.f32 v56, v5  }
0x307: {  	v7 =	vadd.f32 v8, v7;
	v61 =	vmul.f32 v59, v58;
	v60 =	vmul.f32 v9, v58  }
0x308: {  	v5 =	vadd.f32 v5, v6  }
0x309: {  	v62 =	vadd.f32 v7, v4;
	v63 =	vadd.f32 v61, v60  }
0x30a: {  	v5 =	vadd.f32 v5, v4  }
0x30b: {  	s29 =	sadd.s32 $0x10, s5;
	v6 =	vmax.f32 v62, $0.0e+00;
	v4 =	vadd.f32 v63, v4  }
0x30c: {  	s0 =	sadd.s32 $0x10, s29;
	[tilespmem:s29+$0x0] =	vst v6;
	v5 =	vmax.f32 v5, $0.0e+00  }
0x30d: {  	[tilespmem:s0+$0x0] =	vst v5;
	s0 =	sadd.s32 $0x10, s0;
	v4 =	vmax.f32 v4, $0.0e+00  }
0x30e: {  	[tilespmem:s0+$0x0] =	vst v4  }
0x30f: {  	s30 =	simm.s32 $0x1C200;
	s0 =	rddreg [dreg:$0x14]  }
0x310: {  	[hbm4b:s0+s2] =	stream.linear.scatter [tilespmem:s30], [sflag:$0x5], $0x180, $0x38;
	[tilespmem:$0x1DC00] =	vst v63  }
0x311: {  	_ =	swait.ge [sflag:s7], $0x180  }
0x312: {  	s3 =	sadd.s32 $0x1, s3;
	s31 =	rddreg [dreg:$0x15]  }
0x313: {  	p3 =	sne.s32 s3, s31  }
.Ltmp13:
0x314: {  	_ = 	snop;
	(pc) =	sbr.rel @p3 .LBB2_1-.Ltmp13, $4  }
.Ltmp14:
0x315: {  	_ = 	snop;
	(pc) =	sbr.rel @!p3 .LBB2_28-.Ltmp14, $4  }
0x316: {  	_ = 	snop  }
0x317: {  	[sflag:s7] =	ssyncset.done $0x0  }
0x318: {  	[sflag:s7] =	ssyncadd.s32 $0xFFFFFE80  }
0x319: {  	_ = 	snop  }
.LBB2_10:
.Ltmp15:
0x31a: {  	(pc) =	sbr.rel .LBB2_17-.Ltmp15, $2  }
0x31b: {  	_ =	sdelay $0x2  }
0x31c: {  	s28 =	simm.s32 $0x1BD80  }
.LBB2_12:
.Ltmp16:
0x31d: {  	(pc) =	sbr.rel .LBB2_17-.Ltmp16, $2  }
0x31e: {  	_ =	sdelay $0x2  }
0x31f: {  	s28 =	simm.s32 $0x1BD80  }
.LBB2_14:
.Ltmp17:
0x320: {  	_ = 	snop;
	(pc) =	sbr.rel .LBB2_17-.Ltmp17, $2  }
0x321: {  	_ =	sdelay $0x2  }
0x322: {  	s28 =	simm.s32 $0x1BD80;
	v5 =	vmov v6  }
.LBB2_28:
0x323: {  	_ =	sfence.sel $0x180000  }
0x324: {  	[bflag:$0x0] =	sbarrier.arrive $0xFFFF  }
0x325: {  	_ =	strace $0x90000047  }
0x326: {  	[bflag:$0x2] =	sbarrier.arrive $0xFFFF  }
0x327: {  	s0 =	rddreg [dreg:$0x5]  }
0x328: {  	s0 =	sadd.s32 @!p0 $0x100000, s0  }
0x329: {  	[sflag:s0] =	ssyncadd.tile.s32 @!p0 $0x1;
	_ =	shalt  }
.Lfunc_end2:
_tile_overlayer_lowered:
.L_overlay_start_2:
0x32a: {  	(tag) =	ssettag $0x2  }
0x32b: {  	s0 =	rddreg [dreg:$0x0];
	s2 =	stileid.u32  }
0x32c: {  	s1 =	rddreg [dreg:$0x1];
	p0 =	sne.s32 s2, $0x0  }
0x32d: {  	s3 =	rddreg [dreg:$0x2];
	[bflag:$0x3] =	sbarrier.arrive $0xFFFF;
	s2 =	simm.s32 @!p0 $0x1C05  }
0x32e: {  	[timem:s3], [sflag:s2] =	dma.local @!p0 [hbm:s0], s1  }
0x32f: {  	s0 =	simm.s32 @!p0 $0x5  }
0x330: {  	_ =	swait.ge @!p0 [sflag:s0], s1  }
0x331: {  	s1 =	ssub.s32 @!p0 $0x0, s1;
	[sflag:s0] =	ssyncset.done @!p0 $0x0  }
0x332: {  	[sflag:s0] =	ssyncadd.s32 @!p0 s1  }
0x333: {  	[bflag:$0x3] =	sbarrier.arrive $0xFFFF  }
0x334: {  	_ =	shalt  }

</sc_bundles>
